<compile_context>
chip_gen: v7x
topology: tpu7x:2x2x1
jax: 0.10.2.dev20260603
libtpu: 0.0.44.dev20260713+nightly
codegen_flags: <defaults>
</compile_context>

<pallas_src>
import functools

import jax
import jax.numpy as jnp
from jax import lax
from jax.experimental import pallas as pl
from jax.experimental.pallas import tpu as pltpu
from jax.experimental.pallas import tpu_sc as plsc

NC, NS, L = 2, 16, 16
NW = NC * NS
B, C, T = 1024, 1000, 10
NTILES = C // 8
TPW = 16
NSB = 128 // L
SC_BLOCKS = 4

_mesh = plsc.VectorSubcoreMesh(
    core_axis_name="c", subcore_axis_name="s", num_cores=NC, num_subcores=NS
)


@functools.partial(
    pl.kernel,
    out_type=jax.ShapeDtypeStruct((2 * NW, L), jnp.float32),
    mesh=_mesh,
    compiler_params=pltpu.CompilerParams(
        needs_layout_passes=False, use_tc_tiling_on_sc=True
    ),
    scratch_types=[
        pltpu.VMEM((8 * TPW, 128), jnp.float32),
        pltpu.VMEM((8 * TPW, 128), jnp.float32),
        pltpu.VMEM((T, 128), jnp.float32),
        pltpu.VMEM((T, 128), jnp.float32),
        pltpu.VMEM((T, 128), jnp.int32),
        pltpu.VMEM((L,), jnp.int32),
        pltpu.VMEM((L,), jnp.float32),
        pltpu.VMEM((L,), jnp.float32),
        pltpu.VMEM_SHARED((2 * T, 128), jnp.float32),
        pltpu.SemaphoreType.DMA,
        pltpu.SemaphoreType.DMA,
    ],
)
def _loss_kernel(xt_hbm, mt_hbm, tgt_hbm, out,
                 xa, ma, thb, pth, tbuf, idxb, avec, tvec,
                 shared, sem0, sem1):
    c = lax.axis_index("c")
    s = lax.axis_index("s")
    wid = s * NC + c
    blk = jnp.bitwise_and(s, 1)
    tc = c * 2 + blk
    q = jnp.right_shift(s, 1)
    ntiles = jnp.where(q < 5, 16, 15)
    tbase = jnp.where(q <= 5, 16 * q, 80 + 15 * (q - 5))
    fbase = jnp.minimum(tbase, NTILES - TPW)
    off = tbase - fbase
    col0 = 128 * tc

    pltpu.async_copy(
        xt_hbm.at[pl.ds(8 * fbase, 8 * TPW), pl.ds(col0, 128)],
        xa.at[pl.ds(0, 8 * TPW)], sem0)
    pltpu.async_copy(
        mt_hbm.at[pl.ds(8 * fbase, 8 * TPW), pl.ds(col0, 128)],
        ma.at[pl.ds(0, 8 * TPW)], sem1)

    pltpu.sync_copy(tgt_hbm.at[pl.ds(0, 8), pl.ds(col0, 128)], tbuf.at[pl.ds(0, 8)])
    pltpu.sync_copy(tgt_hbm.at[pl.ds(8, 2), pl.ds(col0, 128)], tbuf.at[pl.ds(8, 2)])

    zero = jnp.zeros((L,), jnp.float32)

    def zero_body(t, carry):
        for sb in range(NSB):
            thb[t, pl.ds(L * sb, L)] = zero
        return carry

    lax.fori_loop(0, T, zero_body, jnp.int32(0))

    lanes = lax.iota(jnp.int32, L)
    idxb[...] = lanes + T * blk

    def tgt_addr(t, sb):
        tg = tbuf[t, pl.ds(L * sb, L)]
        tl = jnp.right_shift(tg, 3) - tbase
        valid = jnp.logical_and(tl >= 0, tl < ntiles)
        idx = jnp.clip(tl + off, 0, TPW - 1)
        row = jnp.left_shift(idx, 3) + jnp.bitwise_and(tg, 7)
        return row, lanes + L * sb, valid

    pltpu.make_async_copy(
        xt_hbm.at[pl.ds(0, 8 * TPW), pl.ds(0, 128)],
        xa.at[pl.ds(0, 8 * TPW)], sem0).wait()

    def xg_body(t, carry):
        for sb in range(NSB):
            row, col, _ = tgt_addr(t, sb)
            pth[t, pl.ds(L * sb, L)] = plsc.load_gather(xa, [row, col])
        return carry

    lax.fori_loop(0, T, xg_body, jnp.int32(0))

    pltpu.make_async_copy(
        mt_hbm.at[pl.ds(0, 8 * TPW), pl.ds(0, 128)],
        ma.at[pl.ds(0, 8 * TPW)], sem1).wait()

    def mg_body(t, psum):
        for sb in range(NSB):
            row, col, valid = tgt_addr(t, sb)
            g = pth[t, pl.ds(L * sb, L)] - plsc.load_gather(ma, [row, col])
            psum = psum + jnp.where(valid, g, 0.0)
            pth[t, pl.ds(L * sb, L)] = jnp.where(valid, g - 1.0, 0.0)
        return psum

    psum = lax.fori_loop(0, T, mg_body, zero)

    @pl.when(q == 0)
    def _():
        pltpu.sync_copy(thb, shared.at[pl.ds(T * blk, T)])
    plsc.subcore_barrier()
    pltpu.sync_copy(pth, shared.at[idxb.at[pl.ds(0, T)]], add=True)
    plsc.subcore_barrier()
    pltpu.sync_copy(shared.at[pl.ds(T * blk, T)], thb)

    def tile_body(i, accs):
        base = jnp.left_shift(i, 3)

        def sb_body(sb, accs):
            accs = list(accs)
            ths = [thb[t, pl.ds(L * sb, L)] for t in range(T)]
            for r in range(8):
                s_ = xa[base + r, pl.ds(L * sb, L)] - ma[base + r, pl.ds(L * sb, L)]
                for t in range(T):
                    accs[t] = accs[t] + jnp.maximum(s_, ths[t])
            return tuple(accs)

        return lax.fori_loop(0, NSB, sb_body, accs)

    accs = lax.fori_loop(off, off + ntiles, tile_body,
                         tuple(zero for _ in range(T)))

    acc = accs[0]
    for t in range(1, T):
        acc = acc + accs[t]
    avec[...] = acc
    tvec[...] = psum * jnp.float32(-C)
    pltpu.sync_copy(avec, out.at[wid])
    pltpu.sync_copy(tvec, out.at[NW + wid])


TC_COLS = 128 * (8 - SC_BLOCKS)


def _tc_body(x_ref, m_ref, tgt_ref, o_ref):
    d = x_ref[...] - m_ref[...]
    j = lax.broadcasted_iota(jnp.int32, (C, 1), 0)
    acc = jnp.float32(0.0)
    gsum = jnp.float32(0.0)
    for t in range(T):
        tg = tgt_ref[t, :][None, :]
        g = jnp.sum(jnp.where(j == tg, d, 0.0), axis=0)
        th = g - 1.0
        acc = acc + jnp.sum(jnp.maximum(d, th[None, :]))
        gsum = gsum + jnp.sum(g)
    o_ref[...] = jnp.full((8, 128), acc - jnp.float32(C) * gsum, jnp.float32)


_tc_call = pl.pallas_call(
    _tc_body,
    grid=(1,),
    in_specs=[
        pl.BlockSpec((C, TC_COLS), lambda i: (0, SC_BLOCKS * 128 // TC_COLS)),
        pl.BlockSpec((C, TC_COLS), lambda i: (0, SC_BLOCKS * 128 // TC_COLS)),
        pl.BlockSpec((T, TC_COLS), lambda i: (0, SC_BLOCKS * 128 // TC_COLS)),
    ],
    out_specs=pl.BlockSpec((8, 128), lambda i: (0, 0)),
    out_shape=jax.ShapeDtypeStruct((8, 128), jnp.float32),
)


def kernel(input_data, target, adaptive_margin):
    xt = input_data.T
    mt = adaptive_margin.T
    tgtT = target.astype(jnp.int32).T
    sc_out = _loss_kernel(xt, mt, tgtT)
    tc_out = _tc_call(xt, mt, tgtT)
    total = jnp.sum(sc_out) + tc_out[0, 0] + jnp.float32((C - 1) * B * T)
    return total / jnp.float32(C)

# --- scband reference (transcript-rebuilt; emitter-appended) ---
"""Pipeline reference for scband-multi-label-adaptive-margin-loss-73014444032080 (READ-ONLY COPY).

The authoritative reference and input builder live on the scoring server;
editing this copy changes nothing except your own understanding.
"""

import jax, jax.numpy as jnp
import numpy as np


def setup_inputs(seed: int = 0) -> dict:
    key = jax.random.key(seed)
    k1, k2, k3 = jax.random.split(key, 3)
    input_data = jax.random.normal(k1, (1024, 1000), dtype=jnp.float32)
    adaptive_margin = jax.random.uniform(k2, (1024, 1000), dtype=jnp.float32)
    target = jax.random.randint(k3, (1024, 10), 0, 1000).astype(jnp.int64)
    return {"input_data": input_data, "target": target, "adaptive_margin": adaptive_margin}


def reference(input_data, target, adaptive_margin):
    # Vectorized, faithful translation of the per-sample / per-target loops:
    # for each sample b, for each valid target t (target > -1), over all classes j != t:
    #   different = 1 + (margin[b,t] - margin[b,j]) - (input[b,t] - input[b,j])
    #   loss += sum(relu(different))
    # loss /= num_classes   (size_average=False default)
    B, C = input_data.shape
    valid = target > -1                                  # [B, T]
    safe_t = jnp.where(valid, target, 0)                 # [B, T]
    m_t = jnp.take_along_axis(adaptive_margin, safe_t, axis=1)  # [B, T]
    x_t = jnp.take_along_axis(input_data, safe_t, axis=1)       # [B, T]
    different = 1.0 + (m_t[:, :, None] - adaptive_margin[:, None, :]) \
                - (x_t[:, :, None] - input_data[:, None, :])     # [B, T, C]
    relu = jnp.maximum(different, 0.0)
    j = jnp.arange(C)
    excl_self = j[None, None, :] == safe_t[:, :, None]   # mask j == target class
    relu = jnp.where(excl_self, 0.0, relu)
    relu = jnp.where(valid[:, :, None], relu, 0.0)       # drop padded (-1) targets
    loss_data = jnp.sum(relu) / C
    return loss_data

if __name__ == "__main__":
    import jax
    _d = setup_inputs()
    print(jax.jit(kernel)(*tuple(_d.values())))

</pallas_src>

<mosaic_0001>
#map = affine_map<(d0, d1) -> (0, 0)>
module attributes {stable_mosaic.version = 14 : i64} {
  func.func @_loss_kernel(%arg0: i32, %arg1: i32, %arg2: memref<1000x1024xf32, #tpu.memory_space<hbm>>, %arg3: memref<1000x1024xf32, #tpu.memory_space<hbm>>, %arg4: memref<10x1024xi32, #tpu.memory_space<hbm>>, %arg5: memref<64x16xf32, #tpu.memory_space<hbm>>, %arg6: memref<128x128xf32, #tpu.memory_space<vmem>>, %arg7: memref<128x128xf32, #tpu.memory_space<vmem>>, %arg8: memref<10x128xf32, #tpu.memory_space<vmem>>, %arg9: memref<10x128xf32, #tpu.memory_space<vmem>>, %arg10: memref<10x128xi32, #tpu.memory_space<vmem>>, %arg11: memref<16xi32, #tpu.memory_space<vmem>>, %arg12: memref<16xf32, #tpu.memory_space<vmem>>, %arg13: memref<16xf32, #tpu.memory_space<vmem>>, %arg14: memref<20x128xf32, #tpu.memory_space<vmem_shared>>, %arg15: memref<!tpu.dma_semaphore, #tpu.memory_space<semaphore_mem>>, %arg16: memref<!tpu.dma_semaphore, #tpu.memory_space<semaphore_mem>>) attributes {dimension_semantics = [#tpu.dimension_semantics<core_parallel>, #tpu.dimension_semantics<subcore_parallel>], iteration_bounds = array<i64: 2, 16>, scalar_prefetch = 0 : i64, scratch_operands = 11 : i64, tpu.core_type = #tpu.core_type<sc_vector_subcore>, window_params = [{transform_indices = #map}, {transform_indices = #map}, {transform_indices = #map}, {transform_indices = #map}]} {
    %mul3A = arith.constant 2 : i32
    %mul3A_0 = arith.muli %arg1, %mul3A : i32
    %add3A = arith.addi %mul3A_0, %arg0 : i32
    %and3A = arith.constant 1 : i32
    %and3A_1 = arith.andi %arg1, %and3A : i32
    %mul3A_2 = arith.constant 2 : i32
    %mul3A_3 = arith.muli %arg0, %mul3A_2 : i32
    %add3A_4 = arith.addi %mul3A_3, %and3A_1 : i32
    %shift_right_arithmetic3A = arith.constant 1 : i32
    %shift_right_arithmetic3A_5 = arith.shrsi %arg1, %shift_right_arithmetic3A : i32
    %lt3A = arith.constant 5 : i32
    %lt3A_6 = arith.cmpi slt, %shift_right_arithmetic3A_5, %lt3A : i32
    %jit3A = arith.constant 16 : i32
    %jit3A_7 = arith.constant 15 : i32
    %select_n3A = arith.select %lt3A_6, %jit3A, %jit3A_7 : i32
    %le3A = arith.constant 5 : i32
    %le3A_8 = arith.cmpi sle, %shift_right_arithmetic3A_5, %le3A : i32
    %mul3A_9 = arith.constant 16 : i32
    %mul3A_10 = arith.muli %mul3A_9, %shift_right_arithmetic3A_5 : i32
    %sub3A = arith.constant 5 : i32
    %sub3A_11 = arith.subi %shift_right_arithmetic3A_5, %sub3A : i32
    %mul3A_12 = arith.constant 15 : i32
    %mul3A_13 = arith.muli %mul3A_12, %sub3A_11 : i32
    %add3A_14 = arith.constant 80 : i32
    %add3A_15 = arith.addi %add3A_14, %mul3A_13 : i32
    %select_n3A_16 = arith.select %le3A_8, %mul3A_10, %add3A_15 : i32
    %min3A = arith.constant 109 : i32
    %min3A_17 = arith.minsi %select_n3A_16, %min3A : i32
    %sub3A_18 = arith.subi %select_n3A_16, %min3A_17 : i32
    %mul3A_19 = arith.constant 128 : i32
    %mul3A_20 = arith.muli %mul3A_19, %add3A_4 : i32
    %mul3A_21 = arith.constant 8 : i32
    %mul3A_22 = arith.muli %mul3A_21, %min3A_17 : i32
    %dma_start3A = arith.constant 0 : i32
    %dma_start3A_23 = arith.constant 0 : i32
    %dma_start3A_24 = tpu.memref_slice %arg6[%dma_start3A, %dma_start3A_23] : memref<128x128xf32, #tpu.memory_space<vmem>> -> memref<128x128xf32, #tpu.memory_space<vmem>>
    %dma_start3A_25 = tpu.memref_slice %arg2[%mul3A_22, %mul3A_20] : memref<1000x1024xf32, #tpu.memory_space<hbm>> -> memref<128x128xf32, #tpu.memory_space<hbm>>
    %dma_start3A_26 = arith.constant 0 : i32
    %dma_start3A_27 = arith.constant 0 : i32
    %dma_start3A_28 = tpu.memref_slice %arg6[%dma_start3A_26, %dma_start3A_27] : memref<128x128xf32, #tpu.memory_space<vmem>> -> memref<128x128xf32, #tpu.memory_space<vmem>>
    %dma_start3A_29 = tpu.memref_slice %arg2[%mul3A_22, %mul3A_20] : memref<1000x1024xf32, #tpu.memory_space<hbm>> -> memref<128x128xf32, #tpu.memory_space<hbm>>
    tpu.enqueue_dma source(%dma_start3A_29 : memref<128x128xf32, #tpu.memory_space<hbm>>) target(%dma_start3A_28 : memref<128x128xf32, #tpu.memory_space<vmem>>) target_semaphore(%arg15 : memref<!tpu.dma_semaphore, #tpu.memory_space<semaphore_mem>>)
    %mul3A_30 = arith.constant 8 : i32
    %mul3A_31 = arith.muli %mul3A_30, %min3A_17 : i32
    %dma_start3A_32 = arith.constant 0 : i32
    %dma_start3A_33 = arith.constant 0 : i32
    %dma_start3A_34 = tpu.memref_slice %arg7[%dma_start3A_32, %dma_start3A_33] : memref<128x128xf32, #tpu.memory_space<vmem>> -> memref<128x128xf32, #tpu.memory_space<vmem>>
    %dma_start3A_35 = tpu.memref_slice %arg3[%mul3A_31, %mul3A_20] : memref<1000x1024xf32, #tpu.memory_space<hbm>> -> memref<128x128xf32, #tpu.memory_space<hbm>>
    %dma_start3A_36 = arith.constant 0 : i32
    %dma_start3A_37 = arith.constant 0 : i32
    %dma_start3A_38 = tpu.memref_slice %arg7[%dma_start3A_36, %dma_start3A_37] : memref<128x128xf32, #tpu.memory_space<vmem>> -> memref<128x128xf32, #tpu.memory_space<vmem>>
    %dma_start3A_39 = tpu.memref_slice %arg3[%mul3A_31, %mul3A_20] : memref<1000x1024xf32, #tpu.memory_space<hbm>> -> memref<128x128xf32, #tpu.memory_space<hbm>>
    tpu.enqueue_dma source(%dma_start3A_39 : memref<128x128xf32, #tpu.memory_space<hbm>>) target(%dma_start3A_38 : memref<128x128xf32, #tpu.memory_space<vmem>>) target_semaphore(%arg16 : memref<!tpu.dma_semaphore, #tpu.memory_space<semaphore_mem>>)
    "tpu.region"() ({
      %run_scoped3A = tpu.sem_alloc : memref<!tpu.dma_semaphore, #tpu.memory_space<semaphore_mem>>
      %dma_start3A_119 = arith.constant 0 : i32
      %dma_start3A_120 = arith.constant 0 : i32
      %dma_start3A_121 = tpu.memref_slice %arg10[%dma_start3A_119, %dma_start3A_120] : memref<10x128xi32, #tpu.memory_space<vmem>> -> memref<8x128xi32, #tpu.memory_space<vmem>>
      %dma_start3A_122 = arith.constant 0 : i32
      %dma_start3A_123 = tpu.memref_slice %arg4[%dma_start3A_122, %mul3A_20] : memref<10x1024xi32, #tpu.memory_space<hbm>> -> memref<8x128xi32, #tpu.memory_space<hbm>>
      %dma_start3A_124 = arith.constant 0 : i32
      %dma_start3A_125 = arith.constant 0 : i32
      %dma_start3A_126 = tpu.memref_slice %arg10[%dma_start3A_124, %dma_start3A_125] : memref<10x128xi32, #tpu.memory_space<vmem>> -> memref<8x128xi32, #tpu.memory_space<vmem>>
      %dma_start3A_127 = arith.constant 0 : i32
      %dma_start3A_128 = tpu.memref_slice %arg4[%dma_start3A_127, %mul3A_20] : memref<10x1024xi32, #tpu.memory_space<hbm>> -> memref<8x128xi32, #tpu.memory_space<hbm>>
      tpu.enqueue_dma source(%dma_start3A_128 : memref<8x128xi32, #tpu.memory_space<hbm>>) target(%dma_start3A_126 : memref<8x128xi32, #tpu.memory_space<vmem>>) target_semaphore(%run_scoped3A : memref<!tpu.dma_semaphore, #tpu.memory_space<semaphore_mem>>)
      %dma_wait3A_129 = arith.constant 0 : i32
      %dma_wait3A_130 = arith.constant 0 : i32
      %dma_wait3A_131 = tpu.memref_slice %arg10[%dma_wait3A_129, %dma_wait3A_130] : memref<10x128xi32, #tpu.memory_space<vmem>> -> memref<8x128xi32, #tpu.memory_space<vmem>>
      %dma_wait3A_132 = arith.constant 0 : i32
      %dma_wait3A_133 = tpu.memref_slice %arg4[%dma_wait3A_132, %mul3A_20] : memref<10x1024xi32, #tpu.memory_space<hbm>> -> memref<8x128xi32, #tpu.memory_space<hbm>>
      %dma_wait3A_134 = arith.constant 0 : i32
      %dma_wait3A_135 = arith.constant 0 : i32
      %dma_wait3A_136 = tpu.memref_slice %arg10[%dma_wait3A_134, %dma_wait3A_135] : memref<10x128xi32, #tpu.memory_space<vmem>> -> memref<8x128xi32, #tpu.memory_space<vmem>>
      %dma_wait3A_137 = arith.constant 0 : i32
      %dma_wait3A_138 = tpu.memref_slice %arg4[%dma_wait3A_137, %mul3A_20] : memref<10x1024xi32, #tpu.memory_space<hbm>> -> memref<8x128xi32, #tpu.memory_space<hbm>>
      tpu.wait_dma2 semaphore(%run_scoped3A : memref<!tpu.dma_semaphore, #tpu.memory_space<semaphore_mem>>) src(%dma_wait3A_138 : memref<8x128xi32, #tpu.memory_space<hbm>>) dst(%dma_wait3A_136 : memref<8x128xi32, #tpu.memory_space<vmem>>)
      tpu.yield
    }) : () -> ()
    "tpu.region"() ({
      %run_scoped3A = tpu.sem_alloc : memref<!tpu.dma_semaphore, #tpu.memory_space<semaphore_mem>>
      %dma_start3A_119 = arith.constant 8 : i32
      %dma_start3A_120 = arith.constant 0 : i32
      %dma_start3A_121 = tpu.memref_slice %arg10[%dma_start3A_119, %dma_start3A_120] : memref<10x128xi32, #tpu.memory_space<vmem>> -> memref<2x128xi32, #tpu.memory_space<vmem>>
      %dma_start3A_122 = arith.constant 8 : i32
      %dma_start3A_123 = tpu.memref_slice %arg4[%dma_start3A_122, %mul3A_20] : memref<10x1024xi32, #tpu.memory_space<hbm>> -> memref<2x128xi32, #tpu.memory_space<hbm>>
      %dma_start3A_124 = arith.constant 8 : i32
      %dma_start3A_125 = arith.constant 0 : i32
      %dma_start3A_126 = tpu.memref_slice %arg10[%dma_start3A_124, %dma_start3A_125] : memref<10x128xi32, #tpu.memory_space<vmem>> -> memref<2x128xi32, #tpu.memory_space<vmem>>
      %dma_start3A_127 = arith.constant 8 : i32
      %dma_start3A_128 = tpu.memref_slice %arg4[%dma_start3A_127, %mul3A_20] : memref<10x1024xi32, #tpu.memory_space<hbm>> -> memref<2x128xi32, #tpu.memory_space<hbm>>
      tpu.enqueue_dma source(%dma_start3A_128 : memref<2x128xi32, #tpu.memory_space<hbm>>) target(%dma_start3A_126 : memref<2x128xi32, #tpu.memory_space<vmem>>) target_semaphore(%run_scoped3A : memref<!tpu.dma_semaphore, #tpu.memory_space<semaphore_mem>>)
      %dma_wait3A_129 = arith.constant 8 : i32
      %dma_wait3A_130 = arith.constant 0 : i32
      %dma_wait3A_131 = tpu.memref_slice %arg10[%dma_wait3A_129, %dma_wait3A_130] : memref<10x128xi32, #tpu.memory_space<vmem>> -> memref<2x128xi32, #tpu.memory_space<vmem>>
      %dma_wait3A_132 = arith.constant 8 : i32
      %dma_wait3A_133 = tpu.memref_slice %arg4[%dma_wait3A_132, %mul3A_20] : memref<10x1024xi32, #tpu.memory_space<hbm>> -> memref<2x128xi32, #tpu.memory_space<hbm>>
      %dma_wait3A_134 = arith.constant 8 : i32
      %dma_wait3A_135 = arith.constant 0 : i32
      %dma_wait3A_136 = tpu.memref_slice %arg10[%dma_wait3A_134, %dma_wait3A_135] : memref<10x128xi32, #tpu.memory_space<vmem>> -> memref<2x128xi32, #tpu.memory_space<vmem>>
      %dma_wait3A_137 = arith.constant 8 : i32
      %dma_wait3A_138 = tpu.memref_slice %arg4[%dma_wait3A_137, %mul3A_20] : memref<10x1024xi32, #tpu.memory_space<hbm>> -> memref<2x128xi32, #tpu.memory_space<hbm>>
      tpu.wait_dma2 semaphore(%run_scoped3A : memref<!tpu.dma_semaphore, #tpu.memory_space<semaphore_mem>>) src(%dma_wait3A_138 : memref<2x128xi32, #tpu.memory_space<hbm>>) dst(%dma_wait3A_136 : memref<2x128xi32, #tpu.memory_space<vmem>>)
      tpu.yield
    }) : () -> ()
    %broadcast_in_dim3A = arith.constant 0.000000e+00 : f32
    %broadcast_in_dim3A_40 = vector.broadcast %broadcast_in_dim3A : f32 to vector<16xf32>
    %scan3A = arith.constant 0 : i32
    %scan3A_41 = arith.constant 0 : i32
    %scan3A_42 = arith.constant 10 : i32
    %scan3A_43 = arith.addi %scan3A_41, %scan3A_42 : i32
    %scan3A_44 = arith.constant 1 : i32
    scf.for %scan3A_119 = %scan3A_41 to %scan3A_43 step %scan3A_44  : i32 {
      %swap3A_120 = arith.index_cast %scan3A_119 : i32 to index
      %swap3A_121 = arith.constant 0 : index
      %swap3A_122 = tpu.vector_load %arg8[%swap3A_120, %swap3A_121] {strides = array<i32>} : memref<10x128xf32, #tpu.memory_space<vmem>>, vector<16xf32>,
      tpu.vector_store %arg8[%swap3A_120, %swap3A_121], %broadcast_in_dim3A_40 {strides = array<i32>} : memref<10x128xf32, #tpu.memory_space<vmem>>, vector<16xf32>,
      %swap3A_123 = arith.index_cast %scan3A_119 : i32 to index
      %swap3A_124 = arith.constant 16 : index
      %swap3A_125 = tpu.vector_load %arg8[%swap3A_123, %swap3A_124] {strides = array<i32>} : memref<10x128xf32, #tpu.memory_space<vmem>>, vector<16xf32>,
      tpu.vector_store %arg8[%swap3A_123, %swap3A_124], %broadcast_in_dim3A_40 {strides = array<i32>} : memref<10x128xf32, #tpu.memory_space<vmem>>, vector<16xf32>,
      %swap3A_126 = arith.index_cast %scan3A_119 : i32 to index
      %swap3A_127 = arith.constant 32 : index
      %swap3A_128 = tpu.vector_load %arg8[%swap3A_126, %swap3A_127] {strides = array<i32>} : memref<10x128xf32, #tpu.memory_space<vmem>>, vector<16xf32>,
      tpu.vector_store %arg8[%swap3A_126, %swap3A_127], %broadcast_in_dim3A_40 {strides = array<i32>} : memref<10x128xf32, #tpu.memory_space<vmem>>, vector<16xf32>,
      %swap3A_129 = arith.index_cast %scan3A_119 : i32 to index
      %swap3A_130 = arith.constant 48 : index
      %swap3A_131 = tpu.vector_load %arg8[%swap3A_129, %swap3A_130] {strides = array<i32>} : memref<10x128xf32, #tpu.memory_space<vmem>>, vector<16xf32>,
      tpu.vector_store %arg8[%swap3A_129, %swap3A_130], %broadcast_in_dim3A_40 {strides = array<i32>} : memref<10x128xf32, #tpu.memory_space<vmem>>, vector<16xf32>,
      %swap3A_132 = arith.index_cast %scan3A_119 : i32 to index
      %swap3A_133 = arith.constant 64 : index
      %swap3A_134 = tpu.vector_load %arg8[%swap3A_132, %swap3A_133] {strides = array<i32>} : memref<10x128xf32, #tpu.memory_space<vmem>>, vector<16xf32>,
      tpu.vector_store %arg8[%swap3A_132, %swap3A_133], %broadcast_in_dim3A_40 {strides = array<i32>} : memref<10x128xf32, #tpu.memory_space<vmem>>, vector<16xf32>,
      %swap3A_135 = arith.index_cast %scan3A_119 : i32 to index
      %swap3A_136 = arith.constant 80 : index
      %swap3A_137 = tpu.vector_load %arg8[%swap3A_135, %swap3A_136] {strides = array<i32>} : memref<10x128xf32, #tpu.memory_space<vmem>>, vector<16xf32>,
      tpu.vector_store %arg8[%swap3A_135, %swap3A_136], %broadcast_in_dim3A_40 {strides = array<i32>} : memref<10x128xf32, #tpu.memory_space<vmem>>, vector<16xf32>,
      %swap3A_138 = arith.index_cast %scan3A_119 : i32 to index
      %swap3A_139 = arith.constant 96 : index
      %swap3A_140 = tpu.vector_load %arg8[%swap3A_138, %swap3A_139] {strides = array<i32>} : memref<10x128xf32, #tpu.memory_space<vmem>>, vector<16xf32>,
      tpu.vector_store %arg8[%swap3A_138, %swap3A_139], %broadcast_in_dim3A_40 {strides = array<i32>} : memref<10x128xf32, #tpu.memory_space<vmem>>, vector<16xf32>,
      %swap3A_141 = arith.index_cast %scan3A_119 : i32 to index
      %swap3A_142 = arith.constant 112 : index
      %swap3A_143 = tpu.vector_load %arg8[%swap3A_141, %swap3A_142] {strides = array<i32>} : memref<10x128xf32, #tpu.memory_space<vmem>>, vector<16xf32>,
      tpu.vector_store %arg8[%swap3A_141, %swap3A_142], %broadcast_in_dim3A_40 {strides = array<i32>} : memref<10x128xf32, #tpu.memory_space<vmem>>, vector<16xf32>,
    }
    %scan3A_45 = arith.constant 10 : i32
    %iota3A = tpu.iota {dimensions = array<i32: 0>} : vector<16xi32>
    %mul3A_46 = arith.constant 10 : i32
    %mul3A_47 = arith.muli %mul3A_46, %and3A_1 : i32
    %add3A_48 = vector.broadcast %mul3A_47 : i32 to vector<16xi32>
    %add3A_49 = arith.addi %iota3A, %add3A_48 : vector<16xi32>
    %swap3A = arith.constant 0 : index
    %swap3A_50 = tpu.vector_load %arg11[%swap3A] {strides = array<i32>} : memref<16xi32, #tpu.memory_space<vmem>>, vector<16xi32>,
    tpu.vector_store %arg11[%swap3A], %add3A_49 {strides = array<i32>} : memref<16xi32, #tpu.memory_space<vmem>>, vector<16xi32>,
    %dma_wait3A = arith.constant 0 : i32
    %dma_wait3A_51 = arith.constant 0 : i32
    %dma_wait3A_52 = tpu.memref_slice %arg6[%dma_wait3A, %dma_wait3A_51] : memref<128x128xf32, #tpu.memory_space<vmem>> -> memref<128x128xf32, #tpu.memory_space<vmem>>
    %dma_wait3A_53 = arith.constant 0 : i32
    %dma_wait3A_54 = arith.constant 0 : i32
    %dma_wait3A_55 = tpu.memref_slice %arg2[%dma_wait3A_53, %dma_wait3A_54] : memref<1000x1024xf32, #tpu.memory_space<hbm>> -> memref<128x128xf32, #tpu.memory_space<hbm>>
    %dma_wait3A_56 = arith.constant 0 : i32
    %dma_wait3A_57 = arith.constant 0 : i32
    %dma_wait3A_58 = tpu.memref_slice %arg6[%dma_wait3A_56, %dma_wait3A_57] : memref<128x128xf32, #tpu.memory_space<vmem>> -> memref<128x128xf32, #tpu.memory_space<vmem>>
    %dma_wait3A_59 = arith.constant 0 : i32
    %dma_wait3A_60 = arith.constant 0 : i32
    %dma_wait3A_61 = tpu.memref_slice %arg2[%dma_wait3A_59, %dma_wait3A_60] : memref<1000x1024xf32, #tpu.memory_space<hbm>> -> memref<128x128xf32, #tpu.memory_space<hbm>>
    tpu.wait_dma2 semaphore(%arg15 : memref<!tpu.dma_semaphore, #tpu.memory_space<semaphore_mem>>) src(%dma_wait3A_61 : memref<128x128xf32, #tpu.memory_space<hbm>>) dst(%dma_wait3A_58 : memref<128x128xf32, #tpu.memory_space<vmem>>)
    %scan3A_62 = arith.constant 0 : i32
    %scan3A_63 = arith.constant 0 : i32
    %scan3A_64 = arith.constant 10 : i32
    %scan3A_65 = arith.addi %scan3A_63, %scan3A_64 : i32
    %scan3A_66 = arith.constant 1 : i32
    scf.for %scan3A_119 = %scan3A_63 to %scan3A_65 step %scan3A_66  : i32 {
      %get3A = arith.index_cast %scan3A_119 : i32 to index
      %get3A_120 = arith.constant 0 : index
      %get3A_121 = tpu.vector_load %arg10[%get3A, %get3A_120] {strides = array<i32>} : memref<10x128xi32, #tpu.memory_space<vmem>>, vector<16xi32>,
      %shift_right_arithmetic3A_122 = arith.constant 3 : i32
      %shift_right_arithmetic3A_123 = vector.broadcast %shift_right_arithmetic3A_122 : i32 to vector<16xi32>
      %shift_right_arithmetic3A_124 = arith.shrsi %get3A_121, %shift_right_arithmetic3A_123 : vector<16xi32>
      %sub3A_125 = vector.broadcast %select_n3A_16 : i32 to vector<16xi32>
      %sub3A_126 = arith.subi %shift_right_arithmetic3A_124, %sub3A_125 : vector<16xi32>
      %ge3A = arith.constant 0 : i32
      %ge3A_127 = vector.broadcast %ge3A : i32 to vector<16xi32>
      %ge3A_128 = arith.cmpi sge, %sub3A_126, %ge3A_127 : vector<16xi32>
      %lt3A_129 = vector.broadcast %select_n3A : i32 to vector<16xi32>
      %lt3A_130 = arith.cmpi slt, %sub3A_126, %lt3A_129 : vector<16xi32>
      %and3A_131 = arith.andi %ge3A_128, %lt3A_130 : vector<16xi1>
      %add3A_132 = vector.broadcast %sub3A_18 : i32 to vector<16xi32>
      %add3A_133 = arith.addi %sub3A_126, %add3A_132 : vector<16xi32>
      %jit3A_134 = arith.constant 0 : i32
      %jit3A_135 = arith.constant 15 : i32
      %max3A = vector.broadcast %jit3A_134 : i32 to vector<16xi32>
      %max3A_136 = arith.maxsi %max3A, %add3A_133 : vector<16xi32>
      %min3A_137 = vector.broadcast %jit3A_135 : i32 to vector<16xi32>
      %min3A_138 = arith.minsi %min3A_137, %max3A_136 : vector<16xi32>
      %shift_left3A = arith.constant 3 : i32
      %shift_left3A_139 = vector.broadcast %shift_left3A : i32 to vector<16xi32>
      %shift_left3A_140 = arith.shli %min3A_138, %shift_left3A_139 : vector<16xi32>
      %and3A_141 = arith.constant 7 : i32
      %and3A_142 = vector.broadcast %and3A_141 : i32 to vector<16xi32>
      %and3A_143 = arith.andi %get3A_121, %and3A_142 : vector<16xi32>
      %add3A_144 = arith.addi %shift_left3A_140, %and3A_143 : vector<16xi32>
      %add3A_145 = arith.constant 0 : i32
      %add3A_146 = vector.broadcast %add3A_145 : i32 to vector<16xi32>
      %add3A_147 = arith.addi %iota3A, %add3A_146 : vector<16xi32>
      %gather3A = tpu.vector_load_idx %arg6[%add3A_144, %add3A_147] : memref<128x128xf32, #tpu.memory_space<vmem>>[vector<16xi32>, vector<16xi32>], vector<16xf32>,
      %swap3A_148 = arith.index_cast %scan3A_119 : i32 to index
      %swap3A_149 = arith.constant 0 : index
      %swap3A_150 = tpu.vector_load %arg9[%swap3A_148, %swap3A_149] {strides = array<i32>} : memref<10x128xf32, #tpu.memory_space<vmem>>, vector<16xf32>,
      tpu.vector_store %arg9[%swap3A_148, %swap3A_149], %gather3A {strides = array<i32>} : memref<10x128xf32, #tpu.memory_space<vmem>>, vector<16xf32>,
      %get3A_151 = arith.index_cast %scan3A_119 : i32 to index
      %get3A_152 = arith.constant 16 : index
      %get3A_153 = tpu.vector_load %arg10[%get3A_151, %get3A_152] {strides = array<i32>} : memref<10x128xi32, #tpu.memory_space<vmem>>, vector<16xi32>,
      %shift_right_arithmetic3A_154 = arith.constant 3 : i32
      %shift_right_arithmetic3A_155 = vector.broadcast %shift_right_arithmetic3A_154 : i32 to vector<16xi32>
      %shift_right_arithmetic3A_156 = arith.shrsi %get3A_153, %shift_right_arithmetic3A_155 : vector<16xi32>
      %sub3A_157 = vector.broadcast %select_n3A_16 : i32 to vector<16xi32>
      %sub3A_158 = arith.subi %shift_right_arithmetic3A_156, %sub3A_157 : vector<16xi32>
      %ge3A_159 = arith.constant 0 : i32
      %ge3A_160 = vector.broadcast %ge3A_159 : i32 to vector<16xi32>
      %ge3A_161 = arith.cmpi sge, %sub3A_158, %ge3A_160 : vector<16xi32>
      %lt3A_162 = vector.broadcast %select_n3A : i32 to vector<16xi32>
      %lt3A_163 = arith.cmpi slt, %sub3A_158, %lt3A_162 : vector<16xi32>
      %and3A_164 = arith.andi %ge3A_161, %lt3A_163 : vector<16xi1>
      %add3A_165 = vector.broadcast %sub3A_18 : i32 to vector<16xi32>
      %add3A_166 = arith.addi %sub3A_158, %add3A_165 : vector<16xi32>
      %jit3A_167 = arith.constant 0 : i32
      %jit3A_168 = arith.constant 15 : i32
      %max3A_169 = vector.broadcast %jit3A_167 : i32 to vector<16xi32>
      %max3A_170 = arith.maxsi %max3A_169, %add3A_166 : vector<16xi32>
      %min3A_171 = vector.broadcast %jit3A_168 : i32 to vector<16xi32>
      %min3A_172 = arith.minsi %min3A_171, %max3A_170 : vector<16xi32>
      %shift_left3A_173 = arith.constant 3 : i32
      %shift_left3A_174 = vector.broadcast %shift_left3A_173 : i32 to vector<16xi32>
      %shift_left3A_175 = arith.shli %min3A_172, %shift_left3A_174 : vector<16xi32>
      %and3A_176 = arith.constant 7 : i32
      %and3A_177 = vector.broadcast %and3A_176 : i32 to vector<16xi32>
      %and3A_178 = arith.andi %get3A_153, %and3A_177 : vector<16xi32>
      %add3A_179 = arith.addi %shift_left3A_175, %and3A_178 : vector<16xi32>
      %add3A_180 = arith.constant 16 : i32
      %add3A_181 = vector.broadcast %add3A_180 : i32 to vector<16xi32>
      %add3A_182 = arith.addi %iota3A, %add3A_181 : vector<16xi32>
      %gather3A_183 = tpu.vector_load_idx %arg6[%add3A_179, %add3A_182] : memref<128x128xf32, #tpu.memory_space<vmem>>[vector<16xi32>, vector<16xi32>], vector<16xf32>,
      %swap3A_184 = arith.index_cast %scan3A_119 : i32 to index
      %swap3A_185 = arith.constant 16 : index
      %swap3A_186 = tpu.vector_load %arg9[%swap3A_184, %swap3A_185] {strides = array<i32>} : memref<10x128xf32, #tpu.memory_space<vmem>>, vector<16xf32>,
      tpu.vector_store %arg9[%swap3A_184, %swap3A_185], %gather3A_183 {strides = array<i32>} : memref<10x128xf32, #tpu.memory_space<vmem>>, vector<16xf32>,
      %get3A_187 = arith.index_cast %scan3A_119 : i32 to index
      %get3A_188 = arith.constant 32 : index
      %get3A_189 = tpu.vector_load %arg10[%get3A_187, %get3A_188] {strides = array<i32>} : memref<10x128xi32, #tpu.memory_space<vmem>>, vector<16xi32>,
      %shift_right_arithmetic3A_190 = arith.constant 3 : i32
      %shift_right_arithmetic3A_191 = vector.broadcast %shift_right_arithmetic3A_190 : i32 to vector<16xi32>
      %shift_right_arithmetic3A_192 = arith.shrsi %get3A_189, %shift_right_arithmetic3A_191 : vector<16xi32>
      %sub3A_193 = vector.broadcast %select_n3A_16 : i32 to vector<16xi32>
      %sub3A_194 = arith.subi %shift_right_arithmetic3A_192, %sub3A_193 : vector<16xi32>
      %ge3A_195 = arith.constant 0 : i32
      %ge3A_196 = vector.broadcast %ge3A_195 : i32 to vector<16xi32>
      %ge3A_197 = arith.cmpi sge, %sub3A_194, %ge3A_196 : vector<16xi32>
      %lt3A_198 = vector.broadcast %select_n3A : i32 to vector<16xi32>
      %lt3A_199 = arith.cmpi slt, %sub3A_194, %lt3A_198 : vector<16xi32>
      %and3A_200 = arith.andi %ge3A_197, %lt3A_199 : vector<16xi1>
      %add3A_201 = vector.broadcast %sub3A_18 : i32 to vector<16xi32>
      %add3A_202 = arith.addi %sub3A_194, %add3A_201 : vector<16xi32>
      %jit3A_203 = arith.constant 0 : i32
      %jit3A_204 = arith.constant 15 : i32
      %max3A_205 = vector.broadcast %jit3A_203 : i32 to vector<16xi32>
      %max3A_206 = arith.maxsi %max3A_205, %add3A_202 : vector<16xi32>
      %min3A_207 = vector.broadcast %jit3A_204 : i32 to vector<16xi32>
      %min3A_208 = arith.minsi %min3A_207, %max3A_206 : vector<16xi32>
      %shift_left3A_209 = arith.constant 3 : i32
      %shift_left3A_210 = vector.broadcast %shift_left3A_209 : i32 to vector<16xi32>
      %shift_left3A_211 = arith.shli %min3A_208, %shift_left3A_210 : vector<16xi32>
      %and3A_212 = arith.constant 7 : i32
      %and3A_213 = vector.broadcast %and3A_212 : i32 to vector<16xi32>
      %and3A_214 = arith.andi %get3A_189, %and3A_213 : vector<16xi32>
      %add3A_215 = arith.addi %shift_left3A_211, %and3A_214 : vector<16xi32>
      %add3A_216 = arith.constant 32 : i32
      %add3A_217 = vector.broadcast %add3A_216 : i32 to vector<16xi32>
      %add3A_218 = arith.addi %iota3A, %add3A_217 : vector<16xi32>
      %gather3A_219 = tpu.vector_load_idx %arg6[%add3A_215, %add3A_218] : memref<128x128xf32, #tpu.memory_space<vmem>>[vector<16xi32>, vector<16xi32>], vector<16xf32>,
      %swap3A_220 = arith.index_cast %scan3A_119 : i32 to index
      %swap3A_221 = arith.constant 32 : index
      %swap3A_222 = tpu.vector_load %arg9[%swap3A_220, %swap3A_221] {strides = array<i32>} : memref<10x128xf32, #tpu.memory_space<vmem>>, vector<16xf32>,
      tpu.vector_store %arg9[%swap3A_220, %swap3A_221], %gather3A_219 {strides = array<i32>} : memref<10x128xf32, #tpu.memory_space<vmem>>, vector<16xf32>,
      %get3A_223 = arith.index_cast %scan3A_119 : i32 to index
      %get3A_224 = arith.constant 48 : index
      %get3A_225 = tpu.vector_load %arg10[%get3A_223, %get3A_224] {strides = array<i32>} : memref<10x128xi32, #tpu.memory_space<vmem>>, vector<16xi32>,
      %shift_right_arithmetic3A_226 = arith.constant 3 : i32
      %shift_right_arithmetic3A_227 = vector.broadcast %shift_right_arithmetic3A_226 : i32 to vector<16xi32>
      %shift_right_arithmetic3A_228 = arith.shrsi %get3A_225, %shift_right_arithmetic3A_227 : vector<16xi32>
      %sub3A_229 = vector.broadcast %select_n3A_16 : i32 to vector<16xi32>
      %sub3A_230 = arith.subi %shift_right_arithmetic3A_228, %sub3A_229 : vector<16xi32>
      %ge3A_231 = arith.constant 0 : i32
      %ge3A_232 = vector.broadcast %ge3A_231 : i32 to vector<16xi32>
      %ge3A_233 = arith.cmpi sge, %sub3A_230, %ge3A_232 : vector<16xi32>
      %lt3A_234 = vector.broadcast %select_n3A : i32 to vector<16xi32>
      %lt3A_235 = arith.cmpi slt, %sub3A_230, %lt3A_234 : vector<16xi32>
      %and3A_236 = arith.andi %ge3A_233, %lt3A_235 : vector<16xi1>
      %add3A_237 = vector.broadcast %sub3A_18 : i32 to vector<16xi32>
      %add3A_238 = arith.addi %sub3A_230, %add3A_237 : vector<16xi32>
      %jit3A_239 = arith.constant 0 : i32
      %jit3A_240 = arith.constant 15 : i32
      %max3A_241 = vector.broadcast %jit3A_239 : i32 to vector<16xi32>
      %max3A_242 = arith.maxsi %max3A_241, %add3A_238 : vector<16xi32>
      %min3A_243 = vector.broadcast %jit3A_240 : i32 to vector<16xi32>
      %min3A_244 = arith.minsi %min3A_243, %max3A_242 : vector<16xi32>
      %shift_left3A_245 = arith.constant 3 : i32
      %shift_left3A_246 = vector.broadcast %shift_left3A_245 : i32 to vector<16xi32>
      %shift_left3A_247 = arith.shli %min3A_244, %shift_left3A_246 : vector<16xi32>
      %and3A_248 = arith.constant 7 : i32
      %and3A_249 = vector.broadcast %and3A_248 : i32 to vector<16xi32>
      %and3A_250 = arith.andi %get3A_225, %and3A_249 : vector<16xi32>
      %add3A_251 = arith.addi %shift_left3A_247, %and3A_250 : vector<16xi32>
      %add3A_252 = arith.constant 48 : i32
      %add3A_253 = vector.broadcast %add3A_252 : i32 to vector<16xi32>
      %add3A_254 = arith.addi %iota3A, %add3A_253 : vector<16xi32>
      %gather3A_255 = tpu.vector_load_idx %arg6[%add3A_251, %add3A_254] : memref<128x128xf32, #tpu.memory_space<vmem>>[vector<16xi32>, vector<16xi32>], vector<16xf32>,
      %swap3A_256 = arith.index_cast %scan3A_119 : i32 to index
      %swap3A_257 = arith.constant 48 : index
      %swap3A_258 = tpu.vector_load %arg9[%swap3A_256, %swap3A_257] {strides = array<i32>} : memref<10x128xf32, #tpu.memory_space<vmem>>, vector<16xf32>,
      tpu.vector_store %arg9[%swap3A_256, %swap3A_257], %gather3A_255 {strides = array<i32>} : memref<10x128xf32, #tpu.memory_space<vmem>>, vector<16xf32>,
      %get3A_259 = arith.index_cast %scan3A_119 : i32 to index
      %get3A_260 = arith.constant 64 : index
      %get3A_261 = tpu.vector_load %arg10[%get3A_259, %get3A_260] {strides = array<i32>} : memref<10x128xi32, #tpu.memory_space<vmem>>, vector<16xi32>,
      %shift_right_arithmetic3A_262 = arith.constant 3 : i32
      %shift_right_arithmetic3A_263 = vector.broadcast %shift_right_arithmetic3A_262 : i32 to vector<16xi32>
      %shift_right_arithmetic3A_264 = arith.shrsi %get3A_261, %shift_right_arithmetic3A_263 : vector<16xi32>
      %sub3A_265 = vector.broadcast %select_n3A_16 : i32 to vector<16xi32>
      %sub3A_266 = arith.subi %shift_right_arithmetic3A_264, %sub3A_265 : vector<16xi32>
      %ge3A_267 = arith.constant 0 : i32
      %ge3A_268 = vector.broadcast %ge3A_267 : i32 to vector<16xi32>
      %ge3A_269 = arith.cmpi sge, %sub3A_266, %ge3A_268 : vector<16xi32>
      %lt3A_270 = vector.broadcast %select_n3A : i32 to vector<16xi32>
      %lt3A_271 = arith.cmpi slt, %sub3A_266, %lt3A_270 : vector<16xi32>
      %and3A_272 = arith.andi %ge3A_269, %lt3A_271 : vector<16xi1>
      %add3A_273 = vector.broadcast %sub3A_18 : i32 to vector<16xi32>
      %add3A_274 = arith.addi %sub3A_266, %add3A_273 : vector<16xi32>
      %jit3A_275 = arith.constant 0 : i32
      %jit3A_276 = arith.constant 15 : i32
      %max3A_277 = vector.broadcast %jit3A_275 : i32 to vector<16xi32>
      %max3A_278 = arith.maxsi %max3A_277, %add3A_274 : vector<16xi32>
      %min3A_279 = vector.broadcast %jit3A_276 : i32 to vector<16xi32>
      %min3A_280 = arith.minsi %min3A_279, %max3A_278 : vector<16xi32>
      %shift_left3A_281 = arith.constant 3 : i32
      %shift_left3A_282 = vector.broadcast %shift_left3A_281 : i32 to vector<16xi32>
      %shift_left3A_283 = arith.shli %min3A_280, %shift_left3A_282 : vector<16xi32>
      %and3A_284 = arith.constant 7 : i32
      %and3A_285 = vector.broadcast %and3A_284 : i32 to vector<16xi32>
      %and3A_286 = arith.andi %get3A_261, %and3A_285 : vector<16xi32>
      %add3A_287 = arith.addi %shift_left3A_283, %and3A_286 : vector<16xi32>
      %add3A_288 = arith.constant 64 : i32
      %add3A_289 = vector.broadcast %add3A_288 : i32 to vector<16xi32>
      %add3A_290 = arith.addi %iota3A, %add3A_289 : vector<16xi32>
      %gather3A_291 = tpu.vector_load_idx %arg6[%add3A_287, %add3A_290] : memref<128x128xf32, #tpu.memory_space<vmem>>[vector<16xi32>, vector<16xi32>], vector<16xf32>,
      %swap3A_292 = arith.index_cast %scan3A_119 : i32 to index
      %swap3A_293 = arith.constant 64 : index
      %swap3A_294 = tpu.vector_load %arg9[%swap3A_292, %swap3A_293] {strides = array<i32>} : memref<10x128xf32, #tpu.memory_space<vmem>>, vector<16xf32>,
      tpu.vector_store %arg9[%swap3A_292, %swap3A_293], %gather3A_291 {strides = array<i32>} : memref<10x128xf32, #tpu.memory_space<vmem>>, vector<16xf32>,
      %get3A_295 = arith.index_cast %scan3A_119 : i32 to index
      %get3A_296 = arith.constant 80 : index
      %get3A_297 = tpu.vector_load %arg10[%get3A_295, %get3A_296] {strides = array<i32>} : memref<10x128xi32, #tpu.memory_space<vmem>>, vector<16xi32>,
      %shift_right_arithmetic3A_298 = arith.constant 3 : i32
      %shift_right_arithmetic3A_299 = vector.broadcast %shift_right_arithmetic3A_298 : i32 to vector<16xi32>
      %shift_right_arithmetic3A_300 = arith.shrsi %get3A_297, %shift_right_arithmetic3A_299 : vector<16xi32>
      %sub3A_301 = vector.broadcast %select_n3A_16 : i32 to vector<16xi32>
      %sub3A_302 = arith.subi %shift_right_arithmetic3A_300, %sub3A_301 : vector<16xi32>
      %ge3A_303 = arith.constant 0 : i32
      %ge3A_304 = vector.broadcast %ge3A_303 : i32 to vector<16xi32>
      %ge3A_305 = arith.cmpi sge, %sub3A_302, %ge3A_304 : vector<16xi32>
      %lt3A_306 = vector.broadcast %select_n3A : i32 to vector<16xi32>
      %lt3A_307 = arith.cmpi slt, %sub3A_302, %lt3A_306 : vector<16xi32>
      %and3A_308 = arith.andi %ge3A_305, %lt3A_307 : vector<16xi1>
      %add3A_309 = vector.broadcast %sub3A_18 : i32 to vector<16xi32>
      %add3A_310 = arith.addi %sub3A_302, %add3A_309 : vector<16xi32>
      %jit3A_311 = arith.constant 0 : i32
      %jit3A_312 = arith.constant 15 : i32
      %max3A_313 = vector.broadcast %jit3A_311 : i32 to vector<16xi32>
      %max3A_314 = arith.maxsi %max3A_313, %add3A_310 : vector<16xi32>
      %min3A_315 = vector.broadcast %jit3A_312 : i32 to vector<16xi32>
      %min3A_316 = arith.minsi %min3A_315, %max3A_314 : vector<16xi32>
      %shift_left3A_317 = arith.constant 3 : i32
      %shift_left3A_318 = vector.broadcast %shift_left3A_317 : i32 to vector<16xi32>
      %shift_left3A_319 = arith.shli %min3A_316, %shift_left3A_318 : vector<16xi32>
      %and3A_320 = arith.constant 7 : i32
      %and3A_321 = vector.broadcast %and3A_320 : i32 to vector<16xi32>
      %and3A_322 = arith.andi %get3A_297, %and3A_321 : vector<16xi32>
      %add3A_323 = arith.addi %shift_left3A_319, %and3A_322 : vector<16xi32>
      %add3A_324 = arith.constant 80 : i32
      %add3A_325 = vector.broadcast %add3A_324 : i32 to vector<16xi32>
      %add3A_326 = arith.addi %iota3A, %add3A_325 : vector<16xi32>
      %gather3A_327 = tpu.vector_load_idx %arg6[%add3A_323, %add3A_326] : memref<128x128xf32, #tpu.memory_space<vmem>>[vector<16xi32>, vector<16xi32>], vector<16xf32>,
      %swap3A_328 = arith.index_cast %scan3A_119 : i32 to index
      %swap3A_329 = arith.constant 80 : index
      %swap3A_330 = tpu.vector_load %arg9[%swap3A_328, %swap3A_329] {strides = array<i32>} : memref<10x128xf32, #tpu.memory_space<vmem>>, vector<16xf32>,
      tpu.vector_store %arg9[%swap3A_328, %swap3A_329], %gather3A_327 {strides = array<i32>} : memref<10x128xf32, #tpu.memory_space<vmem>>, vector<16xf32>,
      %get3A_331 = arith.index_cast %scan3A_119 : i32 to index
      %get3A_332 = arith.constant 96 : index
      %get3A_333 = tpu.vector_load %arg10[%get3A_331, %get3A_332] {strides = array<i32>} : memref<10x128xi32, #tpu.memory_space<vmem>>, vector<16xi32>,
      %shift_right_arithmetic3A_334 = arith.constant 3 : i32
      %shift_right_arithmetic3A_335 = vector.broadcast %shift_right_arithmetic3A_334 : i32 to vector<16xi32>
      %shift_right_arithmetic3A_336 = arith.shrsi %get3A_333, %shift_right_arithmetic3A_335 : vector<16xi32>
      %sub3A_337 = vector.broadcast %select_n3A_16 : i32 to vector<16xi32>
      %sub3A_338 = arith.subi %shift_right_arithmetic3A_336, %sub3A_337 : vector<16xi32>
      %ge3A_339 = arith.constant 0 : i32
      %ge3A_340 = vector.broadcast %ge3A_339 : i32 to vector<16xi32>
      %ge3A_341 = arith.cmpi sge, %sub3A_338, %ge3A_340 : vector<16xi32>
      %lt3A_342 = vector.broadcast %select_n3A : i32 to vector<16xi32>
      %lt3A_343 = arith.cmpi slt, %sub3A_338, %lt3A_342 : vector<16xi32>
      %and3A_344 = arith.andi %ge3A_341, %lt3A_343 : vector<16xi1>
      %add3A_345 = vector.broadcast %sub3A_18 : i32 to vector<16xi32>
      %add3A_346 = arith.addi %sub3A_338, %add3A_345 : vector<16xi32>
      %jit3A_347 = arith.constant 0 : i32
      %jit3A_348 = arith.constant 15 : i32
      %max3A_349 = vector.broadcast %jit3A_347 : i32 to vector<16xi32>
      %max3A_350 = arith.maxsi %max3A_349, %add3A_346 : vector<16xi32>
      %min3A_351 = vector.broadcast %jit3A_348 : i32 to vector<16xi32>
      %min3A_352 = arith.minsi %min3A_351, %max3A_350 : vector<16xi32>
      %shift_left3A_353 = arith.constant 3 : i32
      %shift_left3A_354 = vector.broadcast %shift_left3A_353 : i32 to vector<16xi32>
      %shift_left3A_355 = arith.shli %min3A_352, %shift_left3A_354 : vector<16xi32>
      %and3A_356 = arith.constant 7 : i32
      %and3A_357 = vector.broadcast %and3A_356 : i32 to vector<16xi32>
      %and3A_358 = arith.andi %get3A_333, %and3A_357 : vector<16xi32>
      %add3A_359 = arith.addi %shift_left3A_355, %and3A_358 : vector<16xi32>
      %add3A_360 = arith.constant 96 : i32
      %add3A_361 = vector.broadcast %add3A_360 : i32 to vector<16xi32>
      %add3A_362 = arith.addi %iota3A, %add3A_361 : vector<16xi32>
      %gather3A_363 = tpu.vector_load_idx %arg6[%add3A_359, %add3A_362] : memref<128x128xf32, #tpu.memory_space<vmem>>[vector<16xi32>, vector<16xi32>], vector<16xf32>,
      %swap3A_364 = arith.index_cast %scan3A_119 : i32 to index
      %swap3A_365 = arith.constant 96 : index
      %swap3A_366 = tpu.vector_load %arg9[%swap3A_364, %swap3A_365] {strides = array<i32>} : memref<10x128xf32, #tpu.memory_space<vmem>>, vector<16xf32>,
      tpu.vector_store %arg9[%swap3A_364, %swap3A_365], %gather3A_363 {strides = array<i32>} : memref<10x128xf32, #tpu.memory_space<vmem>>, vector<16xf32>,
      %get3A_367 = arith.index_cast %scan3A_119 : i32 to index
      %get3A_368 = arith.constant 112 : index
      %get3A_369 = tpu.vector_load %arg10[%get3A_367, %get3A_368] {strides = array<i32>} : memref<10x128xi32, #tpu.memory_space<vmem>>, vector<16xi32>,
      %shift_right_arithmetic3A_370 = arith.constant 3 : i32
      %shift_right_arithmetic3A_371 = vector.broadcast %shift_right_arithmetic3A_370 : i32 to vector<16xi32>
      %shift_right_arithmetic3A_372 = arith.shrsi %get3A_369, %shift_right_arithmetic3A_371 : vector<16xi32>
      %sub3A_373 = vector.broadcast %select_n3A_16 : i32 to vector<16xi32>
      %sub3A_374 = arith.subi %shift_right_arithmetic3A_372, %sub3A_373 : vector<16xi32>
      %ge3A_375 = arith.constant 0 : i32
      %ge3A_376 = vector.broadcast %ge3A_375 : i32 to vector<16xi32>
      %ge3A_377 = arith.cmpi sge, %sub3A_374, %ge3A_376 : vector<16xi32>
      %lt3A_378 = vector.broadcast %select_n3A : i32 to vector<16xi32>
      %lt3A_379 = arith.cmpi slt, %sub3A_374, %lt3A_378 : vector<16xi32>
      %and3A_380 = arith.andi %ge3A_377, %lt3A_379 : vector<16xi1>
      %add3A_381 = vector.broadcast %sub3A_18 : i32 to vector<16xi32>
      %add3A_382 = arith.addi %sub3A_374, %add3A_381 : vector<16xi32>
      %jit3A_383 = arith.constant 0 : i32
      %jit3A_384 = arith.constant 15 : i32
      %max3A_385 = vector.broadcast %jit3A_383 : i32 to vector<16xi32>
      %max3A_386 = arith.maxsi %max3A_385, %add3A_382 : vector<16xi32>
      %min3A_387 = vector.broadcast %jit3A_384 : i32 to vector<16xi32>
      %min3A_388 = arith.minsi %min3A_387, %max3A_386 : vector<16xi32>
      %shift_left3A_389 = arith.constant 3 : i32
      %shift_left3A_390 = vector.broadcast %shift_left3A_389 : i32 to vector<16xi32>
      %shift_left3A_391 = arith.shli %min3A_388, %shift_left3A_390 : vector<16xi32>
      %and3A_392 = arith.constant 7 : i32
      %and3A_393 = vector.broadcast %and3A_392 : i32 to vector<16xi32>
      %and3A_394 = arith.andi %get3A_369, %and3A_393 : vector<16xi32>
      %add3A_395 = arith.addi %shift_left3A_391, %and3A_394 : vector<16xi32>
      %add3A_396 = arith.constant 112 : i32
      %add3A_397 = vector.broadcast %add3A_396 : i32 to vector<16xi32>
      %add3A_398 = arith.addi %iota3A, %add3A_397 : vector<16xi32>
      %gather3A_399 = tpu.vector_load_idx %arg6[%add3A_395, %add3A_398] : memref<128x128xf32, #tpu.memory_space<vmem>>[vector<16xi32>, vector<16xi32>], vector<16xf32>,
      %swap3A_400 = arith.index_cast %scan3A_119 : i32 to index
      %swap3A_401 = arith.constant 112 : index
      %swap3A_402 = tpu.vector_load %arg9[%swap3A_400, %swap3A_401] {strides = array<i32>} : memref<10x128xf32, #tpu.memory_space<vmem>>, vector<16xf32>,
      tpu.vector_store %arg9[%swap3A_400, %swap3A_401], %gather3A_399 {strides = array<i32>} : memref<10x128xf32, #tpu.memory_space<vmem>>, vector<16xf32>,
    }
    %scan3A_67 = arith.constant 10 : i32
    %dma_wait3A_68 = arith.constant 0 : i32
    %dma_wait3A_69 = arith.constant 0 : i32
    %dma_wait3A_70 = tpu.memref_slice %arg7[%dma_wait3A_68, %dma_wait3A_69] : memref<128x128xf32, #tpu.memory_space<vmem>> -> memref<128x128xf32, #tpu.memory_space<vmem>>
    %dma_wait3A_71 = arith.constant 0 : i32
    %dma_wait3A_72 = arith.constant 0 : i32
    %dma_wait3A_73 = tpu.memref_slice %arg3[%dma_wait3A_71, %dma_wait3A_72] : memref<1000x1024xf32, #tpu.memory_space<hbm>> -> memref<128x128xf32, #tpu.memory_space<hbm>>
    %dma_wait3A_74 = arith.constant 0 : i32
    %dma_wait3A_75 = arith.constant 0 : i32
    %dma_wait3A_76 = tpu.memref_slice %arg7[%dma_wait3A_74, %dma_wait3A_75] : memref<128x128xf32, #tpu.memory_space<vmem>> -> memref<128x128xf32, #tpu.memory_space<vmem>>
    %dma_wait3A_77 = arith.constant 0 : i32
    %dma_wait3A_78 = arith.constant 0 : i32
    %dma_wait3A_79 = tpu.memref_slice %arg3[%dma_wait3A_77, %dma_wait3A_78] : memref<1000x1024xf32, #tpu.memory_space<hbm>> -> memref<128x128xf32, #tpu.memory_space<hbm>>
    tpu.wait_dma2 semaphore(%arg16 : memref<!tpu.dma_semaphore, #tpu.memory_space<semaphore_mem>>) src(%dma_wait3A_79 : memref<128x128xf32, #tpu.memory_space<hbm>>) dst(%dma_wait3A_76 : memref<128x128xf32, #tpu.memory_space<vmem>>)
    %scan3A_80 = arith.constant 0 : i32
    %scan3A_81 = arith.constant 10 : i32
    %scan3A_82 = arith.addi %scan3A_80, %scan3A_81 : i32
    %scan3A_83 = arith.constant 1 : i32
    %scan3A_84 = scf.for %scan3A_119 = %scan3A_80 to %scan3A_82 step %scan3A_83 iter_args(%scan3A_120 = %broadcast_in_dim3A_40) -> (vector<16xf32>)  : i32 {
      %get3A = arith.index_cast %scan3A_119 : i32 to index
      %get3A_121 = arith.constant 0 : index
      %get3A_122 = tpu.vector_load %arg10[%get3A, %get3A_121] {strides = array<i32>} : memref<10x128xi32, #tpu.memory_space<vmem>>, vector<16xi32>,
      %shift_right_arithmetic3A_123 = arith.constant 3 : i32
      %shift_right_arithmetic3A_124 = vector.broadcast %shift_right_arithmetic3A_123 : i32 to vector<16xi32>
      %shift_right_arithmetic3A_125 = arith.shrsi %get3A_122, %shift_right_arithmetic3A_124 : vector<16xi32>
      %sub3A_126 = vector.broadcast %select_n3A_16 : i32 to vector<16xi32>
      %sub3A_127 = arith.subi %shift_right_arithmetic3A_125, %sub3A_126 : vector<16xi32>
      %ge3A = arith.constant 0 : i32
      %ge3A_128 = vector.broadcast %ge3A : i32 to vector<16xi32>
      %ge3A_129 = arith.cmpi sge, %sub3A_127, %ge3A_128 : vector<16xi32>
      %lt3A_130 = vector.broadcast %select_n3A : i32 to vector<16xi32>
      %lt3A_131 = arith.cmpi slt, %sub3A_127, %lt3A_130 : vector<16xi32>
      %and3A_132 = arith.andi %ge3A_129, %lt3A_131 : vector<16xi1>
      %add3A_133 = vector.broadcast %sub3A_18 : i32 to vector<16xi32>
      %add3A_134 = arith.addi %sub3A_127, %add3A_133 : vector<16xi32>
      %jit3A_135 = arith.constant 0 : i32
      %jit3A_136 = arith.constant 15 : i32
      %max3A = vector.broadcast %jit3A_135 : i32 to vector<16xi32>
      %max3A_137 = arith.maxsi %max3A, %add3A_134 : vector<16xi32>
      %min3A_138 = vector.broadcast %jit3A_136 : i32 to vector<16xi32>
      %min3A_139 = arith.minsi %min3A_138, %max3A_137 : vector<16xi32>
      %shift_left3A = arith.constant 3 : i32
      %shift_left3A_140 = vector.broadcast %shift_left3A : i32 to vector<16xi32>
      %shift_left3A_141 = arith.shli %min3A_139, %shift_left3A_140 : vector<16xi32>
      %and3A_142 = arith.constant 7 : i32
      %and3A_143 = vector.broadcast %and3A_142 : i32 to vector<16xi32>
      %and3A_144 = arith.andi %get3A_122, %and3A_143 : vector<16xi32>
      %add3A_145 = arith.addi %shift_left3A_141, %and3A_144 : vector<16xi32>
      %add3A_146 = arith.constant 0 : i32
      %add3A_147 = vector.broadcast %add3A_146 : i32 to vector<16xi32>
      %add3A_148 = arith.addi %iota3A, %add3A_147 : vector<16xi32>
      %get3A_149 = arith.index_cast %scan3A_119 : i32 to index
      %get3A_150 = arith.constant 0 : index
      %get3A_151 = tpu.vector_load %arg9[%get3A_149, %get3A_150] {strides = array<i32>} : memref<10x128xf32, #tpu.memory_space<vmem>>, vector<16xf32>,
      %gather3A = tpu.vector_load_idx %arg7[%add3A_145, %add3A_148] : memref<128x128xf32, #tpu.memory_space<vmem>>[vector<16xi32>, vector<16xi32>], vector<16xf32>,
      %sub3A_152 = arith.subf %get3A_151, %gather3A : vector<16xf32>
      %jit3A_153 = arith.constant 0.000000e+00 : f32
      %broadcast_in_dim3A_154 = vector.broadcast %jit3A_153 : f32 to vector<16xf32>
      %select_n3A_155 = arith.select %and3A_132, %sub3A_152, %broadcast_in_dim3A_154 : vector<16xi1>, vector<16xf32>
      %add3A_156 = arith.addf %scan3A_120, %select_n3A_155 : vector<16xf32>
      %sub3A_157 = arith.constant 1.000000e+00 : f32
      %sub3A_158 = vector.broadcast %sub3A_157 : f32 to vector<16xf32>
      %sub3A_159 = arith.subf %sub3A_152, %sub3A_158 : vector<16xf32>
      %jit3A_160 = arith.constant 0.000000e+00 : f32
      %broadcast_in_dim3A_161 = vector.broadcast %jit3A_160 : f32 to vector<16xf32>
      %select_n3A_162 = arith.select %and3A_132, %sub3A_159, %broadcast_in_dim3A_161 : vector<16xi1>, vector<16xf32>
      %swap3A_163 = arith.index_cast %scan3A_119 : i32 to index
      %swap3A_164 = arith.constant 0 : index
      %swap3A_165 = tpu.vector_load %arg9[%swap3A_163, %swap3A_164] {strides = array<i32>} : memref<10x128xf32, #tpu.memory_space<vmem>>, vector<16xf32>,
      tpu.vector_store %arg9[%swap3A_163, %swap3A_164], %select_n3A_162 {strides = array<i32>} : memref<10x128xf32, #tpu.memory_space<vmem>>, vector<16xf32>,
      %get3A_166 = arith.index_cast %scan3A_119 : i32 to index
      %get3A_167 = arith.constant 16 : index
      %get3A_168 = tpu.vector_load %arg10[%get3A_166, %get3A_167] {strides = array<i32>} : memref<10x128xi32, #tpu.memory_space<vmem>>, vector<16xi32>,
      %shift_right_arithmetic3A_169 = arith.constant 3 : i32
      %shift_right_arithmetic3A_170 = vector.broadcast %shift_right_arithmetic3A_169 : i32 to vector<16xi32>
      %shift_right_arithmetic3A_171 = arith.shrsi %get3A_168, %shift_right_arithmetic3A_170 : vector<16xi32>
      %sub3A_172 = vector.broadcast %select_n3A_16 : i32 to vector<16xi32>
      %sub3A_173 = arith.subi %shift_right_arithmetic3A_171, %sub3A_172 : vector<16xi32>
      %ge3A_174 = arith.constant 0 : i32
      %ge3A_175 = vector.broadcast %ge3A_174 : i32 to vector<16xi32>
      %ge3A_176 = arith.cmpi sge, %sub3A_173, %ge3A_175 : vector<16xi32>
      %lt3A_177 = vector.broadcast %select_n3A : i32 to vector<16xi32>
      %lt3A_178 = arith.cmpi slt, %sub3A_173, %lt3A_177 : vector<16xi32>
      %and3A_179 = arith.andi %ge3A_176, %lt3A_178 : vector<16xi1>
      %add3A_180 = vector.broadcast %sub3A_18 : i32 to vector<16xi32>
      %add3A_181 = arith.addi %sub3A_173, %add3A_180 : vector<16xi32>
      %jit3A_182 = arith.constant 0 : i32
      %jit3A_183 = arith.constant 15 : i32
      %max3A_184 = vector.broadcast %jit3A_182 : i32 to vector<16xi32>
      %max3A_185 = arith.maxsi %max3A_184, %add3A_181 : vector<16xi32>
      %min3A_186 = vector.broadcast %jit3A_183 : i32 to vector<16xi32>
      %min3A_187 = arith.minsi %min3A_186, %max3A_185 : vector<16xi32>
      %shift_left3A_188 = arith.constant 3 : i32
      %shift_left3A_189 = vector.broadcast %shift_left3A_188 : i32 to vector<16xi32>
      %shift_left3A_190 = arith.shli %min3A_187, %shift_left3A_189 : vector<16xi32>
      %and3A_191 = arith.constant 7 : i32
      %and3A_192 = vector.broadcast %and3A_191 : i32 to vector<16xi32>
      %and3A_193 = arith.andi %get3A_168, %and3A_192 : vector<16xi32>
      %add3A_194 = arith.addi %shift_left3A_190, %and3A_193 : vector<16xi32>
      %add3A_195 = arith.constant 16 : i32
      %add3A_196 = vector.broadcast %add3A_195 : i32 to vector<16xi32>
      %add3A_197 = arith.addi %iota3A, %add3A_196 : vector<16xi32>
      %get3A_198 = arith.index_cast %scan3A_119 : i32 to index
      %get3A_199 = arith.constant 16 : index
      %get3A_200 = tpu.vector_load %arg9[%get3A_198, %get3A_199] {strides = array<i32>} : memref<10x128xf32, #tpu.memory_space<vmem>>, vector<16xf32>,
      %gather3A_201 = tpu.vector_load_idx %arg7[%add3A_194, %add3A_197] : memref<128x128xf32, #tpu.memory_space<vmem>>[vector<16xi32>, vector<16xi32>], vector<16xf32>,
      %sub3A_202 = arith.subf %get3A_200, %gather3A_201 : vector<16xf32>
      %jit3A_203 = arith.constant 0.000000e+00 : f32
      %broadcast_in_dim3A_204 = vector.broadcast %jit3A_203 : f32 to vector<16xf32>
      %select_n3A_205 = arith.select %and3A_179, %sub3A_202, %broadcast_in_dim3A_204 : vector<16xi1>, vector<16xf32>
      %add3A_206 = arith.addf %add3A_156, %select_n3A_205 : vector<16xf32>
      %sub3A_207 = arith.constant 1.000000e+00 : f32
      %sub3A_208 = vector.broadcast %sub3A_207 : f32 to vector<16xf32>
      %sub3A_209 = arith.subf %sub3A_202, %sub3A_208 : vector<16xf32>
      %jit3A_210 = arith.constant 0.000000e+00 : f32
      %broadcast_in_dim3A_211 = vector.broadcast %jit3A_210 : f32 to vector<16xf32>
      %select_n3A_212 = arith.select %and3A_179, %sub3A_209, %broadcast_in_dim3A_211 : vector<16xi1>, vector<16xf32>
      %swap3A_213 = arith.index_cast %scan3A_119 : i32 to index
      %swap3A_214 = arith.constant 16 : index
      %swap3A_215 = tpu.vector_load %arg9[%swap3A_213, %swap3A_214] {strides = array<i32>} : memref<10x128xf32, #tpu.memory_space<vmem>>, vector<16xf32>,
      tpu.vector_store %arg9[%swap3A_213, %swap3A_214], %select_n3A_212 {strides = array<i32>} : memref<10x128xf32, #tpu.memory_space<vmem>>, vector<16xf32>,
      %get3A_216 = arith.index_cast %scan3A_119 : i32 to index
      %get3A_217 = arith.constant 32 : index
      %get3A_218 = tpu.vector_load %arg10[%get3A_216, %get3A_217] {strides = array<i32>} : memref<10x128xi32, #tpu.memory_space<vmem>>, vector<16xi32>,
      %shift_right_arithmetic3A_219 = arith.constant 3 : i32
      %shift_right_arithmetic3A_220 = vector.broadcast %shift_right_arithmetic3A_219 : i32 to vector<16xi32>
      %shift_right_arithmetic3A_221 = arith.shrsi %get3A_218, %shift_right_arithmetic3A_220 : vector<16xi32>
      %sub3A_222 = vector.broadcast %select_n3A_16 : i32 to vector<16xi32>
      %sub3A_223 = arith.subi %shift_right_arithmetic3A_221, %sub3A_222 : vector<16xi32>
      %ge3A_224 = arith.constant 0 : i32
      %ge3A_225 = vector.broadcast %ge3A_224 : i32 to vector<16xi32>
      %ge3A_226 = arith.cmpi sge, %sub3A_223, %ge3A_225 : vector<16xi32>
      %lt3A_227 = vector.broadcast %select_n3A : i32 to vector<16xi32>
      %lt3A_228 = arith.cmpi slt, %sub3A_223, %lt3A_227 : vector<16xi32>
      %and3A_229 = arith.andi %ge3A_226, %lt3A_228 : vector<16xi1>
      %add3A_230 = vector.broadcast %sub3A_18 : i32 to vector<16xi32>
      %add3A_231 = arith.addi %sub3A_223, %add3A_230 : vector<16xi32>
      %jit3A_232 = arith.constant 0 : i32
      %jit3A_233 = arith.constant 15 : i32
      %max3A_234 = vector.broadcast %jit3A_232 : i32 to vector<16xi32>
      %max3A_235 = arith.maxsi %max3A_234, %add3A_231 : vector<16xi32>
      %min3A_236 = vector.broadcast %jit3A_233 : i32 to vector<16xi32>
      %min3A_237 = arith.minsi %min3A_236, %max3A_235 : vector<16xi32>
      %shift_left3A_238 = arith.constant 3 : i32
      %shift_left3A_239 = vector.broadcast %shift_left3A_238 : i32 to vector<16xi32>
      %shift_left3A_240 = arith.shli %min3A_237, %shift_left3A_239 : vector<16xi32>
      %and3A_241 = arith.constant 7 : i32
      %and3A_242 = vector.broadcast %and3A_241 : i32 to vector<16xi32>
      %and3A_243 = arith.andi %get3A_218, %and3A_242 : vector<16xi32>
      %add3A_244 = arith.addi %shift_left3A_240, %and3A_243 : vector<16xi32>
      %add3A_245 = arith.constant 32 : i32
      %add3A_246 = vector.broadcast %add3A_245 : i32 to vector<16xi32>
      %add3A_247 = arith.addi %iota3A, %add3A_246 : vector<16xi32>
      %get3A_248 = arith.index_cast %scan3A_119 : i32 to index
      %get3A_249 = arith.constant 32 : index
      %get3A_250 = tpu.vector_load %arg9[%get3A_248, %get3A_249] {strides = array<i32>} : memref<10x128xf32, #tpu.memory_space<vmem>>, vector<16xf32>,
      %gather3A_251 = tpu.vector_load_idx %arg7[%add3A_244, %add3A_247] : memref<128x128xf32, #tpu.memory_space<vmem>>[vector<16xi32>, vector<16xi32>], vector<16xf32>,
      %sub3A_252 = arith.subf %get3A_250, %gather3A_251 : vector<16xf32>
      %jit3A_253 = arith.constant 0.000000e+00 : f32
      %broadcast_in_dim3A_254 = vector.broadcast %jit3A_253 : f32 to vector<16xf32>
      %select_n3A_255 = arith.select %and3A_229, %sub3A_252, %broadcast_in_dim3A_254 : vector<16xi1>, vector<16xf32>
      %add3A_256 = arith.addf %add3A_206, %select_n3A_255 : vector<16xf32>
      %sub3A_257 = arith.constant 1.000000e+00 : f32
      %sub3A_258 = vector.broadcast %sub3A_257 : f32 to vector<16xf32>
      %sub3A_259 = arith.subf %sub3A_252, %sub3A_258 : vector<16xf32>
      %jit3A_260 = arith.constant 0.000000e+00 : f32
      %broadcast_in_dim3A_261 = vector.broadcast %jit3A_260 : f32 to vector<16xf32>
      %select_n3A_262 = arith.select %and3A_229, %sub3A_259, %broadcast_in_dim3A_261 : vector<16xi1>, vector<16xf32>
      %swap3A_263 = arith.index_cast %scan3A_119 : i32 to index
      %swap3A_264 = arith.constant 32 : index
      %swap3A_265 = tpu.vector_load %arg9[%swap3A_263, %swap3A_264] {strides = array<i32>} : memref<10x128xf32, #tpu.memory_space<vmem>>, vector<16xf32>,
      tpu.vector_store %arg9[%swap3A_263, %swap3A_264], %select_n3A_262 {strides = array<i32>} : memref<10x128xf32, #tpu.memory_space<vmem>>, vector<16xf32>,
      %get3A_266 = arith.index_cast %scan3A_119 : i32 to index
      %get3A_267 = arith.constant 48 : index
      %get3A_268 = tpu.vector_load %arg10[%get3A_266, %get3A_267] {strides = array<i32>} : memref<10x128xi32, #tpu.memory_space<vmem>>, vector<16xi32>,
      %shift_right_arithmetic3A_269 = arith.constant 3 : i32
      %shift_right_arithmetic3A_270 = vector.broadcast %shift_right_arithmetic3A_269 : i32 to vector<16xi32>
      %shift_right_arithmetic3A_271 = arith.shrsi %get3A_268, %shift_right_arithmetic3A_270 : vector<16xi32>
      %sub3A_272 = vector.broadcast %select_n3A_16 : i32 to vector<16xi32>
      %sub3A_273 = arith.subi %shift_right_arithmetic3A_271, %sub3A_272 : vector<16xi32>
      %ge3A_274 = arith.constant 0 : i32
      %ge3A_275 = vector.broadcast %ge3A_274 : i32 to vector<16xi32>
      %ge3A_276 = arith.cmpi sge, %sub3A_273, %ge3A_275 : vector<16xi32>
      %lt3A_277 = vector.broadcast %select_n3A : i32 to vector<16xi32>
      %lt3A_278 = arith.cmpi slt, %sub3A_273, %lt3A_277 : vector<16xi32>
      %and3A_279 = arith.andi %ge3A_276, %lt3A_278 : vector<16xi1>
      %add3A_280 = vector.broadcast %sub3A_18 : i32 to vector<16xi32>
      %add3A_281 = arith.addi %sub3A_273, %add3A_280 : vector<16xi32>
      %jit3A_282 = arith.constant 0 : i32
      %jit3A_283 = arith.constant 15 : i32
      %max3A_284 = vector.broadcast %jit3A_282 : i32 to vector<16xi32>
      %max3A_285 = arith.maxsi %max3A_284, %add3A_281 : vector<16xi32>
      %min3A_286 = vector.broadcast %jit3A_283 : i32 to vector<16xi32>
      %min3A_287 = arith.minsi %min3A_286, %max3A_285 : vector<16xi32>
      %shift_left3A_288 = arith.constant 3 : i32
      %shift_left3A_289 = vector.broadcast %shift_left3A_288 : i32 to vector<16xi32>
      %shift_left3A_290 = arith.shli %min3A_287, %shift_left3A_289 : vector<16xi32>
      %and3A_291 = arith.constant 7 : i32
      %and3A_292 = vector.broadcast %and3A_291 : i32 to vector<16xi32>
      %and3A_293 = arith.andi %get3A_268, %and3A_292 : vector<16xi32>
      %add3A_294 = arith.addi %shift_left3A_290, %and3A_293 : vector<16xi32>
      %add3A_295 = arith.constant 48 : i32
      %add3A_296 = vector.broadcast %add3A_295 : i32 to vector<16xi32>
      %add3A_297 = arith.addi %iota3A, %add3A_296 : vector<16xi32>
      %get3A_298 = arith.index_cast %scan3A_119 : i32 to index
      %get3A_299 = arith.constant 48 : index
      %get3A_300 = tpu.vector_load %arg9[%get3A_298, %get3A_299] {strides = array<i32>} : memref<10x128xf32, #tpu.memory_space<vmem>>, vector<16xf32>,
      %gather3A_301 = tpu.vector_load_idx %arg7[%add3A_294, %add3A_297] : memref<128x128xf32, #tpu.memory_space<vmem>>[vector<16xi32>, vector<16xi32>], vector<16xf32>,
      %sub3A_302 = arith.subf %get3A_300, %gather3A_301 : vector<16xf32>
      %jit3A_303 = arith.constant 0.000000e+00 : f32
      %broadcast_in_dim3A_304 = vector.broadcast %jit3A_303 : f32 to vector<16xf32>
      %select_n3A_305 = arith.select %and3A_279, %sub3A_302, %broadcast_in_dim3A_304 : vector<16xi1>, vector<16xf32>
      %add3A_306 = arith.addf %add3A_256, %select_n3A_305 : vector<16xf32>
      %sub3A_307 = arith.constant 1.000000e+00 : f32
      %sub3A_308 = vector.broadcast %sub3A_307 : f32 to vector<16xf32>
      %sub3A_309 = arith.subf %sub3A_302, %sub3A_308 : vector<16xf32>
      %jit3A_310 = arith.constant 0.000000e+00 : f32
      %broadcast_in_dim3A_311 = vector.broadcast %jit3A_310 : f32 to vector<16xf32>
      %select_n3A_312 = arith.select %and3A_279, %sub3A_309, %broadcast_in_dim3A_311 : vector<16xi1>, vector<16xf32>
      %swap3A_313 = arith.index_cast %scan3A_119 : i32 to index
      %swap3A_314 = arith.constant 48 : index
      %swap3A_315 = tpu.vector_load %arg9[%swap3A_313, %swap3A_314] {strides = array<i32>} : memref<10x128xf32, #tpu.memory_space<vmem>>, vector<16xf32>,
      tpu.vector_store %arg9[%swap3A_313, %swap3A_314], %select_n3A_312 {strides = array<i32>} : memref<10x128xf32, #tpu.memory_space<vmem>>, vector<16xf32>,
      %get3A_316 = arith.index_cast %scan3A_119 : i32 to index
      %get3A_317 = arith.constant 64 : index
      %get3A_318 = tpu.vector_load %arg10[%get3A_316, %get3A_317] {strides = array<i32>} : memref<10x128xi32, #tpu.memory_space<vmem>>, vector<16xi32>,
      %shift_right_arithmetic3A_319 = arith.constant 3 : i32
      %shift_right_arithmetic3A_320 = vector.broadcast %shift_right_arithmetic3A_319 : i32 to vector<16xi32>
      %shift_right_arithmetic3A_321 = arith.shrsi %get3A_318, %shift_right_arithmetic3A_320 : vector<16xi32>
      %sub3A_322 = vector.broadcast %select_n3A_16 : i32 to vector<16xi32>
      %sub3A_323 = arith.subi %shift_right_arithmetic3A_321, %sub3A_322 : vector<16xi32>
      %ge3A_324 = arith.constant 0 : i32
      %ge3A_325 = vector.broadcast %ge3A_324 : i32 to vector<16xi32>
      %ge3A_326 = arith.cmpi sge, %sub3A_323, %ge3A_325 : vector<16xi32>
      %lt3A_327 = vector.broadcast %select_n3A : i32 to vector<16xi32>
      %lt3A_328 = arith.cmpi slt, %sub3A_323, %lt3A_327 : vector<16xi32>
      %and3A_329 = arith.andi %ge3A_326, %lt3A_328 : vector<16xi1>
      %add3A_330 = vector.broadcast %sub3A_18 : i32 to vector<16xi32>
      %add3A_331 = arith.addi %sub3A_323, %add3A_330 : vector<16xi32>
      %jit3A_332 = arith.constant 0 : i32
      %jit3A_333 = arith.constant 15 : i32
      %max3A_334 = vector.broadcast %jit3A_332 : i32 to vector<16xi32>
      %max3A_335 = arith.maxsi %max3A_334, %add3A_331 : vector<16xi32>
      %min3A_336 = vector.broadcast %jit3A_333 : i32 to vector<16xi32>
      %min3A_337 = arith.minsi %min3A_336, %max3A_335 : vector<16xi32>
      %shift_left3A_338 = arith.constant 3 : i32
      %shift_left3A_339 = vector.broadcast %shift_left3A_338 : i32 to vector<16xi32>
      %shift_left3A_340 = arith.shli %min3A_337, %shift_left3A_339 : vector<16xi32>
      %and3A_341 = arith.constant 7 : i32
      %and3A_342 = vector.broadcast %and3A_341 : i32 to vector<16xi32>
      %and3A_343 = arith.andi %get3A_318, %and3A_342 : vector<16xi32>
      %add3A_344 = arith.addi %shift_left3A_340, %and3A_343 : vector<16xi32>
      %add3A_345 = arith.constant 64 : i32
      %add3A_346 = vector.broadcast %add3A_345 : i32 to vector<16xi32>
      %add3A_347 = arith.addi %iota3A, %add3A_346 : vector<16xi32>
      %get3A_348 = arith.index_cast %scan3A_119 : i32 to index
      %get3A_349 = arith.constant 64 : index
      %get3A_350 = tpu.vector_load %arg9[%get3A_348, %get3A_349] {strides = array<i32>} : memref<10x128xf32, #tpu.memory_space<vmem>>, vector<16xf32>,
      %gather3A_351 = tpu.vector_load_idx %arg7[%add3A_344, %add3A_347] : memref<128x128xf32, #tpu.memory_space<vmem>>[vector<16xi32>, vector<16xi32>], vector<16xf32>,
      %sub3A_352 = arith.subf %get3A_350, %gather3A_351 : vector<16xf32>
      %jit3A_353 = arith.constant 0.000000e+00 : f32
      %broadcast_in_dim3A_354 = vector.broadcast %jit3A_353 : f32 to vector<16xf32>
      %select_n3A_355 = arith.select %and3A_329, %sub3A_352, %broadcast_in_dim3A_354 : vector<16xi1>, vector<16xf32>
      %add3A_356 = arith.addf %add3A_306, %select_n3A_355 : vector<16xf32>
      %sub3A_357 = arith.constant 1.000000e+00 : f32
      %sub3A_358 = vector.broadcast %sub3A_357 : f32 to vector<16xf32>
      %sub3A_359 = arith.subf %sub3A_352, %sub3A_358 : vector<16xf32>
      %jit3A_360 = arith.constant 0.000000e+00 : f32
      %broadcast_in_dim3A_361 = vector.broadcast %jit3A_360 : f32 to vector<16xf32>
      %select_n3A_362 = arith.select %and3A_329, %sub3A_359, %broadcast_in_dim3A_361 : vector<16xi1>, vector<16xf32>
      %swap3A_363 = arith.index_cast %scan3A_119 : i32 to index
      %swap3A_364 = arith.constant 64 : index
      %swap3A_365 = tpu.vector_load %arg9[%swap3A_363, %swap3A_364] {strides = array<i32>} : memref<10x128xf32, #tpu.memory_space<vmem>>, vector<16xf32>,
      tpu.vector_store %arg9[%swap3A_363, %swap3A_364], %select_n3A_362 {strides = array<i32>} : memref<10x128xf32, #tpu.memory_space<vmem>>, vector<16xf32>,
      %get3A_366 = arith.index_cast %scan3A_119 : i32 to index
      %get3A_367 = arith.constant 80 : index
      %get3A_368 = tpu.vector_load %arg10[%get3A_366, %get3A_367] {strides = array<i32>} : memref<10x128xi32, #tpu.memory_space<vmem>>, vector<16xi32>,
      %shift_right_arithmetic3A_369 = arith.constant 3 : i32
      %shift_right_arithmetic3A_370 = vector.broadcast %shift_right_arithmetic3A_369 : i32 to vector<16xi32>
      %shift_right_arithmetic3A_371 = arith.shrsi %get3A_368, %shift_right_arithmetic3A_370 : vector<16xi32>
      %sub3A_372 = vector.broadcast %select_n3A_16 : i32 to vector<16xi32>
      %sub3A_373 = arith.subi %shift_right_arithmetic3A_371, %sub3A_372 : vector<16xi32>
      %ge3A_374 = arith.constant 0 : i32
      %ge3A_375 = vector.broadcast %ge3A_374 : i32 to vector<16xi32>
      %ge3A_376 = arith.cmpi sge, %sub3A_373, %ge3A_375 : vector<16xi32>
      %lt3A_377 = vector.broadcast %select_n3A : i32 to vector<16xi32>
      %lt3A_378 = arith.cmpi slt, %sub3A_373, %lt3A_377 : vector<16xi32>
      %and3A_379 = arith.andi %ge3A_376, %lt3A_378 : vector<16xi1>
      %add3A_380 = vector.broadcast %sub3A_18 : i32 to vector<16xi32>
      %add3A_381 = arith.addi %sub3A_373, %add3A_380 : vector<16xi32>
      %jit3A_382 = arith.constant 0 : i32
      %jit3A_383 = arith.constant 15 : i32
      %max3A_384 = vector.broadcast %jit3A_382 : i32 to vector<16xi32>
      %max3A_385 = arith.maxsi %max3A_384, %add3A_381 : vector<16xi32>
      %min3A_386 = vector.broadcast %jit3A_383 : i32 to vector<16xi32>
      %min3A_387 = arith.minsi %min3A_386, %max3A_385 : vector<16xi32>
      %shift_left3A_388 = arith.constant 3 : i32
      %shift_left3A_389 = vector.broadcast %shift_left3A_388 : i32 to vector<16xi32>
      %shift_left3A_390 = arith.shli %min3A_387, %shift_left3A_389 : vector<16xi32>
      %and3A_391 = arith.constant 7 : i32
      %and3A_392 = vector.broadcast %and3A_391 : i32 to vector<16xi32>
      %and3A_393 = arith.andi %get3A_368, %and3A_392 : vector<16xi32>
      %add3A_394 = arith.addi %shift_left3A_390, %and3A_393 : vector<16xi32>
      %add3A_395 = arith.constant 80 : i32
      %add3A_396 = vector.broadcast %add3A_395 : i32 to vector<16xi32>
      %add3A_397 = arith.addi %iota3A, %add3A_396 : vector<16xi32>
      %get3A_398 = arith.index_cast %scan3A_119 : i32 to index
      %get3A_399 = arith.constant 80 : index
      %get3A_400 = tpu.vector_load %arg9[%get3A_398, %get3A_399] {strides = array<i32>} : memref<10x128xf32, #tpu.memory_space<vmem>>, vector<16xf32>,
      %gather3A_401 = tpu.vector_load_idx %arg7[%add3A_394, %add3A_397] : memref<128x128xf32, #tpu.memory_space<vmem>>[vector<16xi32>, vector<16xi32>], vector<16xf32>,
      %sub3A_402 = arith.subf %get3A_400, %gather3A_401 : vector<16xf32>
      %jit3A_403 = arith.constant 0.000000e+00 : f32
      %broadcast_in_dim3A_404 = vector.broadcast %jit3A_403 : f32 to vector<16xf32>
      %select_n3A_405 = arith.select %and3A_379, %sub3A_402, %broadcast_in_dim3A_404 : vector<16xi1>, vector<16xf32>
      %add3A_406 = arith.addf %add3A_356, %select_n3A_405 : vector<16xf32>
      %sub3A_407 = arith.constant 1.000000e+00 : f32
      %sub3A_408 = vector.broadcast %sub3A_407 : f32 to vector<16xf32>
      %sub3A_409 = arith.subf %sub3A_402, %sub3A_408 : vector<16xf32>
      %jit3A_410 = arith.constant 0.000000e+00 : f32
      %broadcast_in_dim3A_411 = vector.broadcast %jit3A_410 : f32 to vector<16xf32>
      %select_n3A_412 = arith.select %and3A_379, %sub3A_409, %broadcast_in_dim3A_411 : vector<16xi1>, vector<16xf32>
      %swap3A_413 = arith.index_cast %scan3A_119 : i32 to index
      %swap3A_414 = arith.constant 80 : index
      %swap3A_415 = tpu.vector_load %arg9[%swap3A_413, %swap3A_414] {strides = array<i32>} : memref<10x128xf32, #tpu.memory_space<vmem>>, vector<16xf32>,
      tpu.vector_store %arg9[%swap3A_413, %swap3A_414], %select_n3A_412 {strides = array<i32>} : memref<10x128xf32, #tpu.memory_space<vmem>>, vector<16xf32>,
      %get3A_416 = arith.index_cast %scan3A_119 : i32 to index
      %get3A_417 = arith.constant 96 : index
      %get3A_418 = tpu.vector_load %arg10[%get3A_416, %get3A_417] {strides = array<i32>} : memref<10x128xi32, #tpu.memory_space<vmem>>, vector<16xi32>,
      %shift_right_arithmetic3A_419 = arith.constant 3 : i32
      %shift_right_arithmetic3A_420 = vector.broadcast %shift_right_arithmetic3A_419 : i32 to vector<16xi32>
      %shift_right_arithmetic3A_421 = arith.shrsi %get3A_418, %shift_right_arithmetic3A_420 : vector<16xi32>
      %sub3A_422 = vector.broadcast %select_n3A_16 : i32 to vector<16xi32>
      %sub3A_423 = arith.subi %shift_right_arithmetic3A_421, %sub3A_422 : vector<16xi32>
      %ge3A_424 = arith.constant 0 : i32
      %ge3A_425 = vector.broadcast %ge3A_424 : i32 to vector<16xi32>
      %ge3A_426 = arith.cmpi sge, %sub3A_423, %ge3A_425 : vector<16xi32>
      %lt3A_427 = vector.broadcast %select_n3A : i32 to vector<16xi32>
      %lt3A_428 = arith.cmpi slt, %sub3A_423, %lt3A_427 : vector<16xi32>
      %and3A_429 = arith.andi %ge3A_426, %lt3A_428 : vector<16xi1>
      %add3A_430 = vector.broadcast %sub3A_18 : i32 to vector<16xi32>
      %add3A_431 = arith.addi %sub3A_423, %add3A_430 : vector<16xi32>
      %jit3A_432 = arith.constant 0 : i32
      %jit3A_433 = arith.constant 15 : i32
      %max3A_434 = vector.broadcast %jit3A_432 : i32 to vector<16xi32>
      %max3A_435 = arith.maxsi %max3A_434, %add3A_431 : vector<16xi32>
      %min3A_436 = vector.broadcast %jit3A_433 : i32 to vector<16xi32>
      %min3A_437 = arith.minsi %min3A_436, %max3A_435 : vector<16xi32>
      %shift_left3A_438 = arith.constant 3 : i32
      %shift_left3A_439 = vector.broadcast %shift_left3A_438 : i32 to vector<16xi32>
      %shift_left3A_440 = arith.shli %min3A_437, %shift_left3A_439 : vector<16xi32>
      %and3A_441 = arith.constant 7 : i32
      %and3A_442 = vector.broadcast %and3A_441 : i32 to vector<16xi32>
      %and3A_443 = arith.andi %get3A_418, %and3A_442 : vector<16xi32>
      %add3A_444 = arith.addi %shift_left3A_440, %and3A_443 : vector<16xi32>
      %add3A_445 = arith.constant 96 : i32
      %add3A_446 = vector.broadcast %add3A_445 : i32 to vector<16xi32>
      %add3A_447 = arith.addi %iota3A, %add3A_446 : vector<16xi32>
      %get3A_448 = arith.index_cast %scan3A_119 : i32 to index
      %get3A_449 = arith.constant 96 : index
      %get3A_450 = tpu.vector_load %arg9[%get3A_448, %get3A_449] {strides = array<i32>} : memref<10x128xf32, #tpu.memory_space<vmem>>, vector<16xf32>,
      %gather3A_451 = tpu.vector_load_idx %arg7[%add3A_444, %add3A_447] : memref<128x128xf32, #tpu.memory_space<vmem>>[vector<16xi32>, vector<16xi32>], vector<16xf32>,
      %sub3A_452 = arith.subf %get3A_450, %gather3A_451 : vector<16xf32>
      %jit3A_453 = arith.constant 0.000000e+00 : f32
      %broadcast_in_dim3A_454 = vector.broadcast %jit3A_453 : f32 to vector<16xf32>
      %select_n3A_455 = arith.select %and3A_429, %sub3A_452, %broadcast_in_dim3A_454 : vector<16xi1>, vector<16xf32>
      %add3A_456 = arith.addf %add3A_406, %select_n3A_455 : vector<16xf32>
      %sub3A_457 = arith.constant 1.000000e+00 : f32
      %sub3A_458 = vector.broadcast %sub3A_457 : f32 to vector<16xf32>
      %sub3A_459 = arith.subf %sub3A_452, %sub3A_458 : vector<16xf32>
      %jit3A_460 = arith.constant 0.000000e+00 : f32
      %broadcast_in_dim3A_461 = vector.broadcast %jit3A_460 : f32 to vector<16xf32>
      %select_n3A_462 = arith.select %and3A_429, %sub3A_459, %broadcast_in_dim3A_461 : vector<16xi1>, vector<16xf32>
      %swap3A_463 = arith.index_cast %scan3A_119 : i32 to index
      %swap3A_464 = arith.constant 96 : index
      %swap3A_465 = tpu.vector_load %arg9[%swap3A_463, %swap3A_464] {strides = array<i32>} : memref<10x128xf32, #tpu.memory_space<vmem>>, vector<16xf32>,
      tpu.vector_store %arg9[%swap3A_463, %swap3A_464], %select_n3A_462 {strides = array<i32>} : memref<10x128xf32, #tpu.memory_space<vmem>>, vector<16xf32>,
      %get3A_466 = arith.index_cast %scan3A_119 : i32 to index
      %get3A_467 = arith.constant 112 : index
      %get3A_468 = tpu.vector_load %arg10[%get3A_466, %get3A_467] {strides = array<i32>} : memref<10x128xi32, #tpu.memory_space<vmem>>, vector<16xi32>,
      %shift_right_arithmetic3A_469 = arith.constant 3 : i32
      %shift_right_arithmetic3A_470 = vector.broadcast %shift_right_arithmetic3A_469 : i32 to vector<16xi32>
      %shift_right_arithmetic3A_471 = arith.shrsi %get3A_468, %shift_right_arithmetic3A_470 : vector<16xi32>
      %sub3A_472 = vector.broadcast %select_n3A_16 : i32 to vector<16xi32>
      %sub3A_473 = arith.subi %shift_right_arithmetic3A_471, %sub3A_472 : vector<16xi32>
      %ge3A_474 = arith.constant 0 : i32
      %ge3A_475 = vector.broadcast %ge3A_474 : i32 to vector<16xi32>
      %ge3A_476 = arith.cmpi sge, %sub3A_473, %ge3A_475 : vector<16xi32>
      %lt3A_477 = vector.broadcast %select_n3A : i32 to vector<16xi32>
      %lt3A_478 = arith.cmpi slt, %sub3A_473, %lt3A_477 : vector<16xi32>
      %and3A_479 = arith.andi %ge3A_476, %lt3A_478 : vector<16xi1>
      %add3A_480 = vector.broadcast %sub3A_18 : i32 to vector<16xi32>
      %add3A_481 = arith.addi %sub3A_473, %add3A_480 : vector<16xi32>
      %jit3A_482 = arith.constant 0 : i32
      %jit3A_483 = arith.constant 15 : i32
      %max3A_484 = vector.broadcast %jit3A_482 : i32 to vector<16xi32>
      %max3A_485 = arith.maxsi %max3A_484, %add3A_481 : vector<16xi32>
      %min3A_486 = vector.broadcast %jit3A_483 : i32 to vector<16xi32>
      %min3A_487 = arith.minsi %min3A_486, %max3A_485 : vector<16xi32>
      %shift_left3A_488 = arith.constant 3 : i32
      %shift_left3A_489 = vector.broadcast %shift_left3A_488 : i32 to vector<16xi32>
      %shift_left3A_490 = arith.shli %min3A_487, %shift_left3A_489 : vector<16xi32>
      %and3A_491 = arith.constant 7 : i32
      %and3A_492 = vector.broadcast %and3A_491 : i32 to vector<16xi32>
      %and3A_493 = arith.andi %get3A_468, %and3A_492 : vector<16xi32>
      %add3A_494 = arith.addi %shift_left3A_490, %and3A_493 : vector<16xi32>
      %add3A_495 = arith.constant 112 : i32
      %add3A_496 = vector.broadcast %add3A_495 : i32 to vector<16xi32>
      %add3A_497 = arith.addi %iota3A, %add3A_496 : vector<16xi32>
      %get3A_498 = arith.index_cast %scan3A_119 : i32 to index
      %get3A_499 = arith.constant 112 : index
      %get3A_500 = tpu.vector_load %arg9[%get3A_498, %get3A_499] {strides = array<i32>} : memref<10x128xf32, #tpu.memory_space<vmem>>, vector<16xf32>,
      %gather3A_501 = tpu.vector_load_idx %arg7[%add3A_494, %add3A_497] : memref<128x128xf32, #tpu.memory_space<vmem>>[vector<16xi32>, vector<16xi32>], vector<16xf32>,
      %sub3A_502 = arith.subf %get3A_500, %gather3A_501 : vector<16xf32>
      %jit3A_503 = arith.constant 0.000000e+00 : f32
      %broadcast_in_dim3A_504 = vector.broadcast %jit3A_503 : f32 to vector<16xf32>
      %select_n3A_505 = arith.select %and3A_479, %sub3A_502, %broadcast_in_dim3A_504 : vector<16xi1>, vector<16xf32>
      %add3A_506 = arith.addf %add3A_456, %select_n3A_505 : vector<16xf32>
      %sub3A_507 = arith.constant 1.000000e+00 : f32
      %sub3A_508 = vector.broadcast %sub3A_507 : f32 to vector<16xf32>
      %sub3A_509 = arith.subf %sub3A_502, %sub3A_508 : vector<16xf32>
      %jit3A_510 = arith.constant 0.000000e+00 : f32
      %broadcast_in_dim3A_511 = vector.broadcast %jit3A_510 : f32 to vector<16xf32>
      %select_n3A_512 = arith.select %and3A_479, %sub3A_509, %broadcast_in_dim3A_511 : vector<16xi1>, vector<16xf32>
      %swap3A_513 = arith.index_cast %scan3A_119 : i32 to index
      %swap3A_514 = arith.constant 112 : index
      %swap3A_515 = tpu.vector_load %arg9[%swap3A_513, %swap3A_514] {strides = array<i32>} : memref<10x128xf32, #tpu.memory_space<vmem>>, vector<16xf32>,
      tpu.vector_store %arg9[%swap3A_513, %swap3A_514], %select_n3A_512 {strides = array<i32>} : memref<10x128xf32, #tpu.memory_space<vmem>>, vector<16xf32>,
      scf.yield %add3A_506 : vector<16xf32>
    }
    %scan3A_85 = arith.constant 10 : i32
    %eq3A = arith.constant 0 : i32
    %eq3A_86 = arith.cmpi eq, %shift_right_arithmetic3A_5, %eq3A : i32
    %convert_element_type3A = arith.extui %eq3A_86 : i1 to i32
    %cond3A = arith.constant 0 : i32
    %cond3A_87 = arith.cmpi ne, %convert_element_type3A, %cond3A : i32
    scf.if %cond3A_87 {
      %mul3A_119 = arith.constant 10 : i32
      %mul3A_120 = arith.muli %mul3A_119, %and3A_1 : i32
      "tpu.region"() ({
        %run_scoped3A = tpu.sem_alloc : memref<!tpu.dma_semaphore, #tpu.memory_space<semaphore_mem>>
        %dma_start3A_121 = arith.constant 0 : i32
        %dma_start3A_122 = tpu.memref_slice %arg14[%mul3A_120, %dma_start3A_121] : memref<20x128xf32, #tpu.memory_space<vmem_shared>> -> memref<10x128xf32, #tpu.memory_space<vmem_shared>>
        %dma_start3A_123 = arith.constant 0 : i32
        %dma_start3A_124 = tpu.memref_slice %arg14[%mul3A_120, %dma_start3A_123] : memref<20x128xf32, #tpu.memory_space<vmem_shared>> -> memref<10x128xf32, #tpu.memory_space<vmem_shared>>
        tpu.enqueue_dma source(%arg8 : memref<10x128xf32, #tpu.memory_space<vmem>>) target(%dma_start3A_124 : memref<10x128xf32, #tpu.memory_space<vmem_shared>>) target_semaphore(%run_scoped3A : memref<!tpu.dma_semaphore, #tpu.memory_space<semaphore_mem>>)
        %dma_wait3A_125 = arith.constant 0 : i32
        %dma_wait3A_126 = tpu.memref_slice %arg14[%mul3A_120, %dma_wait3A_125] : memref<20x128xf32, #tpu.memory_space<vmem_shared>> -> memref<10x128xf32, #tpu.memory_space<vmem_shared>>
        %dma_wait3A_127 = arith.constant 0 : i32
        %dma_wait3A_128 = tpu.memref_slice %arg14[%mul3A_120, %dma_wait3A_127] : memref<20x128xf32, #tpu.memory_space<vmem_shared>> -> memref<10x128xf32, #tpu.memory_space<vmem_shared>>
        tpu.wait_dma2 semaphore(%run_scoped3A : memref<!tpu.dma_semaphore, #tpu.memory_space<semaphore_mem>>) src(%arg8 : memref<10x128xf32, #tpu.memory_space<vmem>>) dst(%dma_wait3A_128 : memref<10x128xf32, #tpu.memory_space<vmem_shared>>)
        tpu.yield
      }) : () -> ()
    } else {
    }
    %barrier3A = arith.constant 0 : index
    tpu.barrier barrier_id(%barrier3A)
    "tpu.region"() ({
      %run_scoped3A = tpu.sem_alloc : memref<!tpu.dma_semaphore, #tpu.memory_space<semaphore_mem>>
      %dma_start3A_119 = arith.constant 0 : i32
      %dma_start3A_120 = tpu.memref_slice %arg11[%dma_start3A_119] : memref<16xi32, #tpu.memory_space<vmem>> -> memref<10xi32, #tpu.memory_space<vmem>>
      %dma_start3A_121 = arith.constant 0 : i32
      %dma_start3A_122 = arith.constant 0 : i32
      %dma_start3A_123 = tpu.memref_slice %arg14[%dma_start3A_121, %dma_start3A_122] : memref<20x128xf32, #tpu.memory_space<vmem_shared>> -> memref<20x128xf32, #tpu.memory_space<vmem_shared>>
      tpu.enqueue_indirect_dma source(%arg9 : memref<10x128xf32, #tpu.memory_space<vmem>>) target(%dma_start3A_123 : memref<20x128xf32, #tpu.memory_space<vmem_shared>>) offsets(%dma_start3A_120 : memref<10xi32, #tpu.memory_space<vmem>>) semaphore(%run_scoped3A : memref<!tpu.dma_semaphore, #tpu.memory_space<semaphore_mem>>) {add = true}
      %dma_wait3A_124 = arith.constant 0 : i32
      %dma_wait3A_125 = tpu.memref_slice %arg11[%dma_wait3A_124] : memref<16xi32, #tpu.memory_space<vmem>> -> memref<10xi32, #tpu.memory_space<vmem>>
      %dma_wait3A_126 = arith.constant 0 : i32
      %dma_wait3A_127 = arith.constant 0 : i32
      %dma_wait3A_128 = tpu.memref_slice %arg14[%dma_wait3A_126, %dma_wait3A_127] : memref<20x128xf32, #tpu.memory_space<vmem_shared>> -> memref<20x128xf32, #tpu.memory_space<vmem_shared>>
      tpu.wait_indirect_dma semaphore(%run_scoped3A : memref<!tpu.dma_semaphore, #tpu.memory_space<semaphore_mem>>) src(%arg9 : memref<10x128xf32, #tpu.memory_space<vmem>>) dst(%dma_wait3A_128 : memref<20x128xf32, #tpu.memory_space<vmem_shared>>)
      tpu.yield
    }) : () -> ()
    %barrier3A_88 = arith.constant 0 : index
    tpu.barrier barrier_id(%barrier3A_88)
    %mul3A_89 = arith.constant 10 : i32
    %mul3A_90 = arith.muli %mul3A_89, %and3A_1 : i32
    "tpu.region"() ({
      %run_scoped3A = tpu.sem_alloc : memref<!tpu.dma_semaphore, #tpu.memory_space<semaphore_mem>>
      %dma_start3A_119 = arith.constant 0 : i32
      %dma_start3A_120 = tpu.memref_slice %arg14[%mul3A_90, %dma_start3A_119] : memref<20x128xf32, #tpu.memory_space<vmem_shared>> -> memref<10x128xf32, #tpu.memory_space<vmem_shared>>
      %dma_start3A_121 = arith.constant 0 : i32
      %dma_start3A_122 = tpu.memref_slice %arg14[%mul3A_90, %dma_start3A_121] : memref<20x128xf32, #tpu.memory_space<vmem_shared>> -> memref<10x128xf32, #tpu.memory_space<vmem_shared>>
      tpu.enqueue_dma source(%dma_start3A_122 : memref<10x128xf32, #tpu.memory_space<vmem_shared>>) target(%arg8 : memref<10x128xf32, #tpu.memory_space<vmem>>) target_semaphore(%run_scoped3A : memref<!tpu.dma_semaphore, #tpu.memory_space<semaphore_mem>>)
      %dma_wait3A_123 = arith.constant 0 : i32
      %dma_wait3A_124 = tpu.memref_slice %arg14[%mul3A_90, %dma_wait3A_123] : memref<20x128xf32, #tpu.memory_space<vmem_shared>> -> memref<10x128xf32, #tpu.memory_space<vmem_shared>>
      %dma_wait3A_125 = arith.constant 0 : i32
      %dma_wait3A_126 = tpu.memref_slice %arg14[%mul3A_90, %dma_wait3A_125] : memref<20x128xf32, #tpu.memory_space<vmem_shared>> -> memref<10x128xf32, #tpu.memory_space<vmem_shared>>
      tpu.wait_dma2 semaphore(%run_scoped3A : memref<!tpu.dma_semaphore, #tpu.memory_space<semaphore_mem>>) src(%dma_wait3A_126 : memref<10x128xf32, #tpu.memory_space<vmem_shared>>) dst(%arg8 : memref<10x128xf32, #tpu.memory_space<vmem>>)
      tpu.yield
    }) : () -> ()
    %add3A_91 = arith.addi %sub3A_18, %select_n3A : i32
    %while3A = arith.subi %add3A_91, %sub3A_18 : i32
    %while3A_92 = arith.addi %sub3A_18, %while3A : i32
    %while3A_93 = arith.constant 1 : i32
    %while3A_94 = arith.divsi %while3A, %while3A_93 : i32
    %while3A_95 = arith.muli %while3A_94, %while3A_93 : i32
    %while3A_96 = arith.addi %sub3A_18, %while3A_95 : i32
    %while3A_97 = arith.constant 1 : i32
    %while3A_98:10 = scf.for %while3A_119 = %sub3A_18 to %while3A_96 step %while3A_97 iter_args(%while3A_120 = %broadcast_in_dim3A_40, %while3A_121 = %broadcast_in_dim3A_40, %while3A_122 = %broadcast_in_dim3A_40, %while3A_123 = %broadcast_in_dim3A_40, %while3A_124 = %broadcast_in_dim3A_40, %while3A_125 = %broadcast_in_dim3A_40, %while3A_126 = %broadcast_in_dim3A_40, %while3A_127 = %broadcast_in_dim3A_40, %while3A_128 = %broadcast_in_dim3A_40, %while3A_129 = %broadcast_in_dim3A_40) -> (vector<16xf32>, vector<16xf32>, vector<16xf32>, vector<16xf32>, vector<16xf32>, vector<16xf32>, vector<16xf32>, vector<16xf32>, vector<16xf32>, vector<16xf32>)  : i32 {
      %shift_left3A = arith.constant 3 : i32
      %shift_left3A_130 = arith.shli %while3A_119, %shift_left3A : i32
      %scan3A_131 = arith.constant 0 : i32
      %scan3A_132 = arith.constant 8 : i32
      %scan3A_133 = arith.addi %scan3A_131, %scan3A_132 : i32
      %scan3A_134 = arith.constant 1 : i32
      %scan3A_135:10 = scf.for %scan3A_137 = %scan3A_131 to %scan3A_133 step %scan3A_134 iter_args(%scan3A_138 = %while3A_120, %scan3A_139 = %while3A_121, %scan3A_140 = %while3A_122, %scan3A_141 = %while3A_123, %scan3A_142 = %while3A_124, %scan3A_143 = %while3A_125, %scan3A_144 = %while3A_126, %scan3A_145 = %while3A_127, %scan3A_146 = %while3A_128, %scan3A_147 = %while3A_129) -> (vector<16xf32>, vector<16xf32>, vector<16xf32>, vector<16xf32>, vector<16xf32>, vector<16xf32>, vector<16xf32>, vector<16xf32>, vector<16xf32>, vector<16xf32>)  : i32 {
        %mul3A_148 = arith.constant 16 : i32
        %mul3A_149 = arith.muli %mul3A_148, %scan3A_137 : i32
        %get3A = arith.constant 0 : i32
        %get3A_150 = arith.index_cast %get3A : i32 to index
        %get3A_151 = arith.index_cast %mul3A_149 : i32 to index
        %get3A_152 = tpu.vector_load %arg8[%get3A_150, %get3A_151] {strides = array<i32>} : memref<10x128xf32, #tpu.memory_space<vmem>>, vector<16xf32>,
        %mul3A_153 = arith.constant 16 : i32
        %mul3A_154 = arith.muli %mul3A_153, %scan3A_137 : i32
        %get3A_155 = arith.constant 1 : i32
        %get3A_156 = arith.index_cast %get3A_155 : i32 to index
        %get3A_157 = arith.index_cast %mul3A_154 : i32 to index
        %get3A_158 = tpu.vector_load %arg8[%get3A_156, %get3A_157] {strides = array<i32>} : memref<10x128xf32, #tpu.memory_space<vmem>>, vector<16xf32>,
        %mul3A_159 = arith.constant 16 : i32
        %mul3A_160 = arith.muli %mul3A_159, %scan3A_137 : i32
        %get3A_161 = arith.constant 2 : i32
        %get3A_162 = arith.index_cast %get3A_161 : i32 to index
        %get3A_163 = arith.index_cast %mul3A_160 : i32 to index
        %get3A_164 = tpu.vector_load %arg8[%get3A_162, %get3A_163] {strides = array<i32>} : memref<10x128xf32, #tpu.memory_space<vmem>>, vector<16xf32>,
        %mul3A_165 = arith.constant 16 : i32
        %mul3A_166 = arith.muli %mul3A_165, %scan3A_137 : i32
        %get3A_167 = arith.constant 3 : i32
        %get3A_168 = arith.index_cast %get3A_167 : i32 to index
        %get3A_169 = arith.index_cast %mul3A_166 : i32 to index
        %get3A_170 = tpu.vector_load %arg8[%get3A_168, %get3A_169] {strides = array<i32>} : memref<10x128xf32, #tpu.memory_space<vmem>>, vector<16xf32>,
        %mul3A_171 = arith.constant 16 : i32
        %mul3A_172 = arith.muli %mul3A_171, %scan3A_137 : i32
        %get3A_173 = arith.constant 4 : i32
        %get3A_174 = arith.index_cast %get3A_173 : i32 to index
        %get3A_175 = arith.index_cast %mul3A_172 : i32 to index
        %get3A_176 = tpu.vector_load %arg8[%get3A_174, %get3A_175] {strides = array<i32>} : memref<10x128xf32, #tpu.memory_space<vmem>>, vector<16xf32>,
        %mul3A_177 = arith.constant 16 : i32
        %mul3A_178 = arith.muli %mul3A_177, %scan3A_137 : i32
        %get3A_179 = arith.constant 5 : i32
        %get3A_180 = arith.index_cast %get3A_179 : i32 to index
        %get3A_181 = arith.index_cast %mul3A_178 : i32 to index
        %get3A_182 = tpu.vector_load %arg8[%get3A_180, %get3A_181] {strides = array<i32>} : memref<10x128xf32, #tpu.memory_space<vmem>>, vector<16xf32>,
        %mul3A_183 = arith.constant 16 : i32
        %mul3A_184 = arith.muli %mul3A_183, %scan3A_137 : i32
        %get3A_185 = arith.constant 6 : i32
        %get3A_186 = arith.index_cast %get3A_185 : i32 to index
        %get3A_187 = arith.index_cast %mul3A_184 : i32 to index
        %get3A_188 = tpu.vector_load %arg8[%get3A_186, %get3A_187] {strides = array<i32>} : memref<10x128xf32, #tpu.memory_space<vmem>>, vector<16xf32>,
        %mul3A_189 = arith.constant 16 : i32
        %mul3A_190 = arith.muli %mul3A_189, %scan3A_137 : i32
        %get3A_191 = arith.constant 7 : i32
        %get3A_192 = arith.index_cast %get3A_191 : i32 to index
        %get3A_193 = arith.index_cast %mul3A_190 : i32 to index
        %get3A_194 = tpu.vector_load %arg8[%get3A_192, %get3A_193] {strides = array<i32>} : memref<10x128xf32, #tpu.memory_space<vmem>>, vector<16xf32>,
        %mul3A_195 = arith.constant 16 : i32
        %mul3A_196 = arith.muli %mul3A_195, %scan3A_137 : i32
        %get3A_197 = arith.constant 8 : i32
        %get3A_198 = arith.index_cast %get3A_197 : i32 to index
        %get3A_199 = arith.index_cast %mul3A_196 : i32 to index
        %get3A_200 = tpu.vector_load %arg8[%get3A_198, %get3A_199] {strides = array<i32>} : memref<10x128xf32, #tpu.memory_space<vmem>>, vector<16xf32>,
        %mul3A_201 = arith.constant 16 : i32
        %mul3A_202 = arith.muli %mul3A_201, %scan3A_137 : i32
        %get3A_203 = arith.constant 9 : i32
        %get3A_204 = arith.index_cast %get3A_203 : i32 to index
        %get3A_205 = arith.index_cast %mul3A_202 : i32 to index
        %get3A_206 = tpu.vector_load %arg8[%get3A_204, %get3A_205] {strides = array<i32>} : memref<10x128xf32, #tpu.memory_space<vmem>>, vector<16xf32>,
        %add3A_207 = arith.constant 0 : i32
        %add3A_208 = arith.addi %shift_left3A_130, %add3A_207 : i32
        %mul3A_209 = arith.constant 16 : i32
        %mul3A_210 = arith.muli %mul3A_209, %scan3A_137 : i32
        %get3A_211 = arith.index_cast %add3A_208 : i32 to index
        %get3A_212 = arith.index_cast %mul3A_210 : i32 to index
        %get3A_213 = tpu.vector_load %arg6[%get3A_211, %get3A_212] {strides = array<i32>} : memref<128x128xf32, #tpu.memory_space<vmem>>, vector<16xf32>,
        %add3A_214 = arith.constant 0 : i32
        %add3A_215 = arith.addi %shift_left3A_130, %add3A_214 : i32
        %mul3A_216 = arith.constant 16 : i32
        %mul3A_217 = arith.muli %mul3A_216, %scan3A_137 : i32
        %get3A_218 = arith.index_cast %add3A_215 : i32 to index
        %get3A_219 = arith.index_cast %mul3A_217 : i32 to index
        %get3A_220 = tpu.vector_load %arg7[%get3A_218, %get3A_219] {strides = array<i32>} : memref<128x128xf32, #tpu.memory_space<vmem>>, vector<16xf32>,
        %sub3A_221 = arith.subf %get3A_213, %get3A_220 : vector<16xf32>
        %max3A = arith.maximumf %sub3A_221, %get3A_152 : vector<16xf32>
        %add3A_222 = arith.addf %scan3A_138, %max3A : vector<16xf32>
        %max3A_223 = arith.maximumf %sub3A_221, %get3A_158 : vector<16xf32>
        %add3A_224 = arith.addf %scan3A_139, %max3A_223 : vector<16xf32>
        %max3A_225 = arith.maximumf %sub3A_221, %get3A_164 : vector<16xf32>
        %add3A_226 = arith.addf %scan3A_140, %max3A_225 : vector<16xf32>
        %max3A_227 = arith.maximumf %sub3A_221, %get3A_170 : vector<16xf32>
        %add3A_228 = arith.addf %scan3A_141, %max3A_227 : vector<16xf32>
        %max3A_229 = arith.maximumf %sub3A_221, %get3A_176 : vector<16xf32>
        %add3A_230 = arith.addf %scan3A_142, %max3A_229 : vector<16xf32>
        %max3A_231 = arith.maximumf %sub3A_221, %get3A_182 : vector<16xf32>
        %add3A_232 = arith.addf %scan3A_143, %max3A_231 : vector<16xf32>
        %max3A_233 = arith.maximumf %sub3A_221, %get3A_188 : vector<16xf32>
        %add3A_234 = arith.addf %scan3A_144, %max3A_233 : vector<16xf32>
        %max3A_235 = arith.maximumf %sub3A_221, %get3A_194 : vector<16xf32>
        %add3A_236 = arith.addf %scan3A_145, %max3A_235 : vector<16xf32>
        %max3A_237 = arith.maximumf %sub3A_221, %get3A_200 : vector<16xf32>
        %add3A_238 = arith.addf %scan3A_146, %max3A_237 : vector<16xf32>
        %max3A_239 = arith.maximumf %sub3A_221, %get3A_206 : vector<16xf32>
        %add3A_240 = arith.addf %scan3A_147, %max3A_239 : vector<16xf32>
        %add3A_241 = arith.constant 1 : i32
        %add3A_242 = arith.addi %shift_left3A_130, %add3A_241 : i32
        %mul3A_243 = arith.constant 16 : i32
        %mul3A_244 = arith.muli %mul3A_243, %scan3A_137 : i32
        %get3A_245 = arith.index_cast %add3A_242 : i32 to index
        %get3A_246 = arith.index_cast %mul3A_244 : i32 to index
        %get3A_247 = tpu.vector_load %arg6[%get3A_245, %get3A_246] {strides = array<i32>} : memref<128x128xf32, #tpu.memory_space<vmem>>, vector<16xf32>,
        %add3A_248 = arith.constant 1 : i32
        %add3A_249 = arith.addi %shift_left3A_130, %add3A_248 : i32
        %mul3A_250 = arith.constant 16 : i32
        %mul3A_251 = arith.muli %mul3A_250, %scan3A_137 : i32
        %get3A_252 = arith.index_cast %add3A_249 : i32 to index
        %get3A_253 = arith.index_cast %mul3A_251 : i32 to index
        %get3A_254 = tpu.vector_load %arg7[%get3A_252, %get3A_253] {strides = array<i32>} : memref<128x128xf32, #tpu.memory_space<vmem>>, vector<16xf32>,
        %sub3A_255 = arith.subf %get3A_247, %get3A_254 : vector<16xf32>
        %max3A_256 = arith.maximumf %sub3A_255, %get3A_152 : vector<16xf32>
        %add3A_257 = arith.addf %add3A_222, %max3A_256 : vector<16xf32>
        %max3A_258 = arith.maximumf %sub3A_255, %get3A_158 : vector<16xf32>
        %add3A_259 = arith.addf %add3A_224, %max3A_258 : vector<16xf32>
        %max3A_260 = arith.maximumf %sub3A_255, %get3A_164 : vector<16xf32>
        %add3A_261 = arith.addf %add3A_226, %max3A_260 : vector<16xf32>
        %max3A_262 = arith.maximumf %sub3A_255, %get3A_170 : vector<16xf32>
        %add3A_263 = arith.addf %add3A_228, %max3A_262 : vector<16xf32>
        %max3A_264 = arith.maximumf %sub3A_255, %get3A_176 : vector<16xf32>
        %add3A_265 = arith.addf %add3A_230, %max3A_264 : vector<16xf32>
        %max3A_266 = arith.maximumf %sub3A_255, %get3A_182 : vector<16xf32>
        %add3A_267 = arith.addf %add3A_232, %max3A_266 : vector<16xf32>
        %max3A_268 = arith.maximumf %sub3A_255, %get3A_188 : vector<16xf32>
        %add3A_269 = arith.addf %add3A_234, %max3A_268 : vector<16xf32>
        %max3A_270 = arith.maximumf %sub3A_255, %get3A_194 : vector<16xf32>
        %add3A_271 = arith.addf %add3A_236, %max3A_270 : vector<16xf32>
        %max3A_272 = arith.maximumf %sub3A_255, %get3A_200 : vector<16xf32>
        %add3A_273 = arith.addf %add3A_238, %max3A_272 : vector<16xf32>
        %max3A_274 = arith.maximumf %sub3A_255, %get3A_206 : vector<16xf32>
        %add3A_275 = arith.addf %add3A_240, %max3A_274 : vector<16xf32>
        %add3A_276 = arith.constant 2 : i32
        %add3A_277 = arith.addi %shift_left3A_130, %add3A_276 : i32
        %mul3A_278 = arith.constant 16 : i32
        %mul3A_279 = arith.muli %mul3A_278, %scan3A_137 : i32
        %get3A_280 = arith.index_cast %add3A_277 : i32 to index
        %get3A_281 = arith.index_cast %mul3A_279 : i32 to index
        %get3A_282 = tpu.vector_load %arg6[%get3A_280, %get3A_281] {strides = array<i32>} : memref<128x128xf32, #tpu.memory_space<vmem>>, vector<16xf32>,
        %add3A_283 = arith.constant 2 : i32
        %add3A_284 = arith.addi %shift_left3A_130, %add3A_283 : i32
        %mul3A_285 = arith.constant 16 : i32
        %mul3A_286 = arith.muli %mul3A_285, %scan3A_137 : i32
        %get3A_287 = arith.index_cast %add3A_284 : i32 to index
        %get3A_288 = arith.index_cast %mul3A_286 : i32 to index
        %get3A_289 = tpu.vector_load %arg7[%get3A_287, %get3A_288] {strides = array<i32>} : memref<128x128xf32, #tpu.memory_space<vmem>>, vector<16xf32>,
        %sub3A_290 = arith.subf %get3A_282, %get3A_289 : vector<16xf32>
        %max3A_291 = arith.maximumf %sub3A_290, %get3A_152 : vector<16xf32>
        %add3A_292 = arith.addf %add3A_257, %max3A_291 : vector<16xf32>
        %max3A_293 = arith.maximumf %sub3A_290, %get3A_158 : vector<16xf32>
        %add3A_294 = arith.addf %add3A_259, %max3A_293 : vector<16xf32>
        %max3A_295 = arith.maximumf %sub3A_290, %get3A_164 : vector<16xf32>
        %add3A_296 = arith.addf %add3A_261, %max3A_295 : vector<16xf32>
        %max3A_297 = arith.maximumf %sub3A_290, %get3A_170 : vector<16xf32>
        %add3A_298 = arith.addf %add3A_263, %max3A_297 : vector<16xf32>
        %max3A_299 = arith.maximumf %sub3A_290, %get3A_176 : vector<16xf32>
        %add3A_300 = arith.addf %add3A_265, %max3A_299 : vector<16xf32>
        %max3A_301 = arith.maximumf %sub3A_290, %get3A_182 : vector<16xf32>
        %add3A_302 = arith.addf %add3A_267, %max3A_301 : vector<16xf32>
        %max3A_303 = arith.maximumf %sub3A_290, %get3A_188 : vector<16xf32>
        %add3A_304 = arith.addf %add3A_269, %max3A_303 : vector<16xf32>
        %max3A_305 = arith.maximumf %sub3A_290, %get3A_194 : vector<16xf32>
        %add3A_306 = arith.addf %add3A_271, %max3A_305 : vector<16xf32>
        %max3A_307 = arith.maximumf %sub3A_290, %get3A_200 : vector<16xf32>
        %add3A_308 = arith.addf %add3A_273, %max3A_307 : vector<16xf32>
        %max3A_309 = arith.maximumf %sub3A_290, %get3A_206 : vector<16xf32>
        %add3A_310 = arith.addf %add3A_275, %max3A_309 : vector<16xf32>
        %add3A_311 = arith.constant 3 : i32
        %add3A_312 = arith.addi %shift_left3A_130, %add3A_311 : i32
        %mul3A_313 = arith.constant 16 : i32
        %mul3A_314 = arith.muli %mul3A_313, %scan3A_137 : i32
        %get3A_315 = arith.index_cast %add3A_312 : i32 to index
        %get3A_316 = arith.index_cast %mul3A_314 : i32 to index
        %get3A_317 = tpu.vector_load %arg6[%get3A_315, %get3A_316] {strides = array<i32>} : memref<128x128xf32, #tpu.memory_space<vmem>>, vector<16xf32>,
        %add3A_318 = arith.constant 3 : i32
        %add3A_319 = arith.addi %shift_left3A_130, %add3A_318 : i32
        %mul3A_320 = arith.constant 16 : i32
        %mul3A_321 = arith.muli %mul3A_320, %scan3A_137 : i32
        %get3A_322 = arith.index_cast %add3A_319 : i32 to index
        %get3A_323 = arith.index_cast %mul3A_321 : i32 to index
        %get3A_324 = tpu.vector_load %arg7[%get3A_322, %get3A_323] {strides = array<i32>} : memref<128x128xf32, #tpu.memory_space<vmem>>, vector<16xf32>,
        %sub3A_325 = arith.subf %get3A_317, %get3A_324 : vector<16xf32>
        %max3A_326 = arith.maximumf %sub3A_325, %get3A_152 : vector<16xf32>
        %add3A_327 = arith.addf %add3A_292, %max3A_326 : vector<16xf32>
        %max3A_328 = arith.maximumf %sub3A_325, %get3A_158 : vector<16xf32>
        %add3A_329 = arith.addf %add3A_294, %max3A_328 : vector<16xf32>
        %max3A_330 = arith.maximumf %sub3A_325, %get3A_164 : vector<16xf32>
        %add3A_331 = arith.addf %add3A_296, %max3A_330 : vector<16xf32>
        %max3A_332 = arith.maximumf %sub3A_325, %get3A_170 : vector<16xf32>
        %add3A_333 = arith.addf %add3A_298, %max3A_332 : vector<16xf32>
        %max3A_334 = arith.maximumf %sub3A_325, %get3A_176 : vector<16xf32>
        %add3A_335 = arith.addf %add3A_300, %max3A_334 : vector<16xf32>
        %max3A_336 = arith.maximumf %sub3A_325, %get3A_182 : vector<16xf32>
        %add3A_337 = arith.addf %add3A_302, %max3A_336 : vector<16xf32>
        %max3A_338 = arith.maximumf %sub3A_325, %get3A_188 : vector<16xf32>
        %add3A_339 = arith.addf %add3A_304, %max3A_338 : vector<16xf32>
        %max3A_340 = arith.maximumf %sub3A_325, %get3A_194 : vector<16xf32>
        %add3A_341 = arith.addf %add3A_306, %max3A_340 : vector<16xf32>
        %max3A_342 = arith.maximumf %sub3A_325, %get3A_200 : vector<16xf32>
        %add3A_343 = arith.addf %add3A_308, %max3A_342 : vector<16xf32>
        %max3A_344 = arith.maximumf %sub3A_325, %get3A_206 : vector<16xf32>
        %add3A_345 = arith.addf %add3A_310, %max3A_344 : vector<16xf32>
        %add3A_346 = arith.constant 4 : i32
        %add3A_347 = arith.addi %shift_left3A_130, %add3A_346 : i32
        %mul3A_348 = arith.constant 16 : i32
        %mul3A_349 = arith.muli %mul3A_348, %scan3A_137 : i32
        %get3A_350 = arith.index_cast %add3A_347 : i32 to index
        %get3A_351 = arith.index_cast %mul3A_349 : i32 to index
        %get3A_352 = tpu.vector_load %arg6[%get3A_350, %get3A_351] {strides = array<i32>} : memref<128x128xf32, #tpu.memory_space<vmem>>, vector<16xf32>,
        %add3A_353 = arith.constant 4 : i32
        %add3A_354 = arith.addi %shift_left3A_130, %add3A_353 : i32
        %mul3A_355 = arith.constant 16 : i32
        %mul3A_356 = arith.muli %mul3A_355, %scan3A_137 : i32
        %get3A_357 = arith.index_cast %add3A_354 : i32 to index
        %get3A_358 = arith.index_cast %mul3A_356 : i32 to index
        %get3A_359 = tpu.vector_load %arg7[%get3A_357, %get3A_358] {strides = array<i32>} : memref<128x128xf32, #tpu.memory_space<vmem>>, vector<16xf32>,
        %sub3A_360 = arith.subf %get3A_352, %get3A_359 : vector<16xf32>
        %max3A_361 = arith.maximumf %sub3A_360, %get3A_152 : vector<16xf32>
        %add3A_362 = arith.addf %add3A_327, %max3A_361 : vector<16xf32>
        %max3A_363 = arith.maximumf %sub3A_360, %get3A_158 : vector<16xf32>
        %add3A_364 = arith.addf %add3A_329, %max3A_363 : vector<16xf32>
        %max3A_365 = arith.maximumf %sub3A_360, %get3A_164 : vector<16xf32>
        %add3A_366 = arith.addf %add3A_331, %max3A_365 : vector<16xf32>
        %max3A_367 = arith.maximumf %sub3A_360, %get3A_170 : vector<16xf32>
        %add3A_368 = arith.addf %add3A_333, %max3A_367 : vector<16xf32>
        %max3A_369 = arith.maximumf %sub3A_360, %get3A_176 : vector<16xf32>
        %add3A_370 = arith.addf %add3A_335, %max3A_369 : vector<16xf32>
        %max3A_371 = arith.maximumf %sub3A_360, %get3A_182 : vector<16xf32>
        %add3A_372 = arith.addf %add3A_337, %max3A_371 : vector<16xf32>
        %max3A_373 = arith.maximumf %sub3A_360, %get3A_188 : vector<16xf32>
        %add3A_374 = arith.addf %add3A_339, %max3A_373 : vector<16xf32>
        %max3A_375 = arith.maximumf %sub3A_360, %get3A_194 : vector<16xf32>
        %add3A_376 = arith.addf %add3A_341, %max3A_375 : vector<16xf32>
        %max3A_377 = arith.maximumf %sub3A_360, %get3A_200 : vector<16xf32>
        %add3A_378 = arith.addf %add3A_343, %max3A_377 : vector<16xf32>
        %max3A_379 = arith.maximumf %sub3A_360, %get3A_206 : vector<16xf32>
        %add3A_380 = arith.addf %add3A_345, %max3A_379 : vector<16xf32>
        %add3A_381 = arith.constant 5 : i32
        %add3A_382 = arith.addi %shift_left3A_130, %add3A_381 : i32
        %mul3A_383 = arith.constant 16 : i32
        %mul3A_384 = arith.muli %mul3A_383, %scan3A_137 : i32
        %get3A_385 = arith.index_cast %add3A_382 : i32 to index
        %get3A_386 = arith.index_cast %mul3A_384 : i32 to index
        %get3A_387 = tpu.vector_load %arg6[%get3A_385, %get3A_386] {strides = array<i32>} : memref<128x128xf32, #tpu.memory_space<vmem>>, vector<16xf32>,
        %add3A_388 = arith.constant 5 : i32
        %add3A_389 = arith.addi %shift_left3A_130, %add3A_388 : i32
        %mul3A_390 = arith.constant 16 : i32
        %mul3A_391 = arith.muli %mul3A_390, %scan3A_137 : i32
        %get3A_392 = arith.index_cast %add3A_389 : i32 to index
        %get3A_393 = arith.index_cast %mul3A_391 : i32 to index
        %get3A_394 = tpu.vector_load %arg7[%get3A_392, %get3A_393] {strides = array<i32>} : memref<128x128xf32, #tpu.memory_space<vmem>>, vector<16xf32>,
        %sub3A_395 = arith.subf %get3A_387, %get3A_394 : vector<16xf32>
        %max3A_396 = arith.maximumf %sub3A_395, %get3A_152 : vector<16xf32>
        %add3A_397 = arith.addf %add3A_362, %max3A_396 : vector<16xf32>
        %max3A_398 = arith.maximumf %sub3A_395, %get3A_158 : vector<16xf32>
        %add3A_399 = arith.addf %add3A_364, %max3A_398 : vector<16xf32>
        %max3A_400 = arith.maximumf %sub3A_395, %get3A_164 : vector<16xf32>
        %add3A_401 = arith.addf %add3A_366, %max3A_400 : vector<16xf32>
        %max3A_402 = arith.maximumf %sub3A_395, %get3A_170 : vector<16xf32>
        %add3A_403 = arith.addf %add3A_368, %max3A_402 : vector<16xf32>
        %max3A_404 = arith.maximumf %sub3A_395, %get3A_176 : vector<16xf32>
        %add3A_405 = arith.addf %add3A_370, %max3A_404 : vector<16xf32>
        %max3A_406 = arith.maximumf %sub3A_395, %get3A_182 : vector<16xf32>
        %add3A_407 = arith.addf %add3A_372, %max3A_406 : vector<16xf32>
        %max3A_408 = arith.maximumf %sub3A_395, %get3A_188 : vector<16xf32>
        %add3A_409 = arith.addf %add3A_374, %max3A_408 : vector<16xf32>
        %max3A_410 = arith.maximumf %sub3A_395, %get3A_194 : vector<16xf32>
        %add3A_411 = arith.addf %add3A_376, %max3A_410 : vector<16xf32>
        %max3A_412 = arith.maximumf %sub3A_395, %get3A_200 : vector<16xf32>
        %add3A_413 = arith.addf %add3A_378, %max3A_412 : vector<16xf32>
        %max3A_414 = arith.maximumf %sub3A_395, %get3A_206 : vector<16xf32>
        %add3A_415 = arith.addf %add3A_380, %max3A_414 : vector<16xf32>
        %add3A_416 = arith.constant 6 : i32
        %add3A_417 = arith.addi %shift_left3A_130, %add3A_416 : i32
        %mul3A_418 = arith.constant 16 : i32
        %mul3A_419 = arith.muli %mul3A_418, %scan3A_137 : i32
        %get3A_420 = arith.index_cast %add3A_417 : i32 to index
        %get3A_421 = arith.index_cast %mul3A_419 : i32 to index
        %get3A_422 = tpu.vector_load %arg6[%get3A_420, %get3A_421] {strides = array<i32>} : memref<128x128xf32, #tpu.memory_space<vmem>>, vector<16xf32>,
        %add3A_423 = arith.constant 6 : i32
        %add3A_424 = arith.addi %shift_left3A_130, %add3A_423 : i32
        %mul3A_425 = arith.constant 16 : i32
        %mul3A_426 = arith.muli %mul3A_425, %scan3A_137 : i32
        %get3A_427 = arith.index_cast %add3A_424 : i32 to index
        %get3A_428 = arith.index_cast %mul3A_426 : i32 to index
        %get3A_429 = tpu.vector_load %arg7[%get3A_427, %get3A_428] {strides = array<i32>} : memref<128x128xf32, #tpu.memory_space<vmem>>, vector<16xf32>,
        %sub3A_430 = arith.subf %get3A_422, %get3A_429 : vector<16xf32>
        %max3A_431 = arith.maximumf %sub3A_430, %get3A_152 : vector<16xf32>
        %add3A_432 = arith.addf %add3A_397, %max3A_431 : vector<16xf32>
        %max3A_433 = arith.maximumf %sub3A_430, %get3A_158 : vector<16xf32>
        %add3A_434 = arith.addf %add3A_399, %max3A_433 : vector<16xf32>
        %max3A_435 = arith.maximumf %sub3A_430, %get3A_164 : vector<16xf32>
        %add3A_436 = arith.addf %add3A_401, %max3A_435 : vector<16xf32>
        %max3A_437 = arith.maximumf %sub3A_430, %get3A_170 : vector<16xf32>
        %add3A_438 = arith.addf %add3A_403, %max3A_437 : vector<16xf32>
        %max3A_439 = arith.maximumf %sub3A_430, %get3A_176 : vector<16xf32>
        %add3A_440 = arith.addf %add3A_405, %max3A_439 : vector<16xf32>
        %max3A_441 = arith.maximumf %sub3A_430, %get3A_182 : vector<16xf32>
        %add3A_442 = arith.addf %add3A_407, %max3A_441 : vector<16xf32>
        %max3A_443 = arith.maximumf %sub3A_430, %get3A_188 : vector<16xf32>
        %add3A_444 = arith.addf %add3A_409, %max3A_443 : vector<16xf32>
        %max3A_445 = arith.maximumf %sub3A_430, %get3A_194 : vector<16xf32>
        %add3A_446 = arith.addf %add3A_411, %max3A_445 : vector<16xf32>
        %max3A_447 = arith.maximumf %sub3A_430, %get3A_200 : vector<16xf32>
        %add3A_448 = arith.addf %add3A_413, %max3A_447 : vector<16xf32>
        %max3A_449 = arith.maximumf %sub3A_430, %get3A_206 : vector<16xf32>
        %add3A_450 = arith.addf %add3A_415, %max3A_449 : vector<16xf32>
        %add3A_451 = arith.constant 7 : i32
        %add3A_452 = arith.addi %shift_left3A_130, %add3A_451 : i32
        %mul3A_453 = arith.constant 16 : i32
        %mul3A_454 = arith.muli %mul3A_453, %scan3A_137 : i32
        %get3A_455 = arith.index_cast %add3A_452 : i32 to index
        %get3A_456 = arith.index_cast %mul3A_454 : i32 to index
        %get3A_457 = tpu.vector_load %arg6[%get3A_455, %get3A_456] {strides = array<i32>} : memref<128x128xf32, #tpu.memory_space<vmem>>, vector<16xf32>,
        %add3A_458 = arith.constant 7 : i32
        %add3A_459 = arith.addi %shift_left3A_130, %add3A_458 : i32
        %mul3A_460 = arith.constant 16 : i32
        %mul3A_461 = arith.muli %mul3A_460, %scan3A_137 : i32
        %get3A_462 = arith.index_cast %add3A_459 : i32 to index
        %get3A_463 = arith.index_cast %mul3A_461 : i32 to index
        %get3A_464 = tpu.vector_load %arg7[%get3A_462, %get3A_463] {strides = array<i32>} : memref<128x128xf32, #tpu.memory_space<vmem>>, vector<16xf32>,
        %sub3A_465 = arith.subf %get3A_457, %get3A_464 : vector<16xf32>
        %max3A_466 = arith.maximumf %sub3A_465, %get3A_152 : vector<16xf32>
        %add3A_467 = arith.addf %add3A_432, %max3A_466 : vector<16xf32>
        %max3A_468 = arith.maximumf %sub3A_465, %get3A_158 : vector<16xf32>
        %add3A_469 = arith.addf %add3A_434, %max3A_468 : vector<16xf32>
        %max3A_470 = arith.maximumf %sub3A_465, %get3A_164 : vector<16xf32>
        %add3A_471 = arith.addf %add3A_436, %max3A_470 : vector<16xf32>
        %max3A_472 = arith.maximumf %sub3A_465, %get3A_170 : vector<16xf32>
        %add3A_473 = arith.addf %add3A_438, %max3A_472 : vector<16xf32>
        %max3A_474 = arith.maximumf %sub3A_465, %get3A_176 : vector<16xf32>
        %add3A_475 = arith.addf %add3A_440, %max3A_474 : vector<16xf32>
        %max3A_476 = arith.maximumf %sub3A_465, %get3A_182 : vector<16xf32>
        %add3A_477 = arith.addf %add3A_442, %max3A_476 : vector<16xf32>
        %max3A_478 = arith.maximumf %sub3A_465, %get3A_188 : vector<16xf32>
        %add3A_479 = arith.addf %add3A_444, %max3A_478 : vector<16xf32>
        %max3A_480 = arith.maximumf %sub3A_465, %get3A_194 : vector<16xf32>
        %add3A_481 = arith.addf %add3A_446, %max3A_480 : vector<16xf32>
        %max3A_482 = arith.maximumf %sub3A_465, %get3A_200 : vector<16xf32>
        %add3A_483 = arith.addf %add3A_448, %max3A_482 : vector<16xf32>
        %max3A_484 = arith.maximumf %sub3A_465, %get3A_206 : vector<16xf32>
        %add3A_485 = arith.addf %add3A_450, %max3A_484 : vector<16xf32>
        scf.yield %add3A_467, %add3A_469, %add3A_471, %add3A_473, %add3A_475, %add3A_477, %add3A_479, %add3A_481, %add3A_483, %add3A_485 : vector<16xf32>, vector<16xf32>, vector<16xf32>, vector<16xf32>, vector<16xf32>, vector<16xf32>, vector<16xf32>, vector<16xf32>, vector<16xf32>, vector<16xf32>
      }
      %scan3A_136 = arith.constant 8 : i32
      scf.yield %scan3A_135#0, %scan3A_135#1, %scan3A_135#2, %scan3A_135#3, %scan3A_135#4, %scan3A_135#5, %scan3A_135#6, %scan3A_135#7, %scan3A_135#8, %scan3A_135#9 : vector<16xf32>, vector<16xf32>, vector<16xf32>, vector<16xf32>, vector<16xf32>, vector<16xf32>, vector<16xf32>, vector<16xf32>, vector<16xf32>, vector<16xf32>
    }
    %while3A_99 = arith.constant 1 : i32
    %while3A_100:10 = scf.for %while3A_119 = %while3A_96 to %while3A_92 step %while3A_99 iter_args(%while3A_120 = %while3A_98#0, %while3A_121 = %while3A_98#1, %while3A_122 = %while3A_98#2, %while3A_123 = %while3A_98#3, %while3A_124 = %while3A_98#4, %while3A_125 = %while3A_98#5, %while3A_126 = %while3A_98#6, %while3A_127 = %while3A_98#7, %while3A_128 = %while3A_98#8, %while3A_129 = %while3A_98#9) -> (vector<16xf32>, vector<16xf32>, vector<16xf32>, vector<16xf32>, vector<16xf32>, vector<16xf32>, vector<16xf32>, vector<16xf32>, vector<16xf32>, vector<16xf32>)  : i32 {
      %shift_left3A = arith.constant 3 : i32
      %shift_left3A_130 = arith.shli %while3A_119, %shift_left3A : i32
      %scan3A_131 = arith.constant 0 : i32
      %scan3A_132 = arith.constant 8 : i32
      %scan3A_133 = arith.addi %scan3A_131, %scan3A_132 : i32
      %scan3A_134 = arith.constant 1 : i32
      %scan3A_135:10 = scf.for %scan3A_137 = %scan3A_131 to %scan3A_133 step %scan3A_134 iter_args(%scan3A_138 = %while3A_120, %scan3A_139 = %while3A_121, %scan3A_140 = %while3A_122, %scan3A_141 = %while3A_123, %scan3A_142 = %while3A_124, %scan3A_143 = %while3A_125, %scan3A_144 = %while3A_126, %scan3A_145 = %while3A_127, %scan3A_146 = %while3A_128, %scan3A_147 = %while3A_129) -> (vector<16xf32>, vector<16xf32>, vector<16xf32>, vector<16xf32>, vector<16xf32>, vector<16xf32>, vector<16xf32>, vector<16xf32>, vector<16xf32>, vector<16xf32>)  : i32 {
        %mul3A_148 = arith.constant 16 : i32
        %mul3A_149 = arith.muli %mul3A_148, %scan3A_137 : i32
        %get3A = arith.constant 0 : i32
        %get3A_150 = arith.index_cast %get3A : i32 to index
        %get3A_151 = arith.index_cast %mul3A_149 : i32 to index
        %get3A_152 = tpu.vector_load %arg8[%get3A_150, %get3A_151] {strides = array<i32>} : memref<10x128xf32, #tpu.memory_space<vmem>>, vector<16xf32>,
        %mul3A_153 = arith.constant 16 : i32
        %mul3A_154 = arith.muli %mul3A_153, %scan3A_137 : i32
        %get3A_155 = arith.constant 1 : i32
        %get3A_156 = arith.index_cast %get3A_155 : i32 to index
        %get3A_157 = arith.index_cast %mul3A_154 : i32 to index
        %get3A_158 = tpu.vector_load %arg8[%get3A_156, %get3A_157] {strides = array<i32>} : memref<10x128xf32, #tpu.memory_space<vmem>>, vector<16xf32>,
        %mul3A_159 = arith.constant 16 : i32
        %mul3A_160 = arith.muli %mul3A_159, %scan3A_137 : i32
        %get3A_161 = arith.constant 2 : i32
        %get3A_162 = arith.index_cast %get3A_161 : i32 to index
        %get3A_163 = arith.index_cast %mul3A_160 : i32 to index
        %get3A_164 = tpu.vector_load %arg8[%get3A_162, %get3A_163] {strides = array<i32>} : memref<10x128xf32, #tpu.memory_space<vmem>>, vector<16xf32>,
        %mul3A_165 = arith.constant 16 : i32
        %mul3A_166 = arith.muli %mul3A_165, %scan3A_137 : i32
        %get3A_167 = arith.constant 3 : i32
        %get3A_168 = arith.index_cast %get3A_167 : i32 to index
        %get3A_169 = arith.index_cast %mul3A_166 : i32 to index
        %get3A_170 = tpu.vector_load %arg8[%get3A_168, %get3A_169] {strides = array<i32>} : memref<10x128xf32, #tpu.memory_space<vmem>>, vector<16xf32>,
        %mul3A_171 = arith.constant 16 : i32
        %mul3A_172 = arith.muli %mul3A_171, %scan3A_137 : i32
        %get3A_173 = arith.constant 4 : i32
        %get3A_174 = arith.index_cast %get3A_173 : i32 to index
        %get3A_175 = arith.index_cast %mul3A_172 : i32 to index
        %get3A_176 = tpu.vector_load %arg8[%get3A_174, %get3A_175] {strides = array<i32>} : memref<10x128xf32, #tpu.memory_space<vmem>>, vector<16xf32>,
        %mul3A_177 = arith.constant 16 : i32
        %mul3A_178 = arith.muli %mul3A_177, %scan3A_137 : i32
        %get3A_179 = arith.constant 5 : i32
        %get3A_180 = arith.index_cast %get3A_179 : i32 to index
        %get3A_181 = arith.index_cast %mul3A_178 : i32 to index
        %get3A_182 = tpu.vector_load %arg8[%get3A_180, %get3A_181] {strides = array<i32>} : memref<10x128xf32, #tpu.memory_space<vmem>>, vector<16xf32>,
        %mul3A_183 = arith.constant 16 : i32
        %mul3A_184 = arith.muli %mul3A_183, %scan3A_137 : i32
        %get3A_185 = arith.constant 6 : i32
        %get3A_186 = arith.index_cast %get3A_185 : i32 to index
        %get3A_187 = arith.index_cast %mul3A_184 : i32 to index
        %get3A_188 = tpu.vector_load %arg8[%get3A_186, %get3A_187] {strides = array<i32>} : memref<10x128xf32, #tpu.memory_space<vmem>>, vector<16xf32>,
        %mul3A_189 = arith.constant 16 : i32
        %mul3A_190 = arith.muli %mul3A_189, %scan3A_137 : i32
        %get3A_191 = arith.constant 7 : i32
        %get3A_192 = arith.index_cast %get3A_191 : i32 to index
        %get3A_193 = arith.index_cast %mul3A_190 : i32 to index
        %get3A_194 = tpu.vector_load %arg8[%get3A_192, %get3A_193] {strides = array<i32>} : memref<10x128xf32, #tpu.memory_space<vmem>>, vector<16xf32>,
        %mul3A_195 = arith.constant 16 : i32
        %mul3A_196 = arith.muli %mul3A_195, %scan3A_137 : i32
        %get3A_197 = arith.constant 8 : i32
        %get3A_198 = arith.index_cast %get3A_197 : i32 to index
        %get3A_199 = arith.index_cast %mul3A_196 : i32 to index
        %get3A_200 = tpu.vector_load %arg8[%get3A_198, %get3A_199] {strides = array<i32>} : memref<10x128xf32, #tpu.memory_space<vmem>>, vector<16xf32>,
        %mul3A_201 = arith.constant 16 : i32
        %mul3A_202 = arith.muli %mul3A_201, %scan3A_137 : i32
        %get3A_203 = arith.constant 9 : i32
        %get3A_204 = arith.index_cast %get3A_203 : i32 to index
        %get3A_205 = arith.index_cast %mul3A_202 : i32 to index
        %get3A_206 = tpu.vector_load %arg8[%get3A_204, %get3A_205] {strides = array<i32>} : memref<10x128xf32, #tpu.memory_space<vmem>>, vector<16xf32>,
        %add3A_207 = arith.constant 0 : i32
        %add3A_208 = arith.addi %shift_left3A_130, %add3A_207 : i32
        %mul3A_209 = arith.constant 16 : i32
        %mul3A_210 = arith.muli %mul3A_209, %scan3A_137 : i32
        %get3A_211 = arith.index_cast %add3A_208 : i32 to index
        %get3A_212 = arith.index_cast %mul3A_210 : i32 to index
        %get3A_213 = tpu.vector_load %arg6[%get3A_211, %get3A_212] {strides = array<i32>} : memref<128x128xf32, #tpu.memory_space<vmem>>, vector<16xf32>,
        %add3A_214 = arith.constant 0 : i32
        %add3A_215 = arith.addi %shift_left3A_130, %add3A_214 : i32
        %mul3A_216 = arith.constant 16 : i32
        %mul3A_217 = arith.muli %mul3A_216, %scan3A_137 : i32
        %get3A_218 = arith.index_cast %add3A_215 : i32 to index
        %get3A_219 = arith.index_cast %mul3A_217 : i32 to index
        %get3A_220 = tpu.vector_load %arg7[%get3A_218, %get3A_219] {strides = array<i32>} : memref<128x128xf32, #tpu.memory_space<vmem>>, vector<16xf32>,
        %sub3A_221 = arith.subf %get3A_213, %get3A_220 : vector<16xf32>
        %max3A = arith.maximumf %sub3A_221, %get3A_152 : vector<16xf32>
        %add3A_222 = arith.addf %scan3A_138, %max3A : vector<16xf32>
        %max3A_223 = arith.maximumf %sub3A_221, %get3A_158 : vector<16xf32>
        %add3A_224 = arith.addf %scan3A_139, %max3A_223 : vector<16xf32>
        %max3A_225 = arith.maximumf %sub3A_221, %get3A_164 : vector<16xf32>
        %add3A_226 = arith.addf %scan3A_140, %max3A_225 : vector<16xf32>
        %max3A_227 = arith.maximumf %sub3A_221, %get3A_170 : vector<16xf32>
        %add3A_228 = arith.addf %scan3A_141, %max3A_227 : vector<16xf32>
        %max3A_229 = arith.maximumf %sub3A_221, %get3A_176 : vector<16xf32>
        %add3A_230 = arith.addf %scan3A_142, %max3A_229 : vector<16xf32>
        %max3A_231 = arith.maximumf %sub3A_221, %get3A_182 : vector<16xf32>
        %add3A_232 = arith.addf %scan3A_143, %max3A_231 : vector<16xf32>
        %max3A_233 = arith.maximumf %sub3A_221, %get3A_188 : vector<16xf32>
        %add3A_234 = arith.addf %scan3A_144, %max3A_233 : vector<16xf32>
        %max3A_235 = arith.maximumf %sub3A_221, %get3A_194 : vector<16xf32>
        %add3A_236 = arith.addf %scan3A_145, %max3A_235 : vector<16xf32>
        %max3A_237 = arith.maximumf %sub3A_221, %get3A_200 : vector<16xf32>
        %add3A_238 = arith.addf %scan3A_146, %max3A_237 : vector<16xf32>
        %max3A_239 = arith.maximumf %sub3A_221, %get3A_206 : vector<16xf32>
        %add3A_240 = arith.addf %scan3A_147, %max3A_239 : vector<16xf32>
        %add3A_241 = arith.constant 1 : i32
        %add3A_242 = arith.addi %shift_left3A_130, %add3A_241 : i32
        %mul3A_243 = arith.constant 16 : i32
        %mul3A_244 = arith.muli %mul3A_243, %scan3A_137 : i32
        %get3A_245 = arith.index_cast %add3A_242 : i32 to index
        %get3A_246 = arith.index_cast %mul3A_244 : i32 to index
        %get3A_247 = tpu.vector_load %arg6[%get3A_245, %get3A_246] {strides = array<i32>} : memref<128x128xf32, #tpu.memory_space<vmem>>, vector<16xf32>,
        %add3A_248 = arith.constant 1 : i32
        %add3A_249 = arith.addi %shift_left3A_130, %add3A_248 : i32
        %mul3A_250 = arith.constant 16 : i32
        %mul3A_251 = arith.muli %mul3A_250, %scan3A_137 : i32
        %get3A_252 = arith.index_cast %add3A_249 : i32 to index
        %get3A_253 = arith.index_cast %mul3A_251 : i32 to index
        %get3A_254 = tpu.vector_load %arg7[%get3A_252, %get3A_253] {strides = array<i32>} : memref<128x128xf32, #tpu.memory_space<vmem>>, vector<16xf32>,
        %sub3A_255 = arith.subf %get3A_247, %get3A_254 : vector<16xf32>
        %max3A_256 = arith.maximumf %sub3A_255, %get3A_152 : vector<16xf32>
        %add3A_257 = arith.addf %add3A_222, %max3A_256 : vector<16xf32>
        %max3A_258 = arith.maximumf %sub3A_255, %get3A_158 : vector<16xf32>
        %add3A_259 = arith.addf %add3A_224, %max3A_258 : vector<16xf32>
        %max3A_260 = arith.maximumf %sub3A_255, %get3A_164 : vector<16xf32>
        %add3A_261 = arith.addf %add3A_226, %max3A_260 : vector<16xf32>
        %max3A_262 = arith.maximumf %sub3A_255, %get3A_170 : vector<16xf32>
        %add3A_263 = arith.addf %add3A_228, %max3A_262 : vector<16xf32>
        %max3A_264 = arith.maximumf %sub3A_255, %get3A_176 : vector<16xf32>
        %add3A_265 = arith.addf %add3A_230, %max3A_264 : vector<16xf32>
        %max3A_266 = arith.maximumf %sub3A_255, %get3A_182 : vector<16xf32>
        %add3A_267 = arith.addf %add3A_232, %max3A_266 : vector<16xf32>
        %max3A_268 = arith.maximumf %sub3A_255, %get3A_188 : vector<16xf32>
        %add3A_269 = arith.addf %add3A_234, %max3A_268 : vector<16xf32>
        %max3A_270 = arith.maximumf %sub3A_255, %get3A_194 : vector<16xf32>
        %add3A_271 = arith.addf %add3A_236, %max3A_270 : vector<16xf32>
        %max3A_272 = arith.maximumf %sub3A_255, %get3A_200 : vector<16xf32>
        %add3A_273 = arith.addf %add3A_238, %max3A_272 : vector<16xf32>
        %max3A_274 = arith.maximumf %sub3A_255, %get3A_206 : vector<16xf32>
        %add3A_275 = arith.addf %add3A_240, %max3A_274 : vector<16xf32>
        %add3A_276 = arith.constant 2 : i32
        %add3A_277 = arith.addi %shift_left3A_130, %add3A_276 : i32
        %mul3A_278 = arith.constant 16 : i32
        %mul3A_279 = arith.muli %mul3A_278, %scan3A_137 : i32
        %get3A_280 = arith.index_cast %add3A_277 : i32 to index
        %get3A_281 = arith.index_cast %mul3A_279 : i32 to index
        %get3A_282 = tpu.vector_load %arg6[%get3A_280, %get3A_281] {strides = array<i32>} : memref<128x128xf32, #tpu.memory_space<vmem>>, vector<16xf32>,
        %add3A_283 = arith.constant 2 : i32
        %add3A_284 = arith.addi %shift_left3A_130, %add3A_283 : i32
        %mul3A_285 = arith.constant 16 : i32
        %mul3A_286 = arith.muli %mul3A_285, %scan3A_137 : i32
        %get3A_287 = arith.index_cast %add3A_284 : i32 to index
        %get3A_288 = arith.index_cast %mul3A_286 : i32 to index
        %get3A_289 = tpu.vector_load %arg7[%get3A_287, %get3A_288] {strides = array<i32>} : memref<128x128xf32, #tpu.memory_space<vmem>>, vector<16xf32>,
        %sub3A_290 = arith.subf %get3A_282, %get3A_289 : vector<16xf32>
        %max3A_291 = arith.maximumf %sub3A_290, %get3A_152 : vector<16xf32>
        %add3A_292 = arith.addf %add3A_257, %max3A_291 : vector<16xf32>
        %max3A_293 = arith.maximumf %sub3A_290, %get3A_158 : vector<16xf32>
        %add3A_294 = arith.addf %add3A_259, %max3A_293 : vector<16xf32>
        %max3A_295 = arith.maximumf %sub3A_290, %get3A_164 : vector<16xf32>
        %add3A_296 = arith.addf %add3A_261, %max3A_295 : vector<16xf32>
        %max3A_297 = arith.maximumf %sub3A_290, %get3A_170 : vector<16xf32>
        %add3A_298 = arith.addf %add3A_263, %max3A_297 : vector<16xf32>
        %max3A_299 = arith.maximumf %sub3A_290, %get3A_176 : vector<16xf32>
        %add3A_300 = arith.addf %add3A_265, %max3A_299 : vector<16xf32>
        %max3A_301 = arith.maximumf %sub3A_290, %get3A_182 : vector<16xf32>
        %add3A_302 = arith.addf %add3A_267, %max3A_301 : vector<16xf32>
        %max3A_303 = arith.maximumf %sub3A_290, %get3A_188 : vector<16xf32>
        %add3A_304 = arith.addf %add3A_269, %max3A_303 : vector<16xf32>
        %max3A_305 = arith.maximumf %sub3A_290, %get3A_194 : vector<16xf32>
        %add3A_306 = arith.addf %add3A_271, %max3A_305 : vector<16xf32>
        %max3A_307 = arith.maximumf %sub3A_290, %get3A_200 : vector<16xf32>
        %add3A_308 = arith.addf %add3A_273, %max3A_307 : vector<16xf32>
        %max3A_309 = arith.maximumf %sub3A_290, %get3A_206 : vector<16xf32>
        %add3A_310 = arith.addf %add3A_275, %max3A_309 : vector<16xf32>
        %add3A_311 = arith.constant 3 : i32
        %add3A_312 = arith.addi %shift_left3A_130, %add3A_311 : i32
        %mul3A_313 = arith.constant 16 : i32
        %mul3A_314 = arith.muli %mul3A_313, %scan3A_137 : i32
        %get3A_315 = arith.index_cast %add3A_312 : i32 to index
        %get3A_316 = arith.index_cast %mul3A_314 : i32 to index
        %get3A_317 = tpu.vector_load %arg6[%get3A_315, %get3A_316] {strides = array<i32>} : memref<128x128xf32, #tpu.memory_space<vmem>>, vector<16xf32>,
        %add3A_318 = arith.constant 3 : i32
        %add3A_319 = arith.addi %shift_left3A_130, %add3A_318 : i32
        %mul3A_320 = arith.constant 16 : i32
        %mul3A_321 = arith.muli %mul3A_320, %scan3A_137 : i32
        %get3A_322 = arith.index_cast %add3A_319 : i32 to index
        %get3A_323 = arith.index_cast %mul3A_321 : i32 to index
        %get3A_324 = tpu.vector_load %arg7[%get3A_322, %get3A_323] {strides = array<i32>} : memref<128x128xf32, #tpu.memory_space<vmem>>, vector<16xf32>,
        %sub3A_325 = arith.subf %get3A_317, %get3A_324 : vector<16xf32>
        %max3A_326 = arith.maximumf %sub3A_325, %get3A_152 : vector<16xf32>
        %add3A_327 = arith.addf %add3A_292, %max3A_326 : vector<16xf32>
        %max3A_328 = arith.maximumf %sub3A_325, %get3A_158 : vector<16xf32>
        %add3A_329 = arith.addf %add3A_294, %max3A_328 : vector<16xf32>
        %max3A_330 = arith.maximumf %sub3A_325, %get3A_164 : vector<16xf32>
        %add3A_331 = arith.addf %add3A_296, %max3A_330 : vector<16xf32>
        %max3A_332 = arith.maximumf %sub3A_325, %get3A_170 : vector<16xf32>
        %add3A_333 = arith.addf %add3A_298, %max3A_332 : vector<16xf32>
        %max3A_334 = arith.maximumf %sub3A_325, %get3A_176 : vector<16xf32>
        %add3A_335 = arith.addf %add3A_300, %max3A_334 : vector<16xf32>
        %max3A_336 = arith.maximumf %sub3A_325, %get3A_182 : vector<16xf32>
        %add3A_337 = arith.addf %add3A_302, %max3A_336 : vector<16xf32>
        %max3A_338 = arith.maximumf %sub3A_325, %get3A_188 : vector<16xf32>
        %add3A_339 = arith.addf %add3A_304, %max3A_338 : vector<16xf32>
        %max3A_340 = arith.maximumf %sub3A_325, %get3A_194 : vector<16xf32>
        %add3A_341 = arith.addf %add3A_306, %max3A_340 : vector<16xf32>
        %max3A_342 = arith.maximumf %sub3A_325, %get3A_200 : vector<16xf32>
        %add3A_343 = arith.addf %add3A_308, %max3A_342 : vector<16xf32>
        %max3A_344 = arith.maximumf %sub3A_325, %get3A_206 : vector<16xf32>
        %add3A_345 = arith.addf %add3A_310, %max3A_344 : vector<16xf32>
        %add3A_346 = arith.constant 4 : i32
        %add3A_347 = arith.addi %shift_left3A_130, %add3A_346 : i32
        %mul3A_348 = arith.constant 16 : i32
        %mul3A_349 = arith.muli %mul3A_348, %scan3A_137 : i32
        %get3A_350 = arith.index_cast %add3A_347 : i32 to index
        %get3A_351 = arith.index_cast %mul3A_349 : i32 to index
        %get3A_352 = tpu.vector_load %arg6[%get3A_350, %get3A_351] {strides = array<i32>} : memref<128x128xf32, #tpu.memory_space<vmem>>, vector<16xf32>,
        %add3A_353 = arith.constant 4 : i32
        %add3A_354 = arith.addi %shift_left3A_130, %add3A_353 : i32
        %mul3A_355 = arith.constant 16 : i32
        %mul3A_356 = arith.muli %mul3A_355, %scan3A_137 : i32
        %get3A_357 = arith.index_cast %add3A_354 : i32 to index
        %get3A_358 = arith.index_cast %mul3A_356 : i32 to index
        %get3A_359 = tpu.vector_load %arg7[%get3A_357, %get3A_358] {strides = array<i32>} : memref<128x128xf32, #tpu.memory_space<vmem>>, vector<16xf32>,
        %sub3A_360 = arith.subf %get3A_352, %get3A_359 : vector<16xf32>
        %max3A_361 = arith.maximumf %sub3A_360, %get3A_152 : vector<16xf32>
        %add3A_362 = arith.addf %add3A_327, %max3A_361 : vector<16xf32>
        %max3A_363 = arith.maximumf %sub3A_360, %get3A_158 : vector<16xf32>
        %add3A_364 = arith.addf %add3A_329, %max3A_363 : vector<16xf32>
        %max3A_365 = arith.maximumf %sub3A_360, %get3A_164 : vector<16xf32>
        %add3A_366 = arith.addf %add3A_331, %max3A_365 : vector<16xf32>
        %max3A_367 = arith.maximumf %sub3A_360, %get3A_170 : vector<16xf32>
        %add3A_368 = arith.addf %add3A_333, %max3A_367 : vector<16xf32>
        %max3A_369 = arith.maximumf %sub3A_360, %get3A_176 : vector<16xf32>
        %add3A_370 = arith.addf %add3A_335, %max3A_369 : vector<16xf32>
        %max3A_371 = arith.maximumf %sub3A_360, %get3A_182 : vector<16xf32>
        %add3A_372 = arith.addf %add3A_337, %max3A_371 : vector<16xf32>
        %max3A_373 = arith.maximumf %sub3A_360, %get3A_188 : vector<16xf32>
        %add3A_374 = arith.addf %add3A_339, %max3A_373 : vector<16xf32>
        %max3A_375 = arith.maximumf %sub3A_360, %get3A_194 : vector<16xf32>
        %add3A_376 = arith.addf %add3A_341, %max3A_375 : vector<16xf32>
        %max3A_377 = arith.maximumf %sub3A_360, %get3A_200 : vector<16xf32>
        %add3A_378 = arith.addf %add3A_343, %max3A_377 : vector<16xf32>
        %max3A_379 = arith.maximumf %sub3A_360, %get3A_206 : vector<16xf32>
        %add3A_380 = arith.addf %add3A_345, %max3A_379 : vector<16xf32>
        %add3A_381 = arith.constant 5 : i32
        %add3A_382 = arith.addi %shift_left3A_130, %add3A_381 : i32
        %mul3A_383 = arith.constant 16 : i32
        %mul3A_384 = arith.muli %mul3A_383, %scan3A_137 : i32
        %get3A_385 = arith.index_cast %add3A_382 : i32 to index
        %get3A_386 = arith.index_cast %mul3A_384 : i32 to index
        %get3A_387 = tpu.vector_load %arg6[%get3A_385, %get3A_386] {strides = array<i32>} : memref<128x128xf32, #tpu.memory_space<vmem>>, vector<16xf32>,
        %add3A_388 = arith.constant 5 : i32
        %add3A_389 = arith.addi %shift_left3A_130, %add3A_388 : i32
        %mul3A_390 = arith.constant 16 : i32
        %mul3A_391 = arith.muli %mul3A_390, %scan3A_137 : i32
        %get3A_392 = arith.index_cast %add3A_389 : i32 to index
        %get3A_393 = arith.index_cast %mul3A_391 : i32 to index
        %get3A_394 = tpu.vector_load %arg7[%get3A_392, %get3A_393] {strides = array<i32>} : memref<128x128xf32, #tpu.memory_space<vmem>>, vector<16xf32>,
        %sub3A_395 = arith.subf %get3A_387, %get3A_394 : vector<16xf32>
        %max3A_396 = arith.maximumf %sub3A_395, %get3A_152 : vector<16xf32>
        %add3A_397 = arith.addf %add3A_362, %max3A_396 : vector<16xf32>
        %max3A_398 = arith.maximumf %sub3A_395, %get3A_158 : vector<16xf32>
        %add3A_399 = arith.addf %add3A_364, %max3A_398 : vector<16xf32>
        %max3A_400 = arith.maximumf %sub3A_395, %get3A_164 : vector<16xf32>
        %add3A_401 = arith.addf %add3A_366, %max3A_400 : vector<16xf32>
        %max3A_402 = arith.maximumf %sub3A_395, %get3A_170 : vector<16xf32>
        %add3A_403 = arith.addf %add3A_368, %max3A_402 : vector<16xf32>
        %max3A_404 = arith.maximumf %sub3A_395, %get3A_176 : vector<16xf32>
        %add3A_405 = arith.addf %add3A_370, %max3A_404 : vector<16xf32>
        %max3A_406 = arith.maximumf %sub3A_395, %get3A_182 : vector<16xf32>
        %add3A_407 = arith.addf %add3A_372, %max3A_406 : vector<16xf32>
        %max3A_408 = arith.maximumf %sub3A_395, %get3A_188 : vector<16xf32>
        %add3A_409 = arith.addf %add3A_374, %max3A_408 : vector<16xf32>
        %max3A_410 = arith.maximumf %sub3A_395, %get3A_194 : vector<16xf32>
        %add3A_411 = arith.addf %add3A_376, %max3A_410 : vector<16xf32>
        %max3A_412 = arith.maximumf %sub3A_395, %get3A_200 : vector<16xf32>
        %add3A_413 = arith.addf %add3A_378, %max3A_412 : vector<16xf32>
        %max3A_414 = arith.maximumf %sub3A_395, %get3A_206 : vector<16xf32>
        %add3A_415 = arith.addf %add3A_380, %max3A_414 : vector<16xf32>
        %add3A_416 = arith.constant 6 : i32
        %add3A_417 = arith.addi %shift_left3A_130, %add3A_416 : i32
        %mul3A_418 = arith.constant 16 : i32
        %mul3A_419 = arith.muli %mul3A_418, %scan3A_137 : i32
        %get3A_420 = arith.index_cast %add3A_417 : i32 to index
        %get3A_421 = arith.index_cast %mul3A_419 : i32 to index
        %get3A_422 = tpu.vector_load %arg6[%get3A_420, %get3A_421] {strides = array<i32>} : memref<128x128xf32, #tpu.memory_space<vmem>>, vector<16xf32>,
        %add3A_423 = arith.constant 6 : i32
        %add3A_424 = arith.addi %shift_left3A_130, %add3A_423 : i32
        %mul3A_425 = arith.constant 16 : i32
        %mul3A_426 = arith.muli %mul3A_425, %scan3A_137 : i32
        %get3A_427 = arith.index_cast %add3A_424 : i32 to index
        %get3A_428 = arith.index_cast %mul3A_426 : i32 to index
        %get3A_429 = tpu.vector_load %arg7[%get3A_427, %get3A_428] {strides = array<i32>} : memref<128x128xf32, #tpu.memory_space<vmem>>, vector<16xf32>,
        %sub3A_430 = arith.subf %get3A_422, %get3A_429 : vector<16xf32>
        %max3A_431 = arith.maximumf %sub3A_430, %get3A_152 : vector<16xf32>
        %add3A_432 = arith.addf %add3A_397, %max3A_431 : vector<16xf32>
        %max3A_433 = arith.maximumf %sub3A_430, %get3A_158 : vector<16xf32>
        %add3A_434 = arith.addf %add3A_399, %max3A_433 : vector<16xf32>
        %max3A_435 = arith.maximumf %sub3A_430, %get3A_164 : vector<16xf32>
        %add3A_436 = arith.addf %add3A_401, %max3A_435 : vector<16xf32>
        %max3A_437 = arith.maximumf %sub3A_430, %get3A_170 : vector<16xf32>
        %add3A_438 = arith.addf %add3A_403, %max3A_437 : vector<16xf32>
        %max3A_439 = arith.maximumf %sub3A_430, %get3A_176 : vector<16xf32>
        %add3A_440 = arith.addf %add3A_405, %max3A_439 : vector<16xf32>
        %max3A_441 = arith.maximumf %sub3A_430, %get3A_182 : vector<16xf32>
        %add3A_442 = arith.addf %add3A_407, %max3A_441 : vector<16xf32>
        %max3A_443 = arith.maximumf %sub3A_430, %get3A_188 : vector<16xf32>
        %add3A_444 = arith.addf %add3A_409, %max3A_443 : vector<16xf32>
        %max3A_445 = arith.maximumf %sub3A_430, %get3A_194 : vector<16xf32>
        %add3A_446 = arith.addf %add3A_411, %max3A_445 : vector<16xf32>
        %max3A_447 = arith.maximumf %sub3A_430, %get3A_200 : vector<16xf32>
        %add3A_448 = arith.addf %add3A_413, %max3A_447 : vector<16xf32>
        %max3A_449 = arith.maximumf %sub3A_430, %get3A_206 : vector<16xf32>
        %add3A_450 = arith.addf %add3A_415, %max3A_449 : vector<16xf32>
        %add3A_451 = arith.constant 7 : i32
        %add3A_452 = arith.addi %shift_left3A_130, %add3A_451 : i32
        %mul3A_453 = arith.constant 16 : i32
        %mul3A_454 = arith.muli %mul3A_453, %scan3A_137 : i32
        %get3A_455 = arith.index_cast %add3A_452 : i32 to index
        %get3A_456 = arith.index_cast %mul3A_454 : i32 to index
        %get3A_457 = tpu.vector_load %arg6[%get3A_455, %get3A_456] {strides = array<i32>} : memref<128x128xf32, #tpu.memory_space<vmem>>, vector<16xf32>,
        %add3A_458 = arith.constant 7 : i32
        %add3A_459 = arith.addi %shift_left3A_130, %add3A_458 : i32
        %mul3A_460 = arith.constant 16 : i32
        %mul3A_461 = arith.muli %mul3A_460, %scan3A_137 : i32
        %get3A_462 = arith.index_cast %add3A_459 : i32 to index
        %get3A_463 = arith.index_cast %mul3A_461 : i32 to index
        %get3A_464 = tpu.vector_load %arg7[%get3A_462, %get3A_463] {strides = array<i32>} : memref<128x128xf32, #tpu.memory_space<vmem>>, vector<16xf32>,
        %sub3A_465 = arith.subf %get3A_457, %get3A_464 : vector<16xf32>
        %max3A_466 = arith.maximumf %sub3A_465, %get3A_152 : vector<16xf32>
        %add3A_467 = arith.addf %add3A_432, %max3A_466 : vector<16xf32>
        %max3A_468 = arith.maximumf %sub3A_465, %get3A_158 : vector<16xf32>
        %add3A_469 = arith.addf %add3A_434, %max3A_468 : vector<16xf32>
        %max3A_470 = arith.maximumf %sub3A_465, %get3A_164 : vector<16xf32>
        %add3A_471 = arith.addf %add3A_436, %max3A_470 : vector<16xf32>
        %max3A_472 = arith.maximumf %sub3A_465, %get3A_170 : vector<16xf32>
        %add3A_473 = arith.addf %add3A_438, %max3A_472 : vector<16xf32>
        %max3A_474 = arith.maximumf %sub3A_465, %get3A_176 : vector<16xf32>
        %add3A_475 = arith.addf %add3A_440, %max3A_474 : vector<16xf32>
        %max3A_476 = arith.maximumf %sub3A_465, %get3A_182 : vector<16xf32>
        %add3A_477 = arith.addf %add3A_442, %max3A_476 : vector<16xf32>
        %max3A_478 = arith.maximumf %sub3A_465, %get3A_188 : vector<16xf32>
        %add3A_479 = arith.addf %add3A_444, %max3A_478 : vector<16xf32>
        %max3A_480 = arith.maximumf %sub3A_465, %get3A_194 : vector<16xf32>
        %add3A_481 = arith.addf %add3A_446, %max3A_480 : vector<16xf32>
        %max3A_482 = arith.maximumf %sub3A_465, %get3A_200 : vector<16xf32>
        %add3A_483 = arith.addf %add3A_448, %max3A_482 : vector<16xf32>
        %max3A_484 = arith.maximumf %sub3A_465, %get3A_206 : vector<16xf32>
        %add3A_485 = arith.addf %add3A_450, %max3A_484 : vector<16xf32>
        scf.yield %add3A_467, %add3A_469, %add3A_471, %add3A_473, %add3A_475, %add3A_477, %add3A_479, %add3A_481, %add3A_483, %add3A_485 : vector<16xf32>, vector<16xf32>, vector<16xf32>, vector<16xf32>, vector<16xf32>, vector<16xf32>, vector<16xf32>, vector<16xf32>, vector<16xf32>, vector<16xf32>
      }
      %scan3A_136 = arith.constant 8 : i32
      scf.yield %scan3A_135#0, %scan3A_135#1, %scan3A_135#2, %scan3A_135#3, %scan3A_135#4, %scan3A_135#5, %scan3A_135#6, %scan3A_135#7, %scan3A_135#8, %scan3A_135#9 : vector<16xf32>, vector<16xf32>, vector<16xf32>, vector<16xf32>, vector<16xf32>, vector<16xf32>, vector<16xf32>, vector<16xf32>, vector<16xf32>, vector<16xf32>
    }
    %add3A_101 = arith.addf %while3A_100#0, %while3A_100#1 : vector<16xf32>
    %add3A_102 = arith.addf %add3A_101, %while3A_100#2 : vector<16xf32>
    %add3A_103 = arith.addf %add3A_102, %while3A_100#3 : vector<16xf32>
    %add3A_104 = arith.addf %add3A_103, %while3A_100#4 : vector<16xf32>
    %add3A_105 = arith.addf %add3A_104, %while3A_100#5 : vector<16xf32>
    %add3A_106 = arith.addf %add3A_105, %while3A_100#6 : vector<16xf32>
    %add3A_107 = arith.addf %add3A_106, %while3A_100#7 : vector<16xf32>
    %add3A_108 = arith.addf %add3A_107, %while3A_100#8 : vector<16xf32>
    %add3A_109 = arith.addf %add3A_108, %while3A_100#9 : vector<16xf32>
    %swap3A_110 = arith.constant 0 : index
    %swap3A_111 = tpu.vector_load %arg12[%swap3A_110] {strides = array<i32>} : memref<16xf32, #tpu.memory_space<vmem>>, vector<16xf32>,
    tpu.vector_store %arg12[%swap3A_110], %add3A_109 {strides = array<i32>} : memref<16xf32, #tpu.memory_space<vmem>>, vector<16xf32>,
    %mul3A_112 = arith.constant -1.000000e+03 : f32
    %mul3A_113 = vector.broadcast %mul3A_112 : f32 to vector<16xf32>
    %mul3A_114 = arith.mulf %scan3A_84, %mul3A_113 : vector<16xf32>
    %swap3A_115 = arith.constant 0 : index
    %swap3A_116 = tpu.vector_load %arg13[%swap3A_115] {strides = array<i32>} : memref<16xf32, #tpu.memory_space<vmem>>, vector<16xf32>,
    tpu.vector_store %arg13[%swap3A_115], %mul3A_114 {strides = array<i32>} : memref<16xf32, #tpu.memory_space<vmem>>, vector<16xf32>,
    "tpu.region"() ({
      %run_scoped3A = tpu.sem_alloc : memref<!tpu.dma_semaphore, #tpu.memory_space<semaphore_mem>>
      %dma_start3A_119 = arith.constant 0 : i32
      %dma_start3A_120 = tpu.memref_slice %arg5[%add3A, %dma_start3A_119] : memref<64x16xf32, #tpu.memory_space<hbm>> -> memref<1x16xf32, #tpu.memory_space<hbm>>
      %dma_start3A_121 = tpu.memref_squeeze %dma_start3A_120 : memref<1x16xf32, #tpu.memory_space<hbm>> -> memref<16xf32, #tpu.memory_space<hbm>>
      %dma_start3A_122 = arith.constant 0 : i32
      %dma_start3A_123 = tpu.memref_slice %arg5[%add3A, %dma_start3A_122] : memref<64x16xf32, #tpu.memory_space<hbm>> -> memref<1x16xf32, #tpu.memory_space<hbm>>
      %dma_start3A_124 = tpu.memref_squeeze %dma_start3A_123 : memref<1x16xf32, #tpu.memory_space<hbm>> -> memref<16xf32, #tpu.memory_space<hbm>>
      tpu.enqueue_dma source(%arg12 : memref<16xf32, #tpu.memory_space<vmem>>) target(%dma_start3A_124 : memref<16xf32, #tpu.memory_space<hbm>>) target_semaphore(%run_scoped3A : memref<!tpu.dma_semaphore, #tpu.memory_space<semaphore_mem>>)
      %dma_wait3A_125 = arith.constant 0 : i32
      %dma_wait3A_126 = tpu.memref_slice %arg5[%add3A, %dma_wait3A_125] : memref<64x16xf32, #tpu.memory_space<hbm>> -> memref<1x16xf32, #tpu.memory_space<hbm>>
      %dma_wait3A_127 = tpu.memref_squeeze %dma_wait3A_126 : memref<1x16xf32, #tpu.memory_space<hbm>> -> memref<16xf32, #tpu.memory_space<hbm>>
      %dma_wait3A_128 = arith.constant 0 : i32
      %dma_wait3A_129 = tpu.memref_slice %arg5[%add3A, %dma_wait3A_128] : memref<64x16xf32, #tpu.memory_space<hbm>> -> memref<1x16xf32, #tpu.memory_space<hbm>>
      %dma_wait3A_130 = tpu.memref_squeeze %dma_wait3A_129 : memref<1x16xf32, #tpu.memory_space<hbm>> -> memref<16xf32, #tpu.memory_space<hbm>>
      tpu.wait_dma2 semaphore(%run_scoped3A : memref<!tpu.dma_semaphore, #tpu.memory_space<semaphore_mem>>) src(%arg12 : memref<16xf32, #tpu.memory_space<vmem>>) dst(%dma_wait3A_130 : memref<16xf32, #tpu.memory_space<hbm>>)
      tpu.yield
    }) : () -> ()
    %add3A_117 = arith.constant 32 : i32
    %add3A_118 = arith.addi %add3A_117, %add3A : i32
    "tpu.region"() ({
      %run_scoped3A = tpu.sem_alloc : memref<!tpu.dma_semaphore, #tpu.memory_space<semaphore_mem>>
      %dma_start3A_119 = arith.constant 0 : i32
      %dma_start3A_120 = tpu.memref_slice %arg5[%add3A_118, %dma_start3A_119] : memref<64x16xf32, #tpu.memory_space<hbm>> -> memref<1x16xf32, #tpu.memory_space<hbm>>
      %dma_start3A_121 = tpu.memref_squeeze %dma_start3A_120 : memref<1x16xf32, #tpu.memory_space<hbm>> -> memref<16xf32, #tpu.memory_space<hbm>>
      %dma_start3A_122 = arith.constant 0 : i32
      %dma_start3A_123 = tpu.memref_slice %arg5[%add3A_118, %dma_start3A_122] : memref<64x16xf32, #tpu.memory_space<hbm>> -> memref<1x16xf32, #tpu.memory_space<hbm>>
      %dma_start3A_124 = tpu.memref_squeeze %dma_start3A_123 : memref<1x16xf32, #tpu.memory_space<hbm>> -> memref<16xf32, #tpu.memory_space<hbm>>
      tpu.enqueue_dma source(%arg13 : memref<16xf32, #tpu.memory_space<vmem>>) target(%dma_start3A_124 : memref<16xf32, #tpu.memory_space<hbm>>) target_semaphore(%run_scoped3A : memref<!tpu.dma_semaphore, #tpu.memory_space<semaphore_mem>>)
      %dma_wait3A_125 = arith.constant 0 : i32
      %dma_wait3A_126 = tpu.memref_slice %arg5[%add3A_118, %dma_wait3A_125] : memref<64x16xf32, #tpu.memory_space<hbm>> -> memref<1x16xf32, #tpu.memory_space<hbm>>
      %dma_wait3A_127 = tpu.memref_squeeze %dma_wait3A_126 : memref<1x16xf32, #tpu.memory_space<hbm>> -> memref<16xf32, #tpu.memory_space<hbm>>
      %dma_wait3A_128 = arith.constant 0 : i32
      %dma_wait3A_129 = tpu.memref_slice %arg5[%add3A_118, %dma_wait3A_128] : memref<64x16xf32, #tpu.memory_space<hbm>> -> memref<1x16xf32, #tpu.memory_space<hbm>>
      %dma_wait3A_130 = tpu.memref_squeeze %dma_wait3A_129 : memref<1x16xf32, #tpu.memory_space<hbm>> -> memref<16xf32, #tpu.memory_space<hbm>>
      tpu.wait_dma2 semaphore(%run_scoped3A : memref<!tpu.dma_semaphore, #tpu.memory_space<semaphore_mem>>) src(%arg13 : memref<16xf32, #tpu.memory_space<vmem>>) dst(%dma_wait3A_130 : memref<16xf32, #tpu.memory_space<hbm>>)
      tpu.yield
    }) : () -> ()
    return
  }
}

module attributes {stable_mosaic.version = 14 : i64} {
  func.func @_tc_body(%arg0: i32, %arg1: memref<1000x512xf32, #tpu.memory_space<vmem>>, %arg2: memref<1000x512xf32, #tpu.memory_space<vmem>>, %arg3: memref<10x512xi32, #tpu.memory_space<vmem>>, %arg4: memref<8x128xf32, #tpu.memory_space<vmem>>) attributes {dimension_semantics = [#tpu.dimension_semantics<arbitrary>], iteration_bounds = array<i64: 1>, scalar_prefetch = 0 : i64, scratch_operands = 0 : i64, tpu.core_type = #tpu.core_type<tc>, window_params = [{transform_indices = @transform_0, window_bounds = array<i64: 1000, 512>}, {transform_indices = @transform_1, window_bounds = array<i64: 1000, 512>}, {transform_indices = @transform_2, window_bounds = array<i64: 10, 512>}, {pipeline_mode = #tpu.pipeline_mode<synchronous>, transform_indices = @transform_3, window_bounds = array<i64: 8, 128>}]} {
    %get3A = arith.constant 0 : index
    %get3A_0 = arith.constant 0 : index
    %get3A_1 = vector.load %arg1[%get3A, %get3A_0] : memref<1000x512xf32, #tpu.memory_space<vmem>>, vector<1000x512xf32>
    %get3A_2 = arith.constant 0 : index
    %get3A_3 = arith.constant 0 : index
    %get3A_4 = vector.load %arg2[%get3A_2, %get3A_3] : memref<1000x512xf32, #tpu.memory_space<vmem>>, vector<1000x512xf32>
    %sub3A = arith.subf %get3A_1, %get3A_4 : vector<1000x512xf32>
    %iota3A = tpu.iota {dimensions = array<i32: 0>} : vector<1000x1xi32>
    %get3A_5 = arith.constant 0 : index
    %get3A_6 = arith.constant 0 : index
    %get3A_7 = vector.load %arg3[%get3A_5, %get3A_6] : memref<10x512xi32, #tpu.memory_space<vmem>>, vector<1x512xi32>
    %get3A_8 = vector.shape_cast %get3A_7 : vector<1x512xi32> to vector<512xi32>
    %broadcast_in_dim3A = vector.shape_cast %get3A_8 : vector<512xi32> to vector<1x512xi32>
    %eq3A = vector.broadcast %iota3A : vector<1000x1xi32> to vector<1000x512xi32>
    %eq3A_9 = vector.broadcast %broadcast_in_dim3A : vector<1x512xi32> to vector<1000x512xi32>
    %eq3A_10 = arith.cmpi eq, %eq3A, %eq3A_9 : vector<1000x512xi32>
    %jit3A = arith.constant 0.000000e+00 : f32
    %broadcast_in_dim3A_11 = vector.broadcast %jit3A : f32 to vector<1000x512xf32>
    %select_n3A = arith.select %eq3A_10, %sub3A, %broadcast_in_dim3A_11 : vector<1000x512xi1>, vector<1000x512xf32>
    %reduce_sum3A = arith.constant dense<0.000000e+00> : vector<512xf32>
    %reduce_sum3A_12 = vector.multi_reduction <add>, %select_n3A, %reduce_sum3A [0] : vector<1000x512xf32> to vector<512xf32>
    %sub3A_13 = arith.constant 1.000000e+00 : f32
    %sub3A_14 = vector.broadcast %sub3A_13 : f32 to vector<512xf32>
    %sub3A_15 = arith.subf %reduce_sum3A_12, %sub3A_14 : vector<512xf32>
    %broadcast_in_dim3A_16 = vector.shape_cast %sub3A_15 : vector<512xf32> to vector<1x512xf32>
    %max3A = vector.broadcast %broadcast_in_dim3A_16 : vector<1x512xf32> to vector<1000x512xf32>
    %max3A_17 = arith.maximumf %sub3A, %max3A : vector<1000x512xf32>
    %reduce_sum3A_18 = vector.shape_cast %max3A_17 : vector<1000x512xf32> to vector<1x1000x512xf32>
    %reduce_sum3A_19 = arith.constant dense<0.000000e+00> : vector<1xf32>
    %reduce_sum3A_20 = vector.multi_reduction <add>, %reduce_sum3A_18, %reduce_sum3A_19 [1, 2] : vector<1x1000x512xf32> to vector<1xf32>
    %reduce_sum3A_21 = vector.shape_cast %reduce_sum3A_20 : vector<1xf32> to vector<1x1x1xf32>
    %reduce_sum3A_22 = vector.extract %reduce_sum3A_21[0, 0, 0] : f32 from vector<1x1x1xf32>
    %add3A = arith.constant 0.000000e+00 : f32
    %add3A_23 = arith.addf %add3A, %reduce_sum3A_22 : f32
    %reduce_sum3A_24 = vector.shape_cast %reduce_sum3A_12 : vector<512xf32> to vector<1x512xf32>
    %reduce_sum3A_25 = arith.constant dense<0.000000e+00> : vector<1xf32>
    %reduce_sum3A_26 = vector.multi_reduction <add>, %reduce_sum3A_24, %reduce_sum3A_25 [1] : vector<1x512xf32> to vector<1xf32>
    %reduce_sum3A_27 = vector.shape_cast %reduce_sum3A_26 : vector<1xf32> to vector<1x1xf32>
    %reduce_sum3A_28 = vector.extract %reduce_sum3A_27[0, 0] : f32 from vector<1x1xf32>
    %add3A_29 = arith.constant 0.000000e+00 : f32
    %add3A_30 = arith.addf %add3A_29, %reduce_sum3A_28 : f32
    %get3A_31 = arith.constant 1 : index
    %get3A_32 = arith.constant 0 : index
    %get3A_33 = vector.load %arg3[%get3A_31, %get3A_32] : memref<10x512xi32, #tpu.memory_space<vmem>>, vector<1x512xi32>
    %get3A_34 = vector.shape_cast %get3A_33 : vector<1x512xi32> to vector<512xi32>
    %broadcast_in_dim3A_35 = vector.shape_cast %get3A_34 : vector<512xi32> to vector<1x512xi32>
    %eq3A_36 = vector.broadcast %iota3A : vector<1000x1xi32> to vector<1000x512xi32>
    %eq3A_37 = vector.broadcast %broadcast_in_dim3A_35 : vector<1x512xi32> to vector<1000x512xi32>
    %eq3A_38 = arith.cmpi eq, %eq3A_36, %eq3A_37 : vector<1000x512xi32>
    %jit3A_39 = arith.constant 0.000000e+00 : f32
    %broadcast_in_dim3A_40 = vector.broadcast %jit3A_39 : f32 to vector<1000x512xf32>
    %select_n3A_41 = arith.select %eq3A_38, %sub3A, %broadcast_in_dim3A_40 : vector<1000x512xi1>, vector<1000x512xf32>
    %reduce_sum3A_42 = arith.constant dense<0.000000e+00> : vector<512xf32>
    %reduce_sum3A_43 = vector.multi_reduction <add>, %select_n3A_41, %reduce_sum3A_42 [0] : vector<1000x512xf32> to vector<512xf32>
    %sub3A_44 = arith.constant 1.000000e+00 : f32
    %sub3A_45 = vector.broadcast %sub3A_44 : f32 to vector<512xf32>
    %sub3A_46 = arith.subf %reduce_sum3A_43, %sub3A_45 : vector<512xf32>
    %broadcast_in_dim3A_47 = vector.shape_cast %sub3A_46 : vector<512xf32> to vector<1x512xf32>
    %max3A_48 = vector.broadcast %broadcast_in_dim3A_47 : vector<1x512xf32> to vector<1000x512xf32>
    %max3A_49 = arith.maximumf %sub3A, %max3A_48 : vector<1000x512xf32>
    %reduce_sum3A_50 = vector.shape_cast %max3A_49 : vector<1000x512xf32> to vector<1x1000x512xf32>
    %reduce_sum3A_51 = arith.constant dense<0.000000e+00> : vector<1xf32>
    %reduce_sum3A_52 = vector.multi_reduction <add>, %reduce_sum3A_50, %reduce_sum3A_51 [1, 2] : vector<1x1000x512xf32> to vector<1xf32>
    %reduce_sum3A_53 = vector.shape_cast %reduce_sum3A_52 : vector<1xf32> to vector<1x1x1xf32>
    %reduce_sum3A_54 = vector.extract %reduce_sum3A_53[0, 0, 0] : f32 from vector<1x1x1xf32>
    %add3A_55 = arith.addf %add3A_23, %reduce_sum3A_54 : f32
    %reduce_sum3A_56 = vector.shape_cast %reduce_sum3A_43 : vector<512xf32> to vector<1x512xf32>
    %reduce_sum3A_57 = arith.constant dense<0.000000e+00> : vector<1xf32>
    %reduce_sum3A_58 = vector.multi_reduction <add>, %reduce_sum3A_56, %reduce_sum3A_57 [1] : vector<1x512xf32> to vector<1xf32>
    %reduce_sum3A_59 = vector.shape_cast %reduce_sum3A_58 : vector<1xf32> to vector<1x1xf32>
    %reduce_sum3A_60 = vector.extract %reduce_sum3A_59[0, 0] : f32 from vector<1x1xf32>
    %add3A_61 = arith.addf %add3A_30, %reduce_sum3A_60 : f32
    %get3A_62 = arith.constant 2 : index
    %get3A_63 = arith.constant 0 : index
    %get3A_64 = vector.load %arg3[%get3A_62, %get3A_63] : memref<10x512xi32, #tpu.memory_space<vmem>>, vector<1x512xi32>
    %get3A_65 = vector.shape_cast %get3A_64 : vector<1x512xi32> to vector<512xi32>
    %broadcast_in_dim3A_66 = vector.shape_cast %get3A_65 : vector<512xi32> to vector<1x512xi32>
    %eq3A_67 = vector.broadcast %iota3A : vector<1000x1xi32> to vector<1000x512xi32>
    %eq3A_68 = vector.broadcast %broadcast_in_dim3A_66 : vector<1x512xi32> to vector<1000x512xi32>
    %eq3A_69 = arith.cmpi eq, %eq3A_67, %eq3A_68 : vector<1000x512xi32>
    %jit3A_70 = arith.constant 0.000000e+00 : f32
    %broadcast_in_dim3A_71 = vector.broadcast %jit3A_70 : f32 to vector<1000x512xf32>
    %select_n3A_72 = arith.select %eq3A_69, %sub3A, %broadcast_in_dim3A_71 : vector<1000x512xi1>, vector<1000x512xf32>
    %reduce_sum3A_73 = arith.constant dense<0.000000e+00> : vector<512xf32>
    %reduce_sum3A_74 = vector.multi_reduction <add>, %select_n3A_72, %reduce_sum3A_73 [0] : vector<1000x512xf32> to vector<512xf32>
    %sub3A_75 = arith.constant 1.000000e+00 : f32
    %sub3A_76 = vector.broadcast %sub3A_75 : f32 to vector<512xf32>
    %sub3A_77 = arith.subf %reduce_sum3A_74, %sub3A_76 : vector<512xf32>
    %broadcast_in_dim3A_78 = vector.shape_cast %sub3A_77 : vector<512xf32> to vector<1x512xf32>
    %max3A_79 = vector.broadcast %broadcast_in_dim3A_78 : vector<1x512xf32> to vector<1000x512xf32>
    %max3A_80 = arith.maximumf %sub3A, %max3A_79 : vector<1000x512xf32>
    %reduce_sum3A_81 = vector.shape_cast %max3A_80 : vector<1000x512xf32> to vector<1x1000x512xf32>
    %reduce_sum3A_82 = arith.constant dense<0.000000e+00> : vector<1xf32>
    %reduce_sum3A_83 = vector.multi_reduction <add>, %reduce_sum3A_81, %reduce_sum3A_82 [1, 2] : vector<1x1000x512xf32> to vector<1xf32>
    %reduce_sum3A_84 = vector.shape_cast %reduce_sum3A_83 : vector<1xf32> to vector<1x1x1xf32>
    %reduce_sum3A_85 = vector.extract %reduce_sum3A_84[0, 0, 0] : f32 from vector<1x1x1xf32>
    %add3A_86 = arith.addf %add3A_55, %reduce_sum3A_85 : f32
    %reduce_sum3A_87 = vector.shape_cast %reduce_sum3A_74 : vector<512xf32> to vector<1x512xf32>
    %reduce_sum3A_88 = arith.constant dense<0.000000e+00> : vector<1xf32>
    %reduce_sum3A_89 = vector.multi_reduction <add>, %reduce_sum3A_87, %reduce_sum3A_88 [1] : vector<1x512xf32> to vector<1xf32>
    %reduce_sum3A_90 = vector.shape_cast %reduce_sum3A_89 : vector<1xf32> to vector<1x1xf32>
    %reduce_sum3A_91 = vector.extract %reduce_sum3A_90[0, 0] : f32 from vector<1x1xf32>
    %add3A_92 = arith.addf %add3A_61, %reduce_sum3A_91 : f32
    %get3A_93 = arith.constant 3 : index
    %get3A_94 = arith.constant 0 : index
    %get3A_95 = vector.load %arg3[%get3A_93, %get3A_94] : memref<10x512xi32, #tpu.memory_space<vmem>>, vector<1x512xi32>
    %get3A_96 = vector.shape_cast %get3A_95 : vector<1x512xi32> to vector<512xi32>
    %broadcast_in_dim3A_97 = vector.shape_cast %get3A_96 : vector<512xi32> to vector<1x512xi32>
    %eq3A_98 = vector.broadcast %iota3A : vector<1000x1xi32> to vector<1000x512xi32>
    %eq3A_99 = vector.broadcast %broadcast_in_dim3A_97 : vector<1x512xi32> to vector<1000x512xi32>
    %eq3A_100 = arith.cmpi eq, %eq3A_98, %eq3A_99 : vector<1000x512xi32>
    %jit3A_101 = arith.constant 0.000000e+00 : f32
    %broadcast_in_dim3A_102 = vector.broadcast %jit3A_101 : f32 to vector<1000x512xf32>
    %select_n3A_103 = arith.select %eq3A_100, %sub3A, %broadcast_in_dim3A_102 : vector<1000x512xi1>, vector<1000x512xf32>
    %reduce_sum3A_104 = arith.constant dense<0.000000e+00> : vector<512xf32>
    %reduce_sum3A_105 = vector.multi_reduction <add>, %select_n3A_103, %reduce_sum3A_104 [0] : vector<1000x512xf32> to vector<512xf32>
    %sub3A_106 = arith.constant 1.000000e+00 : f32
    %sub3A_107 = vector.broadcast %sub3A_106 : f32 to vector<512xf32>
    %sub3A_108 = arith.subf %reduce_sum3A_105, %sub3A_107 : vector<512xf32>
    %broadcast_in_dim3A_109 = vector.shape_cast %sub3A_108 : vector<512xf32> to vector<1x512xf32>
    %max3A_110 = vector.broadcast %broadcast_in_dim3A_109 : vector<1x512xf32> to vector<1000x512xf32>
    %max3A_111 = arith.maximumf %sub3A, %max3A_110 : vector<1000x512xf32>
    %reduce_sum3A_112 = vector.shape_cast %max3A_111 : vector<1000x512xf32> to vector<1x1000x512xf32>
    %reduce_sum3A_113 = arith.constant dense<0.000000e+00> : vector<1xf32>
    %reduce_sum3A_114 = vector.multi_reduction <add>, %reduce_sum3A_112, %reduce_sum3A_113 [1, 2] : vector<1x1000x512xf32> to vector<1xf32>
    %reduce_sum3A_115 = vector.shape_cast %reduce_sum3A_114 : vector<1xf32> to vector<1x1x1xf32>
    %reduce_sum3A_116 = vector.extract %reduce_sum3A_115[0, 0, 0] : f32 from vector<1x1x1xf32>
    %add3A_117 = arith.addf %add3A_86, %reduce_sum3A_116 : f32
    %reduce_sum3A_118 = vector.shape_cast %reduce_sum3A_105 : vector<512xf32> to vector<1x512xf32>
    %reduce_sum3A_119 = arith.constant dense<0.000000e+00> : vector<1xf32>
    %reduce_sum3A_120 = vector.multi_reduction <add>, %reduce_sum3A_118, %reduce_sum3A_119 [1] : vector<1x512xf32> to vector<1xf32>
    %reduce_sum3A_121 = vector.shape_cast %reduce_sum3A_120 : vector<1xf32> to vector<1x1xf32>
    %reduce_sum3A_122 = vector.extract %reduce_sum3A_121[0, 0] : f32 from vector<1x1xf32>
    %add3A_123 = arith.addf %add3A_92, %reduce_sum3A_122 : f32
    %get3A_124 = arith.constant 4 : index
    %get3A_125 = arith.constant 0 : index
    %get3A_126 = vector.load %arg3[%get3A_124, %get3A_125] : memref<10x512xi32, #tpu.memory_space<vmem>>, vector<1x512xi32>
    %get3A_127 = vector.shape_cast %get3A_126 : vector<1x512xi32> to vector<512xi32>
    %broadcast_in_dim3A_128 = vector.shape_cast %get3A_127 : vector<512xi32> to vector<1x512xi32>
    %eq3A_129 = vector.broadcast %iota3A : vector<1000x1xi32> to vector<1000x512xi32>
    %eq3A_130 = vector.broadcast %broadcast_in_dim3A_128 : vector<1x512xi32> to vector<1000x512xi32>
    %eq3A_131 = arith.cmpi eq, %eq3A_129, %eq3A_130 : vector<1000x512xi32>
    %jit3A_132 = arith.constant 0.000000e+00 : f32
    %broadcast_in_dim3A_133 = vector.broadcast %jit3A_132 : f32 to vector<1000x512xf32>
    %select_n3A_134 = arith.select %eq3A_131, %sub3A, %broadcast_in_dim3A_133 : vector<1000x512xi1>, vector<1000x512xf32>
    %reduce_sum3A_135 = arith.constant dense<0.000000e+00> : vector<512xf32>
    %reduce_sum3A_136 = vector.multi_reduction <add>, %select_n3A_134, %reduce_sum3A_135 [0] : vector<1000x512xf32> to vector<512xf32>
    %sub3A_137 = arith.constant 1.000000e+00 : f32
    %sub3A_138 = vector.broadcast %sub3A_137 : f32 to vector<512xf32>
    %sub3A_139 = arith.subf %reduce_sum3A_136, %sub3A_138 : vector<512xf32>
    %broadcast_in_dim3A_140 = vector.shape_cast %sub3A_139 : vector<512xf32> to vector<1x512xf32>
    %max3A_141 = vector.broadcast %broadcast_in_dim3A_140 : vector<1x512xf32> to vector<1000x512xf32>
    %max3A_142 = arith.maximumf %sub3A, %max3A_141 : vector<1000x512xf32>
    %reduce_sum3A_143 = vector.shape_cast %max3A_142 : vector<1000x512xf32> to vector<1x1000x512xf32>
    %reduce_sum3A_144 = arith.constant dense<0.000000e+00> : vector<1xf32>
    %reduce_sum3A_145 = vector.multi_reduction <add>, %reduce_sum3A_143, %reduce_sum3A_144 [1, 2] : vector<1x1000x512xf32> to vector<1xf32>
    %reduce_sum3A_146 = vector.shape_cast %reduce_sum3A_145 : vector<1xf32> to vector<1x1x1xf32>
    %reduce_sum3A_147 = vector.extract %reduce_sum3A_146[0, 0, 0] : f32 from vector<1x1x1xf32>
    %add3A_148 = arith.addf %add3A_117, %reduce_sum3A_147 : f32
    %reduce_sum3A_149 = vector.shape_cast %reduce_sum3A_136 : vector<512xf32> to vector<1x512xf32>
    %reduce_sum3A_150 = arith.constant dense<0.000000e+00> : vector<1xf32>
    %reduce_sum3A_151 = vector.multi_reduction <add>, %reduce_sum3A_149, %reduce_sum3A_150 [1] : vector<1x512xf32> to vector<1xf32>
    %reduce_sum3A_152 = vector.shape_cast %reduce_sum3A_151 : vector<1xf32> to vector<1x1xf32>
    %reduce_sum3A_153 = vector.extract %reduce_sum3A_152[0, 0] : f32 from vector<1x1xf32>
    %add3A_154 = arith.addf %add3A_123, %reduce_sum3A_153 : f32
    %get3A_155 = arith.constant 5 : index
    %get3A_156 = arith.constant 0 : index
    %get3A_157 = vector.load %arg3[%get3A_155, %get3A_156] : memref<10x512xi32, #tpu.memory_space<vmem>>, vector<1x512xi32>
    %get3A_158 = vector.shape_cast %get3A_157 : vector<1x512xi32> to vector<512xi32>
    %broadcast_in_dim3A_159 = vector.shape_cast %get3A_158 : vector<512xi32> to vector<1x512xi32>
    %eq3A_160 = vector.broadcast %iota3A : vector<1000x1xi32> to vector<1000x512xi32>
    %eq3A_161 = vector.broadcast %broadcast_in_dim3A_159 : vector<1x512xi32> to vector<1000x512xi32>
    %eq3A_162 = arith.cmpi eq, %eq3A_160, %eq3A_161 : vector<1000x512xi32>
    %jit3A_163 = arith.constant 0.000000e+00 : f32
    %broadcast_in_dim3A_164 = vector.broadcast %jit3A_163 : f32 to vector<1000x512xf32>
    %select_n3A_165 = arith.select %eq3A_162, %sub3A, %broadcast_in_dim3A_164 : vector<1000x512xi1>, vector<1000x512xf32>
    %reduce_sum3A_166 = arith.constant dense<0.000000e+00> : vector<512xf32>
    %reduce_sum3A_167 = vector.multi_reduction <add>, %select_n3A_165, %reduce_sum3A_166 [0] : vector<1000x512xf32> to vector<512xf32>
    %sub3A_168 = arith.constant 1.000000e+00 : f32
    %sub3A_169 = vector.broadcast %sub3A_168 : f32 to vector<512xf32>
    %sub3A_170 = arith.subf %reduce_sum3A_167, %sub3A_169 : vector<512xf32>
    %broadcast_in_dim3A_171 = vector.shape_cast %sub3A_170 : vector<512xf32> to vector<1x512xf32>
    %max3A_172 = vector.broadcast %broadcast_in_dim3A_171 : vector<1x512xf32> to vector<1000x512xf32>
    %max3A_173 = arith.maximumf %sub3A, %max3A_172 : vector<1000x512xf32>
    %reduce_sum3A_174 = vector.shape_cast %max3A_173 : vector<1000x512xf32> to vector<1x1000x512xf32>
    %reduce_sum3A_175 = arith.constant dense<0.000000e+00> : vector<1xf32>
    %reduce_sum3A_176 = vector.multi_reduction <add>, %reduce_sum3A_174, %reduce_sum3A_175 [1, 2] : vector<1x1000x512xf32> to vector<1xf32>
    %reduce_sum3A_177 = vector.shape_cast %reduce_sum3A_176 : vector<1xf32> to vector<1x1x1xf32>
    %reduce_sum3A_178 = vector.extract %reduce_sum3A_177[0, 0, 0] : f32 from vector<1x1x1xf32>
    %add3A_179 = arith.addf %add3A_148, %reduce_sum3A_178 : f32
    %reduce_sum3A_180 = vector.shape_cast %reduce_sum3A_167 : vector<512xf32> to vector<1x512xf32>
    %reduce_sum3A_181 = arith.constant dense<0.000000e+00> : vector<1xf32>
    %reduce_sum3A_182 = vector.multi_reduction <add>, %reduce_sum3A_180, %reduce_sum3A_181 [1] : vector<1x512xf32> to vector<1xf32>
    %reduce_sum3A_183 = vector.shape_cast %reduce_sum3A_182 : vector<1xf32> to vector<1x1xf32>
    %reduce_sum3A_184 = vector.extract %reduce_sum3A_183[0, 0] : f32 from vector<1x1xf32>
    %add3A_185 = arith.addf %add3A_154, %reduce_sum3A_184 : f32
    %get3A_186 = arith.constant 6 : index
    %get3A_187 = arith.constant 0 : index
    %get3A_188 = vector.load %arg3[%get3A_186, %get3A_187] : memref<10x512xi32, #tpu.memory_space<vmem>>, vector<1x512xi32>
    %get3A_189 = vector.shape_cast %get3A_188 : vector<1x512xi32> to vector<512xi32>
    %broadcast_in_dim3A_190 = vector.shape_cast %get3A_189 : vector<512xi32> to vector<1x512xi32>
    %eq3A_191 = vector.broadcast %iota3A : vector<1000x1xi32> to vector<1000x512xi32>
    %eq3A_192 = vector.broadcast %broadcast_in_dim3A_190 : vector<1x512xi32> to vector<1000x512xi32>
    %eq3A_193 = arith.cmpi eq, %eq3A_191, %eq3A_192 : vector<1000x512xi32>
    %jit3A_194 = arith.constant 0.000000e+00 : f32
    %broadcast_in_dim3A_195 = vector.broadcast %jit3A_194 : f32 to vector<1000x512xf32>
    %select_n3A_196 = arith.select %eq3A_193, %sub3A, %broadcast_in_dim3A_195 : vector<1000x512xi1>, vector<1000x512xf32>
    %reduce_sum3A_197 = arith.constant dense<0.000000e+00> : vector<512xf32>
    %reduce_sum3A_198 = vector.multi_reduction <add>, %select_n3A_196, %reduce_sum3A_197 [0] : vector<1000x512xf32> to vector<512xf32>
    %sub3A_199 = arith.constant 1.000000e+00 : f32
    %sub3A_200 = vector.broadcast %sub3A_199 : f32 to vector<512xf32>
    %sub3A_201 = arith.subf %reduce_sum3A_198, %sub3A_200 : vector<512xf32>
    %broadcast_in_dim3A_202 = vector.shape_cast %sub3A_201 : vector<512xf32> to vector<1x512xf32>
    %max3A_203 = vector.broadcast %broadcast_in_dim3A_202 : vector<1x512xf32> to vector<1000x512xf32>
    %max3A_204 = arith.maximumf %sub3A, %max3A_203 : vector<1000x512xf32>
    %reduce_sum3A_205 = vector.shape_cast %max3A_204 : vector<1000x512xf32> to vector<1x1000x512xf32>
    %reduce_sum3A_206 = arith.constant dense<0.000000e+00> : vector<1xf32>
    %reduce_sum3A_207 = vector.multi_reduction <add>, %reduce_sum3A_205, %reduce_sum3A_206 [1, 2] : vector<1x1000x512xf32> to vector<1xf32>
    %reduce_sum3A_208 = vector.shape_cast %reduce_sum3A_207 : vector<1xf32> to vector<1x1x1xf32>
    %reduce_sum3A_209 = vector.extract %reduce_sum3A_208[0, 0, 0] : f32 from vector<1x1x1xf32>
    %add3A_210 = arith.addf %add3A_179, %reduce_sum3A_209 : f32
    %reduce_sum3A_211 = vector.shape_cast %reduce_sum3A_198 : vector<512xf32> to vector<1x512xf32>
    %reduce_sum3A_212 = arith.constant dense<0.000000e+00> : vector<1xf32>
    %reduce_sum3A_213 = vector.multi_reduction <add>, %reduce_sum3A_211, %reduce_sum3A_212 [1] : vector<1x512xf32> to vector<1xf32>
    %reduce_sum3A_214 = vector.shape_cast %reduce_sum3A_213 : vector<1xf32> to vector<1x1xf32>
    %reduce_sum3A_215 = vector.extract %reduce_sum3A_214[0, 0] : f32 from vector<1x1xf32>
    %add3A_216 = arith.addf %add3A_185, %reduce_sum3A_215 : f32
    %get3A_217 = arith.constant 7 : index
    %get3A_218 = arith.constant 0 : index
    %get3A_219 = vector.load %arg3[%get3A_217, %get3A_218] : memref<10x512xi32, #tpu.memory_space<vmem>>, vector<1x512xi32>
    %get3A_220 = vector.shape_cast %get3A_219 : vector<1x512xi32> to vector<512xi32>
    %broadcast_in_dim3A_221 = vector.shape_cast %get3A_220 : vector<512xi32> to vector<1x512xi32>
    %eq3A_222 = vector.broadcast %iota3A : vector<1000x1xi32> to vector<1000x512xi32>
    %eq3A_223 = vector.broadcast %broadcast_in_dim3A_221 : vector<1x512xi32> to vector<1000x512xi32>
    %eq3A_224 = arith.cmpi eq, %eq3A_222, %eq3A_223 : vector<1000x512xi32>
    %jit3A_225 = arith.constant 0.000000e+00 : f32
    %broadcast_in_dim3A_226 = vector.broadcast %jit3A_225 : f32 to vector<1000x512xf32>
    %select_n3A_227 = arith.select %eq3A_224, %sub3A, %broadcast_in_dim3A_226 : vector<1000x512xi1>, vector<1000x512xf32>
    %reduce_sum3A_228 = arith.constant dense<0.000000e+00> : vector<512xf32>
    %reduce_sum3A_229 = vector.multi_reduction <add>, %select_n3A_227, %reduce_sum3A_228 [0] : vector<1000x512xf32> to vector<512xf32>
    %sub3A_230 = arith.constant 1.000000e+00 : f32
    %sub3A_231 = vector.broadcast %sub3A_230 : f32 to vector<512xf32>
    %sub3A_232 = arith.subf %reduce_sum3A_229, %sub3A_231 : vector<512xf32>
    %broadcast_in_dim3A_233 = vector.shape_cast %sub3A_232 : vector<512xf32> to vector<1x512xf32>
    %max3A_234 = vector.broadcast %broadcast_in_dim3A_233 : vector<1x512xf32> to vector<1000x512xf32>
    %max3A_235 = arith.maximumf %sub3A, %max3A_234 : vector<1000x512xf32>
    %reduce_sum3A_236 = vector.shape_cast %max3A_235 : vector<1000x512xf32> to vector<1x1000x512xf32>
    %reduce_sum3A_237 = arith.constant dense<0.000000e+00> : vector<1xf32>
    %reduce_sum3A_238 = vector.multi_reduction <add>, %reduce_sum3A_236, %reduce_sum3A_237 [1, 2] : vector<1x1000x512xf32> to vector<1xf32>
    %reduce_sum3A_239 = vector.shape_cast %reduce_sum3A_238 : vector<1xf32> to vector<1x1x1xf32>
    %reduce_sum3A_240 = vector.extract %reduce_sum3A_239[0, 0, 0] : f32 from vector<1x1x1xf32>
    %add3A_241 = arith.addf %add3A_210, %reduce_sum3A_240 : f32
    %reduce_sum3A_242 = vector.shape_cast %reduce_sum3A_229 : vector<512xf32> to vector<1x512xf32>
    %reduce_sum3A_243 = arith.constant dense<0.000000e+00> : vector<1xf32>
    %reduce_sum3A_244 = vector.multi_reduction <add>, %reduce_sum3A_242, %reduce_sum3A_243 [1] : vector<1x512xf32> to vector<1xf32>
    %reduce_sum3A_245 = vector.shape_cast %reduce_sum3A_244 : vector<1xf32> to vector<1x1xf32>
    %reduce_sum3A_246 = vector.extract %reduce_sum3A_245[0, 0] : f32 from vector<1x1xf32>
    %add3A_247 = arith.addf %add3A_216, %reduce_sum3A_246 : f32
    %get3A_248 = arith.constant 8 : index
    %get3A_249 = arith.constant 0 : index
    %get3A_250 = vector.load %arg3[%get3A_248, %get3A_249] : memref<10x512xi32, #tpu.memory_space<vmem>>, vector<1x512xi32>
    %get3A_251 = vector.shape_cast %get3A_250 : vector<1x512xi32> to vector<512xi32>
    %broadcast_in_dim3A_252 = vector.shape_cast %get3A_251 : vector<512xi32> to vector<1x512xi32>
    %eq3A_253 = vector.broadcast %iota3A : vector<1000x1xi32> to vector<1000x512xi32>
    %eq3A_254 = vector.broadcast %broadcast_in_dim3A_252 : vector<1x512xi32> to vector<1000x512xi32>
    %eq3A_255 = arith.cmpi eq, %eq3A_253, %eq3A_254 : vector<1000x512xi32>
    %jit3A_256 = arith.constant 0.000000e+00 : f32
    %broadcast_in_dim3A_257 = vector.broadcast %jit3A_256 : f32 to vector<1000x512xf32>
    %select_n3A_258 = arith.select %eq3A_255, %sub3A, %broadcast_in_dim3A_257 : vector<1000x512xi1>, vector<1000x512xf32>
    %reduce_sum3A_259 = arith.constant dense<0.000000e+00> : vector<512xf32>
    %reduce_sum3A_260 = vector.multi_reduction <add>, %select_n3A_258, %reduce_sum3A_259 [0] : vector<1000x512xf32> to vector<512xf32>
    %sub3A_261 = arith.constant 1.000000e+00 : f32
    %sub3A_262 = vector.broadcast %sub3A_261 : f32 to vector<512xf32>
    %sub3A_263 = arith.subf %reduce_sum3A_260, %sub3A_262 : vector<512xf32>
    %broadcast_in_dim3A_264 = vector.shape_cast %sub3A_263 : vector<512xf32> to vector<1x512xf32>
    %max3A_265 = vector.broadcast %broadcast_in_dim3A_264 : vector<1x512xf32> to vector<1000x512xf32>
    %max3A_266 = arith.maximumf %sub3A, %max3A_265 : vector<1000x512xf32>
    %reduce_sum3A_267 = vector.shape_cast %max3A_266 : vector<1000x512xf32> to vector<1x1000x512xf32>
    %reduce_sum3A_268 = arith.constant dense<0.000000e+00> : vector<1xf32>
    %reduce_sum3A_269 = vector.multi_reduction <add>, %reduce_sum3A_267, %reduce_sum3A_268 [1, 2] : vector<1x1000x512xf32> to vector<1xf32>
    %reduce_sum3A_270 = vector.shape_cast %reduce_sum3A_269 : vector<1xf32> to vector<1x1x1xf32>
    %reduce_sum3A_271 = vector.extract %reduce_sum3A_270[0, 0, 0] : f32 from vector<1x1x1xf32>
    %add3A_272 = arith.addf %add3A_241, %reduce_sum3A_271 : f32
    %reduce_sum3A_273 = vector.shape_cast %reduce_sum3A_260 : vector<512xf32> to vector<1x512xf32>
    %reduce_sum3A_274 = arith.constant dense<0.000000e+00> : vector<1xf32>
    %reduce_sum3A_275 = vector.multi_reduction <add>, %reduce_sum3A_273, %reduce_sum3A_274 [1] : vector<1x512xf32> to vector<1xf32>
    %reduce_sum3A_276 = vector.shape_cast %reduce_sum3A_275 : vector<1xf32> to vector<1x1xf32>
    %reduce_sum3A_277 = vector.extract %reduce_sum3A_276[0, 0] : f32 from vector<1x1xf32>
    %add3A_278 = arith.addf %add3A_247, %reduce_sum3A_277 : f32
    %get3A_279 = arith.constant 9 : index
    %get3A_280 = arith.constant 0 : index
    %get3A_281 = vector.load %arg3[%get3A_279, %get3A_280] : memref<10x512xi32, #tpu.memory_space<vmem>>, vector<1x512xi32>
    %get3A_282 = vector.shape_cast %get3A_281 : vector<1x512xi32> to vector<512xi32>
    %broadcast_in_dim3A_283 = vector.shape_cast %get3A_282 : vector<512xi32> to vector<1x512xi32>
    %eq3A_284 = vector.broadcast %iota3A : vector<1000x1xi32> to vector<1000x512xi32>
    %eq3A_285 = vector.broadcast %broadcast_in_dim3A_283 : vector<1x512xi32> to vector<1000x512xi32>
    %eq3A_286 = arith.cmpi eq, %eq3A_284, %eq3A_285 : vector<1000x512xi32>
    %jit3A_287 = arith.constant 0.000000e+00 : f32
    %broadcast_in_dim3A_288 = vector.broadcast %jit3A_287 : f32 to vector<1000x512xf32>
    %select_n3A_289 = arith.select %eq3A_286, %sub3A, %broadcast_in_dim3A_288 : vector<1000x512xi1>, vector<1000x512xf32>
    %reduce_sum3A_290 = arith.constant dense<0.000000e+00> : vector<512xf32>
    %reduce_sum3A_291 = vector.multi_reduction <add>, %select_n3A_289, %reduce_sum3A_290 [0] : vector<1000x512xf32> to vector<512xf32>
    %sub3A_292 = arith.constant 1.000000e+00 : f32
    %sub3A_293 = vector.broadcast %sub3A_292 : f32 to vector<512xf32>
    %sub3A_294 = arith.subf %reduce_sum3A_291, %sub3A_293 : vector<512xf32>
    %broadcast_in_dim3A_295 = vector.shape_cast %sub3A_294 : vector<512xf32> to vector<1x512xf32>
    %max3A_296 = vector.broadcast %broadcast_in_dim3A_295 : vector<1x512xf32> to vector<1000x512xf32>
    %max3A_297 = arith.maximumf %sub3A, %max3A_296 : vector<1000x512xf32>
    %reduce_sum3A_298 = vector.shape_cast %max3A_297 : vector<1000x512xf32> to vector<1x1000x512xf32>
    %reduce_sum3A_299 = arith.constant dense<0.000000e+00> : vector<1xf32>
    %reduce_sum3A_300 = vector.multi_reduction <add>, %reduce_sum3A_298, %reduce_sum3A_299 [1, 2] : vector<1x1000x512xf32> to vector<1xf32>
    %reduce_sum3A_301 = vector.shape_cast %reduce_sum3A_300 : vector<1xf32> to vector<1x1x1xf32>
    %reduce_sum3A_302 = vector.extract %reduce_sum3A_301[0, 0, 0] : f32 from vector<1x1x1xf32>
    %add3A_303 = arith.addf %add3A_272, %reduce_sum3A_302 : f32
    %reduce_sum3A_304 = vector.shape_cast %reduce_sum3A_291 : vector<512xf32> to vector<1x512xf32>
    %reduce_sum3A_305 = arith.constant dense<0.000000e+00> : vector<1xf32>
    %reduce_sum3A_306 = vector.multi_reduction <add>, %reduce_sum3A_304, %reduce_sum3A_305 [1] : vector<1x512xf32> to vector<1xf32>
    %reduce_sum3A_307 = vector.shape_cast %reduce_sum3A_306 : vector<1xf32> to vector<1x1xf32>
    %reduce_sum3A_308 = vector.extract %reduce_sum3A_307[0, 0] : f32 from vector<1x1xf32>
    %add3A_309 = arith.addf %add3A_278, %reduce_sum3A_308 : f32
    %mul3A = arith.constant 1.000000e+03 : f32
    %mul3A_310 = arith.mulf %mul3A, %add3A_309 : f32
    %sub3A_311 = arith.subf %add3A_303, %mul3A_310 : f32
    %broadcast_in_dim3A_312 = vector.broadcast %sub3A_311 : f32 to vector<8x128xf32>
    %swap3A = arith.constant 0 : index
    %swap3A_313 = arith.constant 0 : index
    %swap3A_314 = vector.load %arg4[%swap3A, %swap3A_313] : memref<8x128xf32, #tpu.memory_space<vmem>>, vector<8x128xf32>
    tpu.vector_store %arg4[%swap3A, %swap3A_313], %broadcast_in_dim3A_312 {strides = array<i32>} : memref<8x128xf32, #tpu.memory_space<vmem>>, vector<8x128xf32>,
    return
  }
  func.func @transform_0(%arg0: i32) -> (i32, i32) {
    %c0_i32 = arith.constant 0 : i32
    %c1_i32 = arith.constant 1 : i32
    %c0_i32_0 = arith.constant 0 : i32
    return %c0_i32, %c1_i32 : i32, i32
  }
  func.func @transform_1(%arg0: i32) -> (i32, i32) {
    %c0_i32 = arith.constant 0 : i32
    %c1_i32 = arith.constant 1 : i32
    %c0_i32_0 = arith.constant 0 : i32
    return %c0_i32, %c1_i32 : i32, i32
  }
  func.func @transform_2(%arg0: i32) -> (i32, i32) {
    %c0_i32 = arith.constant 0 : i32
    %c1_i32 = arith.constant 1 : i32
    %c0_i32_0 = arith.constant 0 : i32
    return %c0_i32, %c1_i32 : i32, i32
  }
  func.func @transform_3(%arg0: i32) -> (i32, i32) {
    %c0_i32 = arith.constant 0 : i32
    %c0_i32_0 = arith.constant 0 : i32
    %c0_i32_1 = arith.constant 0 : i32
    return %c0_i32, %c0_i32_0 : i32, i32
  }
}

</mosaic_0001>

<sc_bundles>
// kernel: kernel.4.cloned.1.call-start
scs
__scs_entry_jumppad:
0x0: {  	(pc) =	sbr.rel $0x88, $3  }
0x1: {  	(tag) =	ssettag $0x0;
	lr =	simm.s32 $0x1  }
0x2: {  	[smem:$0x3F9E] =	sst lr;
	_ =	strace $0xD0000000  }
0x3: {  	_ = 	snop  }
0x4: {  	_ = 	snop  }
0x5: {  	_ = 	snop  }
0x6: {  	_ = 	snop  }
0x7: {  	_ = 	snop  }
__scs_overlays_trampoline_lowered:
0x8: {  	[smem:$0x3FAD] =	sst s0  }
0x9: {  	[smem:$0x3FAE] =	sst s1  }
0xa: {  	[smem:$0x3FAF] =	sst s2  }
0xb: {  	[smem:$0x3FB0] =	sst s3  }
0xc: {  	[smem:$0x3FB1] =	sst s4  }
0xd: {  	[smem:$0x3FB2] =	sst s5  }
0xe: {  	[smem:$0x3FB3] =	sst s6  }
0xf: {  	[smem:$0x3FB4] =	sst s7  }
0x10: {  	[smem:$0x3FB5] =	sst s8  }
0x11: {  	[smem:$0x3FB6] =	sst s9;
	s0 =	simm.s32 @!p0 $0x0  }
0x12: {  	s1 =	sld [smem:$0x3F9C];
	s0 =	simm.s32 @p0 $0x1  }
0x13: {  	[smem:$0x3FB7] =	sst s0;
	s0 =	simm.s32 @!p1 $0x0  }
0x14: {  	s2 =	sld [smem:$0x3F9B];
	s0 =	simm.s32 @p1 $0x1  }
0x15: {  	[smem:$0x3FB8] =	sst s0;
	s0 =	simm.s32 @!p2 $0x0  }
0x16: {  	s3 =	sld [smem:$0x3FDB];
	s0 =	simm.s32 @p2 $0x1  }
0x17: {  	s4 =	simm.s32 $0x1BF5;
	[smem:$0x3FBA] =	sst s0  }
0x18: {  	s0 =	sld [smem:$0x3F9D];
	_ =	swait.ge [sflag:s4], $0x0  }
0x19: {  	s7 =	sld [smem:$0x3F9E]  }
0x1a: {  	s8 =	sadd.s32 $0xFFFFE003, lr  }
0x1b: {  	s9 =	sadd.s32 $0xFFFFFEF7, lr;
	s5 =	simm.s32 $0xFFFFFFFF;
	p2 =	slt.u32 s8, $0xFFFFF086  }
0x1c: {  	p1 =	slt.u32 s9, $0xF7A;
	s5 =	simm.s32 @!p2 $0x0  }
0x1d: {  	s5 =	simm.s32 @p1 $0x1;
	p0 =	seq.s32 s7, s2  }
0x1e: {  	s7 =	smul.u32 @!p0 $0xF7A, s2;
	p2 =	seq.s32 @!p0 s5, $0x0  }
0x1f: {  	s9 =	smul.u32 $0xF7A, s1;
	s8 =	simm.s32 @!p0 $0x1BF5;
	p2 =	por !p2, p0  }
0x20: {  	[sflag:s8] =	ssyncset.s32 @!p0 $0xFFFFF086;
	s6 =	sadd.s32 @!p0 s3, s7;
	s7 =	simm.s32 @!p0 $0x108  }
0x21: {  	s3 =	sadd.s32 s3, s9;
	s6 =	sadd.s32 @!p0 $0x88, s6;
	s7 =	simm.s32 @p2 $0x1082  }
0x22: {  	[simem:s7], [sflag:s8] =	dma.local @!p0 [hbm:s6], $0xF7A  }
0x23: {  	s9 =	sor.u32 $0xD0000000, s2;
	s6 =	simm.s32 $0x108;
	_ =	swait.ge @!p0 [sflag:s8], $0x0  }
0x24: {  	s3 =	sadd.s32 $0x88, s3;
	s6 =	simm.s32 @!p1 $0x1082;
	[sflag:s4] =	ssyncset.s32 $0xFFFFF086  }
0x25: {  	[simem:s6], [sflag:s4] =	dma.local [hbm:s3], $0xF7A  }
0x26: {  	[smem:$0x3F9E] =	sst s1;
	(tag) =	ssettag s2;
	_ =	strace s9  }
0x27: {  	s1 =	sld [smem:$0x3FAE]  }
0x28: {  	s2 =	sld [smem:$0x3FAF]  }
0x29: {  	s4 =	sld [smem:$0x3FB1]  }
0x2a: {  	p0 =	seq.s32 s5, $0x0;
	s5 =	sld [smem:$0x3FB2]  }
0x2b: {  	s6 =	sld [smem:$0x3FB3]  }
0x2c: {  	s7 =	sld [smem:$0x3FB4]  }
0x2d: {  	s3 =	simm.s32 $0x108;
	s8 =	sld [smem:$0x3FB5]  }
0x2e: {  	s3 =	simm.s32 @!p0 $0x1082;
	s9 =	sld [smem:$0x3FB6]  }
0x2f: {  	lr =	sadd.s32 s0, s3;
	s0 =	sld [smem:$0x3FAD]  }
0x30: {  	s3 =	sld [smem:$0x3FB0]  }
0x31: {  	[smem:$0x3FB9] =	sst s10  }
0x32: {  	s10 =	sld [smem:$0x3FB7];
	_ =	sdelay $0x3  }
0x33: {  	p0 =	seq.s32 s10, $0x1;
	s10 =	sld [smem:$0x3FB9];
	_ =	sdelay $0x3  }
0x34: {  	[smem:$0x3FB9] =	sst s10  }
0x35: {  	s10 =	sld [smem:$0x3FB8];
	_ =	sdelay $0x3  }
0x36: {  	p1 =	seq.s32 s10, $0x1;
	s10 =	sld [smem:$0x3FB9];
	_ =	sdelay $0x3  }
0x37: {  	[smem:$0x3FB9] =	sst s10  }
0x38: {  	s10 =	sld [smem:$0x3FBA]  }
0x39: {  	_ = 	snop;
	(pc) =	sbr.ind lr, $3  }
0x3a: {  	_ = 	snop  }
0x3b: {  	_ = 	snop  }
0x3c: {  	p2 =	seq.s32 s10, $0x1;
	s10 =	sld [smem:$0x3FB9]  }
0x3d: {  	_ =	shalt  }
0x3e: {  	_ =	shalt  }
0x3f: {  	_ =	shalt  }
0x40: {  	_ =	shalt  }
0x41: {  	_ =	shalt  }
0x42: {  	_ =	shalt  }
0x43: {  	_ =	shalt  }
0x44: {  	_ =	shalt  }
0x45: {  	_ =	shalt  }
0x46: {  	_ =	shalt  }
0x47: {  	_ =	shalt  }
0x48: {  	_ =	shalt  }
0x49: {  	_ =	shalt  }
0x4a: {  	_ =	shalt  }
0x4b: {  	_ =	shalt  }
0x4c: {  	_ =	shalt  }
0x4d: {  	_ =	shalt  }
0x4e: {  	_ =	shalt  }
0x4f: {  	_ =	shalt  }
0x50: {  	_ =	shalt  }
0x51: {  	_ =	shalt  }
0x52: {  	_ =	shalt  }
0x53: {  	_ =	shalt  }
0x54: {  	_ =	shalt  }
0x55: {  	_ =	shalt  }
0x56: {  	_ =	shalt  }
0x57: {  	_ =	shalt  }
0x58: {  	_ =	shalt  }
0x59: {  	_ =	shalt  }
0x5a: {  	_ =	shalt  }
0x5b: {  	_ =	shalt  }
0x5c: {  	_ =	shalt  }
0x5d: {  	_ =	shalt  }
0x5e: {  	_ =	shalt  }
0x5f: {  	_ =	shalt  }
0x60: {  	_ =	shalt  }
0x61: {  	_ =	shalt  }
0x62: {  	_ =	shalt  }
0x63: {  	_ =	shalt  }
0x64: {  	_ =	shalt  }
0x65: {  	_ =	shalt  }
0x66: {  	_ =	shalt  }
0x67: {  	_ =	shalt  }
0x68: {  	_ =	shalt  }
0x69: {  	_ =	shalt  }
0x6a: {  	_ =	shalt  }
0x6b: {  	_ =	shalt  }
0x6c: {  	_ =	shalt  }
0x6d: {  	_ =	shalt  }
0x6e: {  	_ =	shalt  }
0x6f: {  	_ =	shalt  }
0x70: {  	_ =	shalt  }
0x71: {  	_ =	shalt  }
0x72: {  	_ =	shalt  }
0x73: {  	_ =	shalt  }
0x74: {  	_ =	shalt  }
0x75: {  	_ =	shalt  }
0x76: {  	_ =	shalt  }
0x77: {  	_ =	shalt  }
0x78: {  	_ =	shalt  }
0x79: {  	_ =	shalt  }
0x7a: {  	_ =	shalt  }
0x7b: {  	_ =	shalt  }
0x7c: {  	_ =	shalt  }
0x7d: {  	_ =	shalt  }
0x7e: {  	_ =	shalt  }
0x7f: {  	_ =	shalt  }
0x80: {  	_ =	shalt  }
0x81: {  	_ =	shalt  }
0x82: {  	_ =	shalt  }
0x83: {  	_ =	shalt  }
0x84: {  	_ =	shalt  }
0x85: {  	_ =	shalt  }
0x86: {  	_ =	shalt  }
0x87: {  	_ =	shalt  }
.Lfunc_end0:
.L_simem_size_0:
called_computation_lowered:
.L_overlay_start_0:
0x88: {  	s2 =	sld [smem:$0x3FD9]  }
0x89: {  	s3 =	sld [smem:$0x3FFE];
	_ =	sdelay $0x1  }
0x8a: {  	s1 =	srdreg.scid  }
0x8b: {  	s0 =	sand.u32 $0x1, s1  }
0x8c: {  	s17 =	sshll.u32 s0, $0xA;
	s2 =	sadd.s32 s3, s2  }
0x8d: {  	s2 =	sadd.s32 s2, s17  }
0x8e: {  	[smem:$0x3FC5] =	sst s2  }
0x8f: {  	_ = 	snop  }
0x90: {  	s2 =	sld [smem:$0x3FC9]  }
0x91: {  	s18 =	sld [smem:$0x3FC8]  }
0x92: {  	s4 =	sld [smem:$0x3FC7];
	(tm) =	ssettm $0x1  }
0x93: {  	s5 =	sld [smem:$0x3FFB];
	_ =	sdelay $0x3  }
0x94: {  	_ =	strace s5  }
0x95: {  	s5 =	sld [smem:$0x3FFC];
	_ =	sdelay $0x3  }
0x96: {  	_ =	strace s5  }
0x97: {  	s5 =	sld [smem:$0x3FFD];
	_ =	sdelay $0x3  }
0x98: {  	_ =	strace s5  }
0x99: {  	_ =	strace $0x8FFFFFFF  }
0x9a: {  	s19 =	sld [smem:$0x3FDB];
	_ =	sdelay $0x1  }
0x9b: {  	s6 =	simm.s32 $_scs_section_size  }
0x9c: {  	s7 =	simm.s32 $_size__tile_overlayer_lowered;
	s8 =	simm.s32 $_tile_overlayer_lowered  }
0x9d: {  	s22 =	simm.s32 $0x1BFF;
	s21 =	sshll.u32 s8, $0x1;
	s5 =	sadd.s32 s6, s19  }
0x9e: {  	s9 =	simm.s32 $0x0;
	s20 =	sshll.u32 s7, $0x1;
	s7 =	sadd.s32 s21, s5  }
0x9f: {  	[timem:s9], [sflag:s22] =	dma.local [hbm:s7], s20  }
0xa0: {  	_ =	swait.ge [sflag:s22], s20  }
0xa1: {  	s6 =	ssub.s32 $0x0, s20;
	[sflag:s22] =	ssyncset.done $0x0  }
0xa2: {  	[sflag:s22] =	ssyncadd.s32 s6;
	_ =	sdelay $0x1  }
0xa3: {  	s23 =	simm.s32 $0x1B8B  }
0xa4: {  	_ =	swait.ge [sflag:s23], $0x1  }
0xa5: {  	[sflag:s23] =	ssyncset.done $0x0  }
0xa6: {  	s25 =	simm.s32 $0x1B8E;
	s24 =	sld [smem:$0x3FFE];
	[sflag:s23] =	ssyncadd.s32 $0xFFFFFFFF  }
0xa7: {  	s26 =	simm.s32 $execute0_lowered;
	[smem:$0x3FD2] =	sst s25  }
0xa8: {  	s7 =	sshll.u32 s26, $0x1;
	_ =	strace $0x80000046;
	[dreg:$0x1] =	wrdreg $0xFFFFFFFF  }
0xa9: {  	s28 =	simm.s32 $_size_execute0_lowered;
	s5 =	sadd.s32 s5, s7;
	[dreg:$0x0] =	wrdreg $0x0  }
0xaa: {  	s7 =	sshll.u32 s28, $0x1;
	[dreg:$0x2] =	wrdreg s5  }
0xab: {  	[dreg:$0x3] =	wrdreg s7  }
0xac: {  	[dreg:$0x4] =	wrdreg $0xC0  }
0xad: {  	_ =	task [dreg:s9], $0x5FFFF  }
0xae: {  	[dreg:$0x1] =	wrdreg $0xFFFFFFFF  }
0xaf: {  	[dreg:$0x0] =	wrdreg $0x60  }
0xb0: {  	[dreg:$0x2] =	wrdreg s2  }
0xb1: {  	[dreg:$0x3] =	wrdreg s4  }
0xb2: {  	[dreg:$0x4] =	wrdreg s18  }
0xb3: {  	[dreg:$0x5] =	wrdreg s24  }
0xb4: {  	[dreg:$0x6] =	wrdreg $0x99800  }
0xb5: {  	[dreg:$0x7] =	wrdreg $0x9  }
0xb6: {  	_ =	task.clear_ibuf [dreg:s9], $0x8FFFF;
	_ =	strace $0x90000046  }
0xb7: {  	s29 =	simm.s32 $0x9;
	_ =	strace $0x80000048  }
0xb8: {  	_ =	swait.ge [sflag:s29], $0x1  }
0xb9: {  	[sflag:s29] =	ssyncadd.s32 $0xFFFFFFFF  }
0xba: {  	_ =	strace $0x90000048  }
0xbb: {  	_ =	sfence  }
0xbc: {  	s30 =	sld [smem:$0x0];
	_ =	sdelay $0x2  }
0xbd: {  	s31 =	sshll.u32 s1, $0xD;
	s1 =	sshrl.u32 s1, $0x2  }
0xbe: {  	s3 =	sand.u32 $0x4000, s31;
	s1 =	sadd.s32 s1, s30  }
0xbf: {  	s0 =	sor.u32 s3, s0;
	s1 =	sshll.u32 s1, $0x11  }
0xc0: {  	s0 =	sor.u32 s1, s0  }
0xc1: {  	s0 =	sadd.s32 $0x8F2B, s0  }
0xc2: {  	[sflag:s0] =	ssyncadd.remote.s32 $0x1  }
0xc3: {  	_ =	sfence.sel $0xFFFF  }
0xc4: {  	[dreg:$0x0] =	wrdreg $0xFFFFFFFF;
	(pc) =	sbr.abs _section_cstart, $3  }
0xc5: {  	[dreg:$0x1] =	wrdreg $0xFFFFFFFF  }
0xc6: {  	_ =	task.clear_ibuf [dreg:s9], $0x2FFFF;
	_ =	strace $0x9FFFFFFF  }
0xc7: {  	(tm) =	ssettm $0x7FFFFFFF  }
tec
execute0_lowered:
.L_overlay_start_1:
0x0: {  	(tag) =	ssettag $0x1  }
0x1: {  	s0 =	rddreg [dreg:$0x0]  }
0x2: {  	s2 =	rddreg [dreg:$0x1]  }
0x3: {  	s4 =	rddreg [dreg:$0x2]  }
0x4: {  	s1 =	rddreg [dreg:$0x3]  }
0x5: {  	s11 =	rddreg [dreg:$0x4];
	s3 =	simm.s32 $0x0;
	s5 =	srdreg.scid  }
0x6: {  	s10 =	stileid.u32;
	s23 =	simm.s32 $0x10;
	s28 =	simm.s32 $0x8000  }
0x7: {  	s29 =	simm.s32 $0x9880;
	s30 =	simm.s32 $0x9900;
	s31 =	simm.s32 $0x0  }
0x8: {  	[smem:$0x7FF] =	sst s3;
	s5 =	sand.u32 $0x1, s5;
	s6 =	sshll.u32 s10, $0x5  }
0x9: {  	s13 =	sshrl.u32 s10, $0x1;
	p0 =	slt.u32 s10, $0xC;
	s9 =	sand.u32 $0x1, s10  }
0xa: {  	s7 =	sshll.u32 s5, $0x4;
	s14 =	ssub.s32 $0x2, s5;
	s8 =	smul.u32 $0xF, s13  }
0xb: {  	_ =	strace $0x80000047;
	s5 =	sshll.u32 s5, $0x8;
	s21 =	smul.u32 $0x1400, s9  }
0xc: {  	s17 =	sshll.u32 s9, $0x7;
	s22 =	smul.u32 $0xA, s9;
	s6 =	sor.u32 s7, s6  }
0xd: {  	v0 =	vlaneseq.u32;
	s15 =	sshrl.u32 s14, $0x1;
	s12 =	sadd.s32 s6, s1;
	s6 =	sshll.u32 s13, $0x4  }
0xe: {  	s19 =	sadd.s32 $0x5, s8;
	s14 =	ssub.s32 s14, s15;
	v1 =	vadd.s32 s22, v0;
	s22 =	simm.s32 $0x1  }
0xf: {  	s19 =	smov.u32 @p0 s6;
	p0 =	slt.u32 s10, $0xA;
	s6 =	sor.u32 s17, s5  }
0x10: {  	v6 =	vor.u32 $0x10, v0;
	s14 =	smax.u32 s14, $0x1;
	s17 =	simm.s32 $0x2000;
	s16 =	smin.u32 s19, $0x6D  }
0x11: {  	v7 =	vor.u32 $0x20, v0;
	[tilespmem:$0x1FF90] =	vst v6;
	s23 =	simm.s32 @!p0 $0xF;
	s24 =	sshll.u32 s19, $0xC;
	p0 =	sne.s32 s13, $0x0  }
0x12: {  	v8 =	vor.u32 $0x30, v0;
	[tilespmem:$0x1FFA0] =	vst v7;
	s18 =	sshll.u32 s16, $0xA;
	s1 =	ssub.s32 s19, s16;
	s25 =	sshll.u32 s16, $0xC  }
0x13: {  	v9 =	vor.u32 $0x40, v0;
	[tilespmem:$0x1FFB0] =	vst v8;
	s16 =	simm.s32 $0x400;
	s20 =	sor.u32 s6, s18;
	s6 =	sadd.s32 s4, s6  }
0x14: {  	v10 =	vor.u32 $0x50, v0;
	[tilespmem:$0x1FFC0] =	vst v9;
	v5 =	vmov s23;
	s10 =	sadd.s32 s23, s1;
	s18 =	simm.s32 $0x4000;
	s23 =	simm.s32 $0x2  }
0x15: {  	v11 =	vor.u32 $0x60, v0;
	[tilespmem:$0x1FFD0] =	vst v10;
	s5 =	sadd.s32 s0, s20;
	s7 =	sadd.s32 s2, s20;
	s8 =	sadd.s32 $0x400, s6  }
0x16: {  	v12 =	vor.u32 $0x70, v0;
	[tilespmem:$0x1FFE0] =	vst v11;
	s20 =	ssub.s32 s1, s19;
	s0 =	sshrl.u32 s21, $0x2;
	s2 =	ssub.s32 s24, s25  }
0x17: {  	[tilespmem:$0x1FFF0] =	vst v12;
	s21 =	simm.s32 $0x9400;
	s9 =	sadd.s32 s0, s11;
	s26 =	sor.u32 $0x800, s2  }
0x18: {  	[tilespmem:$0x1FF70] =	vst v1;
	v2 =	vmov s1;
	s11 =	sadd.s32 $0x600, s12;
	s12 =	sadd.s32 $0x800, s12;
	s2 =	sshra.s32 s26, $0x2  }
0x19: {  	v4 =	vmov s19;
	[tilespmem:$0x1FF80] =	vst v2;
	v3 =	vmov s20;
	s20 =	simm.s32 $0x3;
	s26 =	simm.s32 $0x8800;
	s15 =	sadd.s32 $0x4000, s2  }
.LBB2_1:
0x1a: {  	[tilespmem:s3], [sflag:$0x1] =	stream.strided.gather [hbm4b:s5+s16], $0x4000, s17, s16, $0x38;
	[tilespmem:$0x9A20] =	vst v63  }
0x1b: {  	_ = 	snop  }
0x1c: {  	[tilespmem:s18], [sflag:$0x2] =	stream.strided.gather [hbm4b:s7+s16], $0x4000, s17, s16, $0x38;
	[tilespmem:$0x9A20] =	vst v63  }
0x1d: {  	s0 =	simm.s32 $0x9000  }
0x1e: {  	[tilespmem:s0], [sflag:$0x3] =	stream.linear.gather [hbm4b:s6+s3], $0x400, $0x38;
	[tilespmem:$0x9A20] =	vst v63  }
0x1f: {  	_ =	swait.ge [sflag:s20], $0x400  }
0x20: {  	[sflag:s20] =	ssyncset.done $0x0  }
0x21: {  	[sflag:s20] =	ssyncadd.s32 $0xFFFFFC00  }
0x22: {  	[tilespmem:s21], [sflag:$0x3] =	stream.strided.gather [hbm4b:s8+s16], $0x0, s17, s16, $0x38;
	[tilespmem:$0x9A20] =	vst v63  }
0x23: {  	_ = 	snop  }
0x24: {  	[tilespmem:s21], [sflag:$0x3] =	stream.linear.gather [hbm4b:s8+s3], $0x100, $0x38;
	[tilespmem:$0x9A20] =	vst v63  }
0x25: {  	_ =	swait.ge [sflag:s20], $0x100  }
0x26: {  	[sflag:s20] =	ssyncset.done $0x0  }
0x27: {  	v1 =	vimm.f32 $0.0e+00;
	[sflag:s20] =	ssyncadd.s32 $0xFFFFFF00  }
0x28: {  	[tilespmem:$0x8000] =	vst v1  }
0x29: {  	[tilespmem:$0x8010] =	vst v1  }
0x2a: {  	[tilespmem:$0x8020] =	vst v1  }
0x2b: {  	[tilespmem:$0x8030] =	vst v1  }
0x2c: {  	[tilespmem:$0x8040] =	vst v1  }
0x2d: {  	[tilespmem:$0x8050] =	vst v1  }
0x2e: {  	[tilespmem:$0x8060] =	vst v1  }
0x2f: {  	[tilespmem:$0x8070] =	vst v1  }
0x30: {  	[tilespmem:$0x8080] =	vst v1  }
0x31: {  	[tilespmem:$0x8090] =	vst v1  }
0x32: {  	[tilespmem:$0x80A0] =	vst v1  }
0x33: {  	[tilespmem:$0x80B0] =	vst v1  }
0x34: {  	[tilespmem:$0x80C0] =	vst v1  }
0x35: {  	[tilespmem:$0x80D0] =	vst v1  }
0x36: {  	[tilespmem:$0x80E0] =	vst v1  }
0x37: {  	[tilespmem:$0x80F0] =	vst v1  }
0x38: {  	[tilespmem:$0x8100] =	vst v1  }
0x39: {  	[tilespmem:$0x8110] =	vst v1  }
0x3a: {  	[tilespmem:$0x8120] =	vst v1  }
0x3b: {  	[tilespmem:$0x8130] =	vst v1  }
0x3c: {  	[tilespmem:$0x8140] =	vst v1  }
0x3d: {  	[tilespmem:$0x8150] =	vst v1  }
0x3e: {  	[tilespmem:$0x8160] =	vst v1  }
0x3f: {  	[tilespmem:$0x8170] =	vst v1  }
0x40: {  	[tilespmem:$0x8180] =	vst v1  }
0x41: {  	[tilespmem:$0x8190] =	vst v1  }
0x42: {  	[tilespmem:$0x81A0] =	vst v1  }
0x43: {  	[tilespmem:$0x81B0] =	vst v1  }
0x44: {  	[tilespmem:$0x81C0] =	vst v1  }
0x45: {  	[tilespmem:$0x81D0] =	vst v1  }
0x46: {  	[tilespmem:$0x81E0] =	vst v1  }
0x47: {  	[tilespmem:$0x81F0] =	vst v1  }
0x48: {  	[tilespmem:$0x8200] =	vst v1  }
0x49: {  	[tilespmem:$0x8210] =	vst v1  }
0x4a: {  	[tilespmem:$0x8220] =	vst v1  }
0x4b: {  	[tilespmem:$0x8230] =	vst v1  }
0x4c: {  	[tilespmem:$0x8240] =	vst v1  }
0x4d: {  	[tilespmem:$0x8250] =	vst v1  }
0x4e: {  	[tilespmem:$0x8260] =	vst v1  }
0x4f: {  	[tilespmem:$0x8270] =	vst v1  }
0x50: {  	[tilespmem:$0x8280] =	vst v1  }
0x51: {  	[tilespmem:$0x8290] =	vst v1  }
0x52: {  	[tilespmem:$0x82A0] =	vst v1  }
0x53: {  	[tilespmem:$0x82B0] =	vst v1  }
0x54: {  	[tilespmem:$0x82C0] =	vst v1  }
0x55: {  	[tilespmem:$0x82D0] =	vst v1  }
0x56: {  	[tilespmem:$0x82E0] =	vst v1  }
0x57: {  	[tilespmem:$0x82F0] =	vst v1  }
0x58: {  	[tilespmem:$0x8300] =	vst v1  }
0x59: {  	[tilespmem:$0x8310] =	vst v1  }
0x5a: {  	[tilespmem:$0x8320] =	vst v1  }
0x5b: {  	[tilespmem:$0x8330] =	vst v1  }
0x5c: {  	[tilespmem:$0x8340] =	vst v1  }
0x5d: {  	[tilespmem:$0x8350] =	vst v1  }
0x5e: {  	[tilespmem:$0x8360] =	vst v1  }
0x5f: {  	[tilespmem:$0x8370] =	vst v1  }
0x60: {  	[tilespmem:$0x8380] =	vst v1  }
0x61: {  	[tilespmem:$0x8390] =	vst v1  }
0x62: {  	[tilespmem:$0x83A0] =	vst v1  }
0x63: {  	[tilespmem:$0x83B0] =	vst v1  }
0x64: {  	[tilespmem:$0x83C0] =	vst v1  }
0x65: {  	[tilespmem:$0x83D0] =	vst v1  }
0x66: {  	[tilespmem:$0x83E0] =	vst v1  }
0x67: {  	[tilespmem:$0x83F0] =	vst v1  }
0x68: {  	[tilespmem:$0x8400] =	vst v1  }
0x69: {  	[tilespmem:$0x8410] =	vst v1  }
0x6a: {  	[tilespmem:$0x8420] =	vst v1  }
0x6b: {  	[tilespmem:$0x8430] =	vst v1  }
0x6c: {  	[tilespmem:$0x8440] =	vst v1  }
0x6d: {  	[tilespmem:$0x8450] =	vst v1  }
0x6e: {  	[tilespmem:$0x8460] =	vst v1  }
0x6f: {  	[tilespmem:$0x8470] =	vst v1  }
0x70: {  	[tilespmem:$0x8480] =	vst v1  }
0x71: {  	[tilespmem:$0x8490] =	vst v1  }
0x72: {  	[tilespmem:$0x84A0] =	vst v1  }
0x73: {  	[tilespmem:$0x84B0] =	vst v1  }
0x74: {  	[tilespmem:$0x84C0] =	vst v1  }
0x75: {  	[tilespmem:$0x84D0] =	vst v1  }
0x76: {  	[tilespmem:$0x84E0] =	vst v1  }
0x77: {  	[tilespmem:$0x84F0] =	vst v1;
	v1 =	vld [tilespmem:$0x1FF70];
	_ =	sdelay $0x4  }
0x78: {  	[tilespmem:$0x9800] =	vst v1  }
0x79: {  	_ =	swait.ge [sflag:s22], $0x4000  }
0x7a: {  	[sflag:s22] =	ssyncset.done $0x0  }
0x7b: {  	s0 =	simm.s32 $0x0;
	[sflag:s22] =	ssyncadd.s32 $0xFFFFC000  }
0x7c: {  	v14 =	vld [tilespmem:s0+$0x9000];
	_ =	sdelay $0x4  }
0x7d: {  	v15 =	vshra.s32 v14, $0x3  }
0x7e: {  	v16 =	vld [tilespmem:s0+$0x9010];
	v15 =	vadd.s32 v15, v3  }
0x7f: {  	vm0 =	vgt.s32 v15, $0x0  }
0x80: {  	v15 =	vnsel vm0, $0x0, v15  }
0x81: {  	v14 =	vshll.u32 v14, $0x7;
	v15 =	vmin.u32 v15, $0xF  }
0x82: {  	v14 =	vand.u32 $0x380, v14;
	v15 =	vshll.u32 v15, $0xA  }
0x83: {  	v14 =	vor.u32 v14, v15;
	v15 =	vshra.s32 v16, $0x3  }
0x84: {  	v17 =	vld [tilespmem:s0+$0x9020];
	v14 =	vor.u32 v0, v14;
	v15 =	vadd.s32 v15, v3  }
0x85: {  	vm10 =	vgt.s32 v15, $0x0  }
0x86: {  	v15 =	vnsel vm10, $0x0, v15  }
0x87: {  	v16 =	vshll.u32 v16, $0x7;
	v15 =	vmin.u32 v15, $0xF  }
0x88: {  	v16 =	vand.u32 $0x380, v16;
	v15 =	vshll.u32 v15, $0xA  }
0x89: {  	v14 =	vld.idx.msk [tilespmem:v14+s3+$0x0], $0xffff;
	v15 =	vor.u32 v16, v15;
	v16 =	vshra.s32 v17, $0x3  }
0x8a: {  	v18 =	vld [tilespmem:s0+$0x9030];
	v15 =	vor.u32 v6, v15;
	v16 =	vadd.s32 v16, v3  }
0x8b: {  	vm11 =	vgt.s32 v16, $0x0  }
0x8c: {  	v16 =	vnsel vm11, $0x0, v16  }
0x8d: {  	v17 =	vshll.u32 v17, $0x7;
	v16 =	vmin.u32 v16, $0xF  }
0x8e: {  	[tilespmem:s0+$0x8800] =	vst v14;
	v14 =	vshll.u32 v16, $0xA;
	v16 =	vand.u32 $0x380, v17  }
0x8f: {  	v15 =	vld.idx.msk [tilespmem:v15+s3+$0x0], $0xffff;
	v14 =	vor.u32 v16, v14;
	v16 =	vshra.s32 v18, $0x3  }
0x90: {  	v17 =	vld [tilespmem:s0+$0x9040];
	v14 =	vor.u32 v7, v14;
	v16 =	vadd.s32 v16, v3  }
0x91: {  	vm12 =	vgt.s32 v16, $0x0  }
0x92: {  	v16 =	vnsel vm12, $0x0, v16  }
0x93: {  	v18 =	vshll.u32 v18, $0x7;
	v16 =	vmin.u32 v16, $0xF  }
0x94: {  	[tilespmem:s0+$0x8810] =	vst v15;
	v15 =	vshll.u32 v16, $0xA;
	v16 =	vand.u32 $0x380, v18  }
0x95: {  	v14 =	vld.idx.msk [tilespmem:v14+s3+$0x0], $0xffff;
	v15 =	vor.u32 v16, v15;
	v16 =	vshra.s32 v17, $0x3  }
0x96: {  	v15 =	vor.u32 v8, v15;
	v16 =	vadd.s32 v16, v3  }
0x97: {  	v18 =	vld [tilespmem:s0+$0x9050];
	vm13 =	vgt.s32 v16, $0x0  }
0x98: {  	v16 =	vnsel vm13, $0x0, v16  }
0x99: {  	v17 =	vshll.u32 v17, $0x7;
	v16 =	vmin.u32 v16, $0xF  }
0x9a: {  	[tilespmem:s0+$0x8820] =	vst v14;
	v14 =	vshll.u32 v16, $0xA;
	v16 =	vand.u32 $0x380, v17  }
0x9b: {  	v15 =	vld.idx.msk [tilespmem:v15+s3+$0x0], $0xffff;
	v14 =	vor.u32 v16, v14  }
0x9c: {  	v16 =	vshra.s32 v18, $0x3;
	v14 =	vor.u32 v9, v14  }
0x9d: {  	v17 =	vld [tilespmem:s0+$0x9060];
	v16 =	vadd.s32 v16, v3  }
0x9e: {  	vm14 =	vgt.s32 v16, $0x0  }
0x9f: {  	v16 =	vnsel vm14, $0x0, v16  }
0xa0: {  	[tilespmem:s0+$0x8830] =	vst v15;
	v15 =	vmin.u32 v16, $0xF;
	v16 =	vshll.u32 v18, $0x7  }
0xa1: {  	v18 =	vld.idx.msk [tilespmem:v14+s3+$0x0], $0xffff;
	v14 =	vshll.u32 v15, $0xA;
	v15 =	vand.u32 $0x380, v16  }
0xa2: {  	v16 =	vshra.s32 v17, $0x3;
	v15 =	vor.u32 v15, v14  }
0xa3: {  	v16 =	vadd.s32 v16, v3;
	v15 =	vor.u32 v10, v15  }
0xa4: {  	v14 =	vld [tilespmem:s0+$0x9070];
	vm15 =	vgt.s32 v16, $0x0  }
0xa5: {  	v16 =	vnsel vm15, $0x0, v16  }
0xa6: {  	v17 =	vshll.u32 v17, $0x7;
	v16 =	vmin.u32 v16, $0xF  }
0xa7: {  	v17 =	vand.u32 $0x380, v17;
	v16 =	vshll.u32 v16, $0xA;
	[tilespmem:s0+$0x8840] =	vst v18  }
0xa8: {  	v16 =	vor.u32 v17, v16;
	v15 =	vld.idx.msk [tilespmem:v15+s3+$0x0], $0xffff  }
0xa9: {  	v17 =	vshra.s32 v14, $0x3;
	v16 =	vor.u32 v11, v16  }
0xaa: {  	s4 =	simm.s32 $0x80;
	s13 =	simm.s32 $0x400;
	v17 =	vadd.s32 v17, v3  }
.LBB2_2:
0xab: {  	p1 =	sne.s32 s13, $0x1200;
	v18 =	vld [tilespmem:s4+$0x9000];
	vm0 =	vgt.s32 v17, $0x0  }
0xac: {  	v17 =	vnsel vm0, $0x0, v17  }
0xad: {  	v14 =	vshll.u32 v14, $0x7;
	[tilespmem:s0+$0x8850] =	vst v15;
	v15 =	vmin.u32 v17, $0xF  }
0xae: {  	v14 =	vand.u32 $0x380, v14;
	v16 =	vld.idx.msk [tilespmem:v16+s3+$0x0], $0xffff;
	v15 =	vshll.u32 v15, $0xA  }
0xaf: {  	v14 =	vor.u32 v14, v15  }
0xb0: {  	v15 =	vshra.s32 v18, $0x3;
	v14 =	vor.u32 v12, v14  }
0xb1: {  	v15 =	vadd.s32 v15, v3  }
0xb2: {  	vm0 =	vgt.s32 v15, $0x0;
	v17 =	vld [tilespmem:s4+$0x9010]  }
0xb3: {  	v15 =	vnsel vm0, $0x0, v15  }
0xb4: {  	v18 =	vshll.u32 v18, $0x7;
	v15 =	vmin.u32 v15, $0xF;
	[tilespmem:s0+$0x8860] =	vst v16  }
0xb5: {  	v16 =	vand.u32 $0x380, v18;
	v15 =	vshll.u32 v15, $0xA;
	v14 =	vld.idx.msk [tilespmem:v14+s3+$0x0], $0xffff  }
0xb6: {  	v15 =	vor.u32 v16, v15  }
0xb7: {  	v15 =	vor.u32 v0, v15;
	v16 =	vshra.s32 v17, $0x3  }
0xb8: {  	v16 =	vadd.s32 v16, v3  }
0xb9: {  	vm0 =	vgt.s32 v16, $0x0;
	v18 =	vld [tilespmem:s4+$0x9020]  }
0xba: {  	v16 =	vnsel vm0, $0x0, v16  }
0xbb: {  	v17 =	vshll.u32 v17, $0x7;
	v16 =	vmin.u32 v16, $0xF;
	[tilespmem:s0+$0x8870] =	vst v14;
	s0 =	smov.u32 s4  }
0xbc: {  	v14 =	vld.idx.msk [tilespmem:v15+s3+$0x0], $0xffff;
	v15 =	vshll.u32 v16, $0xA;
	v16 =	vand.u32 $0x380, v17  }
0xbd: {  	v15 =	vor.u32 v16, v15  }
0xbe: {  	v15 =	vor.u32 v6, v15;
	v16 =	vshra.s32 v18, $0x3  }
0xbf: {  	v16 =	vadd.s32 v16, v3  }
0xc0: {  	vm0 =	vgt.s32 v16, $0x0;
	v17 =	vld [tilespmem:s0+$0x9030]  }
0xc1: {  	v16 =	vnsel vm0, $0x0, v16  }
0xc2: {  	[tilespmem:s0+$0x8800] =	vst v14;
	v14 =	vmin.u32 v16, $0xF;
	v16 =	vshll.u32 v18, $0x7  }
0xc3: {  	v15 =	vld.idx.msk [tilespmem:v15+s3+$0x0], $0xffff;
	v14 =	vshll.u32 v14, $0xA;
	v16 =	vand.u32 $0x380, v16  }
0xc4: {  	v14 =	vor.u32 v16, v14  }
0xc5: {  	v14 =	vor.u32 v7, v14;
	v16 =	vshra.s32 v17, $0x3  }
0xc6: {  	v16 =	vadd.s32 v16, v3  }
0xc7: {  	vm0 =	vgt.s32 v16, $0x0;
	v18 =	vld [tilespmem:s0+$0x9040]  }
0xc8: {  	v16 =	vnsel vm0, $0x0, v16  }
0xc9: {  	[tilespmem:s0+$0x8810] =	vst v15;
	v15 =	vmin.u32 v16, $0xF;
	v16 =	vshll.u32 v17, $0x7  }
0xca: {  	v14 =	vld.idx.msk [tilespmem:v14+s3+$0x0], $0xffff;
	v15 =	vshll.u32 v15, $0xA;
	v16 =	vand.u32 $0x380, v16  }
0xcb: {  	v15 =	vor.u32 v16, v15  }
0xcc: {  	v15 =	vor.u32 v8, v15;
	v16 =	vshra.s32 v18, $0x3  }
0xcd: {  	v16 =	vadd.s32 v16, v3  }
0xce: {  	vm0 =	vgt.s32 v16, $0x0;
	v17 =	vld [tilespmem:s0+$0x9050]  }
0xcf: {  	v16 =	vnsel vm0, $0x0, v16  }
0xd0: {  	[tilespmem:s0+$0x8820] =	vst v14;
	v14 =	vmin.u32 v16, $0xF;
	v16 =	vshll.u32 v18, $0x7  }
0xd1: {  	v15 =	vld.idx.msk [tilespmem:v15+s3+$0x0], $0xffff;
	v14 =	vshll.u32 v14, $0xA;
	v16 =	vand.u32 $0x380, v16  }
0xd2: {  	v14 =	vor.u32 v16, v14  }
0xd3: {  	v14 =	vor.u32 v9, v14;
	v16 =	vshra.s32 v17, $0x3  }
0xd4: {  	v16 =	vadd.s32 v16, v3  }
0xd5: {  	vm0 =	vgt.s32 v16, $0x0;
	v18 =	vld [tilespmem:s0+$0x9060]  }
0xd6: {  	v16 =	vnsel vm0, $0x0, v16  }
0xd7: {  	[tilespmem:s0+$0x8830] =	vst v15;
	v15 =	vmin.u32 v16, $0xF;
	v16 =	vshll.u32 v17, $0x7  }
0xd8: {  	v17 =	vld.idx.msk [tilespmem:v14+s3+$0x0], $0xffff;
	v14 =	vshll.u32 v15, $0xA;
	v15 =	vand.u32 $0x380, v16  }
0xd9: {  	v14 =	vor.u32 v15, v14  }
0xda: {  	v15 =	vor.u32 v10, v14;
	v14 =	vshra.s32 v18, $0x3  }
0xdb: {  	v16 =	vadd.s32 v14, v3  }
0xdc: {  	vm0 =	vgt.s32 v16, $0x0;
	v14 =	vld [tilespmem:s0+$0x9070]  }
0xdd: {  	v16 =	vnsel vm0, $0x0, v16  }
.Ltmp0:
0xde: {  	[tilespmem:s0+$0x8840] =	vst v17;
	v16 =	vmin.u32 v16, $0xF;
	v17 =	vshll.u32 v18, $0x7;
	(pc) =	sbr.rel @p1 .LBB2_2-.Ltmp0, $4  }
0xdf: {  	v15 =	vld.idx.msk [tilespmem:v15+s3+$0x0], $0xffff;
	v16 =	vshll.u32 v16, $0xA;
	v17 =	vand.u32 $0x380, v17  }
0xe0: {  	v16 =	vor.u32 v17, v16  }
0xe1: {  	v16 =	vor.u32 v11, v16;
	v17 =	vshra.s32 v14, $0x3  }
0xe2: {  	s4 =	sshra.s32 s13, $0x2;
	s13 =	sadd.s32 $0x200, s13;
	v17 =	vadd.s32 v17, v3  }
0xe3: {  	v18 =	vld [tilespmem:s4+$0x9000]  }
0xe4: {  	vm0 =	vgt.s32 v17, $0x0  }
0xe5: {  	v17 =	vnsel vm0, $0x0, v17  }
0xe6: {  	v14 =	vshll.u32 v14, $0x7;
	v17 =	vmin.u32 v17, $0xF  }
0xe7: {  	[tilespmem:s0+$0x8850] =	vst v15;
	v14 =	vand.u32 $0x380, v14;
	v15 =	vshll.u32 v17, $0xA  }
0xe8: {  	v16 =	vld.idx.msk [tilespmem:v16+s3+$0x0], $0xffff;
	v14 =	vor.u32 v14, v15;
	v15 =	vshra.s32 v18, $0x3  }
0xe9: {  	v17 =	vld [tilespmem:s4+$0x9010];
	v14 =	vor.u32 v12, v14;
	v15 =	vadd.s32 v15, v3  }
0xea: {  	vm0 =	vgt.s32 v15, $0x0  }
0xeb: {  	v15 =	vnsel vm0, $0x0, v15  }
0xec: {  	v18 =	vshll.u32 v18, $0x7;
	v15 =	vmin.u32 v15, $0xF  }
0xed: {  	[tilespmem:s0+$0x8860] =	vst v16;
	v16 =	vand.u32 $0x380, v18;
	v15 =	vshll.u32 v15, $0xA  }
0xee: {  	v14 =	vld.idx.msk [tilespmem:v14+s3+$0x0], $0xffff;
	v15 =	vor.u32 v16, v15;
	v16 =	vshra.s32 v17, $0x3  }
0xef: {  	v18 =	vld [tilespmem:s4+$0x9020];
	v15 =	vor.u32 v0, v15;
	v16 =	vadd.s32 v16, v3  }
0xf0: {  	vm0 =	vgt.s32 v16, $0x0  }
0xf1: {  	v16 =	vnsel vm0, $0x0, v16  }
0xf2: {  	v17 =	vshll.u32 v17, $0x7;
	v16 =	vmin.u32 v16, $0xF  }
0xf3: {  	[tilespmem:s0+$0x8870] =	vst v14;
	v14 =	vshll.u32 v16, $0xA;
	v16 =	vand.u32 $0x380, v17  }
0xf4: {  	v15 =	vld.idx.msk [tilespmem:v15+s3+$0x0], $0xffff;
	v14 =	vor.u32 v16, v14;
	v16 =	vshra.s32 v18, $0x3  }
0xf5: {  	v17 =	vld [tilespmem:s4+$0x9030];
	v14 =	vor.u32 v6, v14;
	v16 =	vadd.s32 v16, v3  }
0xf6: {  	vm0 =	vgt.s32 v16, $0x0  }
0xf7: {  	v16 =	vnsel vm0, $0x0, v16  }
0xf8: {  	v18 =	vshll.u32 v18, $0x7;
	v16 =	vmin.u32 v16, $0xF  }
0xf9: {  	[tilespmem:s4+$0x8800] =	vst v15;
	v15 =	vshll.u32 v16, $0xA;
	v16 =	vand.u32 $0x380, v18  }
0xfa: {  	v14 =	vld.idx.msk [tilespmem:v14+s3+$0x0], $0xffff;
	v15 =	vor.u32 v16, v15;
	v16 =	vshra.s32 v17, $0x3  }
0xfb: {  	v18 =	vld [tilespmem:s4+$0x9040];
	v15 =	vor.u32 v7, v15;
	v16 =	vadd.s32 v16, v3  }
0xfc: {  	vm0 =	vgt.s32 v16, $0x0  }
0xfd: {  	v16 =	vnsel vm0, $0x0, v16  }
0xfe: {  	v17 =	vshll.u32 v17, $0x7;
	v16 =	vmin.u32 v16, $0xF  }
0xff: {  	[tilespmem:s4+$0x8810] =	vst v14;
	v14 =	vshll.u32 v16, $0xA;
	v16 =	vand.u32 $0x380, v17  }
0x100: {  	v15 =	vld.idx.msk [tilespmem:v15+s3+$0x0], $0xffff;
	v14 =	vor.u32 v16, v14;
	v16 =	vshra.s32 v18, $0x3  }
0x101: {  	v17 =	vld [tilespmem:s4+$0x9050];
	v14 =	vor.u32 v8, v14;
	v16 =	vadd.s32 v16, v3  }
0x102: {  	vm0 =	vgt.s32 v16, $0x0  }
0x103: {  	v16 =	vnsel vm0, $0x0, v16  }
0x104: {  	v18 =	vshll.u32 v18, $0x7;
	v16 =	vmin.u32 v16, $0xF  }
0x105: {  	[tilespmem:s4+$0x8820] =	vst v15;
	v15 =	vshll.u32 v16, $0xA;
	v16 =	vand.u32 $0x380, v18  }
0x106: {  	v14 =	vld.idx.msk [tilespmem:v14+s3+$0x0], $0xffff;
	v15 =	vor.u32 v16, v15;
	v16 =	vshra.s32 v17, $0x3  }
0x107: {  	v18 =	vld [tilespmem:s4+$0x9060];
	v15 =	vor.u32 v9, v15;
	v16 =	vadd.s32 v16, v3  }
0x108: {  	vm0 =	vgt.s32 v16, $0x0  }
0x109: {  	v16 =	vnsel vm0, $0x0, v16  }
0x10a: {  	v17 =	vshll.u32 v17, $0x7;
	v16 =	vmin.u32 v16, $0xF  }
0x10b: {  	[tilespmem:s4+$0x8830] =	vst v14;
	v14 =	vshll.u32 v16, $0xA;
	v16 =	vand.u32 $0x380, v17  }
0x10c: {  	v15 =	vld.idx.msk [tilespmem:v15+s3+$0x0], $0xffff;
	v14 =	vor.u32 v16, v14;
	v16 =	vshra.s32 v18, $0x3  }
0x10d: {  	v17 =	vld [tilespmem:s4+$0x9070];
	v14 =	vor.u32 v10, v14;
	v16 =	vadd.s32 v16, v3  }
0x10e: {  	vm0 =	vgt.s32 v16, $0x0  }
0x10f: {  	v16 =	vnsel vm0, $0x0, v16  }
0x110: {  	v18 =	vshll.u32 v18, $0x7;
	v16 =	vmin.u32 v16, $0xF  }
0x111: {  	[tilespmem:s4+$0x8840] =	vst v15;
	v15 =	vshll.u32 v16, $0xA;
	v16 =	vand.u32 $0x380, v18  }
0x112: {  	v14 =	vld.idx.msk [tilespmem:v14+s3+$0x0], $0xffff;
	v15 =	vor.u32 v16, v15;
	v16 =	vshra.s32 v17, $0x3  }
0x113: {  	v15 =	vor.u32 v11, v15;
	v16 =	vadd.s32 v16, v3  }
0x114: {  	vm0 =	vgt.s32 v16, $0x0  }
0x115: {  	v16 =	vnsel vm0, $0x0, v16  }
0x116: {  	v17 =	vshll.u32 v17, $0x7;
	v16 =	vmin.u32 v16, $0xF  }
0x117: {  	[tilespmem:s4+$0x8850] =	vst v14;
	v14 =	vshll.u32 v16, $0xA;
	v16 =	vand.u32 $0x380, v17  }
0x118: {  	v15 =	vld.idx.msk [tilespmem:v15+s3+$0x0], $0xffff;
	v14 =	vor.u32 v16, v14  }
0x119: {  	v14 =	vor.u32 v12, v14;
	_ =	sdelay $0x3  }
0x11a: {  	[tilespmem:s4+$0x8860] =	vst v15  }
0x11b: {  	v14 =	vld.idx.msk [tilespmem:v14+s3+$0x0], $0xffff;
	_ =	sdelay $0x4  }
0x11c: {  	[tilespmem:s4+$0x8870] =	vst v14  }
0x11d: {  	_ =	swait.ge [sflag:s23], $0x4000  }
0x11e: {  	[sflag:s23] =	ssyncset.done $0x0  }
0x11f: {  	s0 =	simm.s32 $0x0;
	[sflag:s23] =	ssyncadd.s32 $0xFFFFC000  }
0x120: {  	v14 =	vld [tilespmem:s0+$0x9000];
	_ =	sdelay $0x4  }
0x121: {  	v15 =	vshra.s32 v14, $0x3  }
0x122: {  	v15 =	vsub.s32 v15, v4  }
0x123: {  	v16 =	vadd.s32 v2, v15  }
0x124: {  	vm0 =	vgt.s32 v16, $0x0  }
0x125: {  	v16 =	vnsel vm0, $0x0, v16  }
0x126: {  	v14 =	vshll.u32 v14, $0x7;
	v16 =	vmin.u32 v16, $0xF  }
0x127: {  	v14 =	vand.u32 $0x380, v14;
	v16 =	vshll.u32 v16, $0xA  }
0x128: {  	v14 =	vor.u32 v14, v16;
	v16 =	vld [tilespmem:s0+$0x9010]  }
0x129: {  	v14 =	vor.u32 v0, v14;
	_ =	sdelay $0x3  }
0x12a: {  	v18 =	vld [tilespmem:s0+$0x8800];
	v17 =	vshra.s32 v16, $0x3  }
0x12b: {  	v14 =	vld.idx.msk [tilespmem:v14+s18+$0x0], $0xffff;
	v17 =	vsub.s32 v17, v4  }
0x12c: {  	v19 =	vadd.s32 v2, v17  }
0x12d: {  	vm0 =	vgt.s32 v19, $0x0  }
0x12e: {  	v19 =	vnsel vm0, $0x0, v19  }
0x12f: {  	v16 =	vshll.u32 v16, $0x7;
	v19 =	vmin.u32 v19, $0xF  }
0x130: {  	v16 =	vand.u32 $0x380, v16;
	v19 =	vshll.u32 v19, $0xA;
	v14 =	vsub.f32 v18, v14;
	v18 =	vld [tilespmem:s0+$0x9020]  }
0x131: {  	vm1 =	vlt.s32 v15, v5;
	v16 =	vor.u32 v16, v19  }
0x132: {  	vm0 =	vgt.s32 v15, $0xFFFFFFFF;
	v16 =	vor.u32 v6, v16;
	v15 =	vadd.f32 $-1.000000000e+00, v14  }
0x133: {  	vm0 =	vmand vm0, vm1  }
0x134: {  	v15 =	vnsel vm0, $0x0, v15  }
0x135: {  	[tilespmem:s0+$0x8800] =	vst v15;
	v15 =	vshra.s32 v18, $0x3  }
0x136: {  	v19 =	vld [tilespmem:s0+$0x8810];
	v15 =	vsub.s32 v15, v4  }
0x137: {  	v16 =	vld.idx.msk [tilespmem:v16+s18+$0x0], $0xffff;
	v20 =	vadd.s32 v2, v15  }
0x138: {  	vm1 =	vgt.s32 v20, $0x0  }
0x139: {  	v20 =	vnsel vm1, $0x0, v20  }
0x13a: {  	v18 =	vshll.u32 v18, $0x7;
	v20 =	vmin.u32 v20, $0xF  }
0x13b: {  	v18 =	vand.u32 $0x380, v18;
	v20 =	vshll.u32 v20, $0xA  }
0x13c: {  	v19 =	vsub.f32 v19, v16;
	v16 =	vor.u32 v18, v20;
	v18 =	vld [tilespmem:s0+$0x9030]  }
0x13d: {  	vm2 =	vlt.s32 v17, v5  }
0x13e: {  	vm1 =	vgt.s32 v17, $0xFFFFFFFF;
	v16 =	vor.u32 v7, v16;
	v17 =	vadd.f32 $-1.000000000e+00, v19  }
0x13f: {  	vm1 =	vmand vm1, vm2  }
0x140: {  	v17 =	vnsel vm1, $0x0, v17  }
0x141: {  	[tilespmem:s0+$0x8810] =	vst v17;
	v17 =	vshra.s32 v18, $0x3  }
0x142: {  	v20 =	vld [tilespmem:s0+$0x8820];
	v17 =	vsub.s32 v17, v4  }
0x143: {  	v16 =	vld.idx.msk [tilespmem:v16+s18+$0x0], $0xffff;
	v21 =	vadd.s32 v2, v17  }
0x144: {  	vm2 =	vgt.s32 v21, $0x0  }
0x145: {  	v21 =	vnsel vm2, $0x0, v21  }
0x146: {  	v18 =	vshll.u32 v18, $0x7;
	v21 =	vmin.u32 v21, $0xF  }
0x147: {  	v18 =	vand.u32 $0x380, v18;
	v21 =	vshll.u32 v21, $0xA  }
0x148: {  	v20 =	vsub.f32 v20, v16;
	v16 =	vor.u32 v18, v21;
	v18 =	vld [tilespmem:s0+$0x9040]  }
0x149: {  	vm3 =	vlt.s32 v15, v5  }
0x14a: {  	vm2 =	vgt.s32 v15, $0xFFFFFFFF;
	v16 =	vor.u32 v8, v16;
	v15 =	vadd.f32 $-1.000000000e+00, v20  }
0x14b: {  	vm2 =	vmand vm2, vm3  }
0x14c: {  	v15 =	vnsel vm2, $0x0, v15  }
0x14d: {  	[tilespmem:s0+$0x8820] =	vst v15;
	v15 =	vshra.s32 v18, $0x3  }
0x14e: {  	v21 =	vld [tilespmem:s0+$0x8830];
	v15 =	vsub.s32 v15, v4  }
0x14f: {  	v16 =	vld.idx.msk [tilespmem:v16+s18+$0x0], $0xffff;
	v22 =	vadd.s32 v2, v15  }
0x150: {  	vm3 =	vgt.s32 v22, $0x0  }
0x151: {  	v22 =	vnsel vm3, $0x0, v22  }
0x152: {  	v18 =	vshll.u32 v18, $0x7;
	v22 =	vmin.u32 v22, $0xF  }
0x153: {  	v18 =	vand.u32 $0x380, v18;
	v22 =	vshll.u32 v22, $0xA  }
0x154: {  	v21 =	vsub.f32 v21, v16;
	v16 =	vor.u32 v18, v22;
	v18 =	vld [tilespmem:s0+$0x9050]  }
0x155: {  	vm4 =	vlt.s32 v17, v5  }
0x156: {  	vm3 =	vgt.s32 v17, $0xFFFFFFFF;
	v16 =	vor.u32 v9, v16;
	v17 =	vadd.f32 $-1.000000000e+00, v21  }
0x157: {  	vm3 =	vmand vm3, vm4  }
0x158: {  	v17 =	vnsel vm3, $0x0, v17  }
0x159: {  	[tilespmem:s0+$0x8830] =	vst v17;
	v17 =	vshra.s32 v18, $0x3  }
0x15a: {  	v22 =	vld [tilespmem:s0+$0x8840];
	v17 =	vsub.s32 v17, v4  }
0x15b: {  	v16 =	vld.idx.msk [tilespmem:v16+s18+$0x0], $0xffff;
	v23 =	vadd.s32 v2, v17  }
0x15c: {  	vm14 =	vgt.s32 v23, $0x0  }
0x15d: {  	v23 =	vnsel vm14, $0x0, v23  }
0x15e: {  	v18 =	vshll.u32 v18, $0x7;
	v23 =	vmin.u32 v23, $0xF  }
0x15f: {  	v18 =	vand.u32 $0x380, v18;
	v23 =	vshll.u32 v23, $0xA  }
0x160: {  	v22 =	vsub.f32 v22, v16;
	v16 =	vor.u32 v18, v23  }
0x161: {  	v18 =	vld [tilespmem:s0+$0x9060];
	v16 =	vor.u32 v10, v16  }
0x162: {  	vm15 =	vgt.s32 v15, $0xFFFFFFFF;
	vm5 =	vlt.s32 v15, v5;
	v15 =	vadd.f32 $-1.000000000e+00, v22  }
0x163: {  	vm4 =	vmand vm15, vm5  }
0x164: {  	v15 =	vnsel vm4, $0x0, v15  }
0x165: {  	v14 =	vnsel vm0, $0x0, v14;
	v23 =	vimm.f32 $0.0e+00;
	[tilespmem:s0+$0x8840] =	vst v15  }
0x166: {  	v14 =	vadd.f32 v14, v23;
	v15 =	vshra.s32 v18, $0x3;
	v23 =	vld.idx.msk [tilespmem:v16+s18+$0x0], $0xffff  }
0x167: {  	v16 =	vsub.s32 v15, v4;
	v15 =	vnsel vm1, $0x0, v19;
	v19 =	vld [tilespmem:s0+$0x8850]  }
0x168: {  	v24 =	vadd.s32 v2, v16  }
0x169: {  	v25 =	vld [tilespmem:s0+$0x9070];
	v18 =	vshll.u32 v18, $0x7;
	v14 =	vadd.f32 v15, v14;
	vm0 =	vgt.s32 v24, $0x0  }
0x16a: {  	v18 =	vand.u32 $0x380, v18;
	v15 =	vnsel vm2, $0x0, v20;
	v20 =	vnsel vm0, $0x0, v24  }
0x16b: {  	vm1 =	vlt.s32 v17, v5;
	v14 =	vadd.f32 v15, v14;
	v15 =	vmin.u32 v20, $0xF  }
0x16c: {  	v20 =	vnsel vm3, $0x0, v21;
	v15 =	vshll.u32 v15, $0xA;
	v19 =	vsub.f32 v19, v23  }
0x16d: {  	vm0 =	vgt.s32 v17, $0xFFFFFFFF;
	v14 =	vadd.f32 v20, v14;
	v15 =	vor.u32 v18, v15  }
0x16e: {  	v18 =	vshra.s32 v25, $0x3;
	v15 =	vor.u32 v11, v15;
	v20 =	vadd.f32 $-1.000000000e+00, v19  }
0x16f: {  	vm0 =	vmand vm0, vm1;
	v17 =	vsub.s32 v18, v4;
	v18 =	vnsel vm4, $0x0, v22  }
0x170: {  	v14 =	vadd.f32 v18, v14;
	v18 =	vnsel vm0, $0x0, v20  }
0x171: {  	[tilespmem:s0+$0x8850] =	vst v18;
	v18 =	vnsel vm0, $0x0, v19  }
0x172: {  	v14 =	vadd.f32 v18, v14;
	v18 =	vld [tilespmem:s0+$0x8860]  }
0x173: {  	v21 =	vadd.s32 v2, v17;
	v15 =	vld.idx.msk [tilespmem:v15+s18+$0x0], $0xffff  }
0x174: {  	vm1 =	vgt.s32 v21, $0x0  }
0x175: {  	v19 =	vnsel vm1, $0x0, v21  }
0x176: {  	v20 =	vshll.u32 v25, $0x7;
	v19 =	vmin.u32 v19, $0xF  }
0x177: {  	s13 =	simm.s32 $0x80;
	s4 =	simm.s32 $0x400;
	vm0 =	vgt.s32 v16, $0xFFFFFFFF;
	v20 =	vand.u32 $0x380, v20;
	v19 =	vshll.u32 v19, $0xA  }
.LBB2_4:
0x178: {  	p1 =	sne.s32 s4, $0x1200;
	v21 =	vld [tilespmem:s13+$0x9000];
	vm1 =	vlt.s32 v16, v5;
	v15 =	vsub.f32 v18, v15;
	v16 =	vor.u32 v20, v19  }
0x179: {  	vm0 =	vmand vm0, vm1;
	v16 =	vor.u32 v12, v16  }
0x17a: {  	v18 =	vnsel vm0, $0x0, v15;
	v15 =	vadd.f32 $-1.000000000e+00, v15  }
0x17b: {  	v14 =	vadd.f32 v18, v14  }
0x17c: {  	v15 =	vnsel vm0, $0x0, v15  }
0x17d: {  	v18 =	vshra.s32 v21, $0x3;
	[tilespmem:s0+$0x8860] =	vst v15  }
0x17e: {  	v15 =	vsub.s32 v18, v4;
	v16 =	vld.idx.msk [tilespmem:v16+s18+$0x0], $0xffff  }
0x17f: {  	v18 =	vadd.s32 v2, v15;
	v19 =	vld [tilespmem:s0+$0x8870]  }
0x180: {  	vm0 =	vgt.s32 v18, $0x0  }
0x181: {  	v18 =	vnsel vm0, $0x0, v18  }
0x182: {  	v20 =	vshll.u32 v21, $0x7;
	v18 =	vmin.u32 v18, $0xF  }
0x183: {  	v20 =	vand.u32 $0x380, v20;
	vm0 =	vgt.s32 v17, $0xFFFFFFFF;
	v18 =	vshll.u32 v18, $0xA  }
0x184: {  	vm1 =	vlt.s32 v17, v5;
	v18 =	vor.u32 v20, v18;
	v20 =	vld [tilespmem:s13+$0x9010];
	v16 =	vsub.f32 v19, v16  }
0x185: {  	vm0 =	vmand vm0, vm1;
	v17 =	vor.u32 v0, v18  }
0x186: {  	v18 =	vnsel vm0, $0x0, v16;
	v16 =	vadd.f32 $-1.000000000e+00, v16  }
0x187: {  	v14 =	vadd.f32 v18, v14  }
0x188: {  	v16 =	vnsel vm0, $0x0, v16  }
0x189: {  	v18 =	vshra.s32 v20, $0x3;
	[tilespmem:s0+$0x8870] =	vst v16;
	s0 =	smov.u32 s13  }
0x18a: {  	v16 =	vld.idx.msk [tilespmem:v17+s18+$0x0], $0xffff;
	v17 =	vsub.s32 v18, v4  }
0x18b: {  	v18 =	vld [tilespmem:s0+$0x8800];
	v19 =	vadd.s32 v2, v17  }
0x18c: {  	vm0 =	vgt.s32 v19, $0x0  }
0x18d: {  	v19 =	vnsel vm0, $0x0, v19  }
0x18e: {  	v20 =	vshll.u32 v20, $0x7;
	v19 =	vmin.u32 v19, $0xF  }
0x18f: {  	v20 =	vand.u32 $0x380, v20;
	vm0 =	vgt.s32 v15, $0xFFFFFFFF;
	v19 =	vshll.u32 v19, $0xA  }
0x190: {  	vm1 =	vlt.s32 v15, v5;
	v15 =	vsub.f32 v18, v16;
	v16 =	vor.u32 v20, v19;
	v18 =	vld [tilespmem:s0+$0x9020]  }
0x191: {  	vm0 =	vmand vm0, vm1;
	v16 =	vor.u32 v6, v16  }
0x192: {  	v19 =	vnsel vm0, $0x0, v15;
	v15 =	vadd.f32 $-1.000000000e+00, v15  }
0x193: {  	v14 =	vadd.f32 v19, v14  }
0x194: {  	v15 =	vnsel vm0, $0x0, v15  }
0x195: {  	[tilespmem:s0+$0x8800] =	vst v15;
	v15 =	vshra.s32 v18, $0x3  }
0x196: {  	v16 =	vld.idx.msk [tilespmem:v16+s18+$0x0], $0xffff;
	v15 =	vsub.s32 v15, v4  }
0x197: {  	v19 =	vld [tilespmem:s0+$0x8810];
	v20 =	vadd.s32 v2, v15  }
0x198: {  	vm0 =	vgt.s32 v20, $0x0  }
0x199: {  	v20 =	vnsel vm0, $0x0, v20  }
0x19a: {  	v18 =	vshll.u32 v18, $0x7;
	v20 =	vmin.u32 v20, $0xF  }
0x19b: {  	v18 =	vand.u32 $0x380, v18;
	vm0 =	vgt.s32 v17, $0xFFFFFFFF;
	v20 =	vshll.u32 v20, $0xA  }
0x19c: {  	vm1 =	vlt.s32 v17, v5;
	v16 =	vsub.f32 v19, v16;
	v17 =	vor.u32 v18, v20;
	v18 =	vld [tilespmem:s0+$0x9030]  }
0x19d: {  	vm0 =	vmand vm0, vm1;
	v17 =	vor.u32 v7, v17  }
0x19e: {  	v19 =	vnsel vm0, $0x0, v16;
	v16 =	vadd.f32 $-1.000000000e+00, v16  }
0x19f: {  	v14 =	vadd.f32 v19, v14  }
0x1a0: {  	v16 =	vnsel vm0, $0x0, v16  }
0x1a1: {  	[tilespmem:s0+$0x8810] =	vst v16;
	v16 =	vshra.s32 v18, $0x3  }
0x1a2: {  	v17 =	vld.idx.msk [tilespmem:v17+s18+$0x0], $0xffff;
	v16 =	vsub.s32 v16, v4  }
0x1a3: {  	v19 =	vld [tilespmem:s0+$0x8820];
	v20 =	vadd.s32 v2, v16  }
0x1a4: {  	vm0 =	vgt.s32 v20, $0x0  }
0x1a5: {  	v20 =	vnsel vm0, $0x0, v20  }
0x1a6: {  	v18 =	vshll.u32 v18, $0x7;
	v20 =	vmin.u32 v20, $0xF  }
0x1a7: {  	v18 =	vand.u32 $0x380, v18;
	vm0 =	vgt.s32 v15, $0xFFFFFFFF;
	v20 =	vshll.u32 v20, $0xA  }
0x1a8: {  	vm1 =	vlt.s32 v15, v5;
	v15 =	vsub.f32 v19, v17;
	v17 =	vor.u32 v18, v20;
	v18 =	vld [tilespmem:s0+$0x9040]  }
0x1a9: {  	vm0 =	vmand vm0, vm1;
	v17 =	vor.u32 v8, v17  }
0x1aa: {  	v19 =	vnsel vm0, $0x0, v15;
	v15 =	vadd.f32 $-1.000000000e+00, v15  }
0x1ab: {  	v14 =	vadd.f32 v19, v14  }
0x1ac: {  	v15 =	vnsel vm0, $0x0, v15  }
0x1ad: {  	[tilespmem:s0+$0x8820] =	vst v15;
	v15 =	vshra.s32 v18, $0x3  }
0x1ae: {  	v17 =	vld.idx.msk [tilespmem:v17+s18+$0x0], $0xffff;
	v15 =	vsub.s32 v15, v4  }
0x1af: {  	v19 =	vld [tilespmem:s0+$0x8830];
	v20 =	vadd.s32 v2, v15  }
0x1b0: {  	vm0 =	vgt.s32 v20, $0x0  }
0x1b1: {  	v20 =	vnsel vm0, $0x0, v20  }
0x1b2: {  	v18 =	vshll.u32 v18, $0x7;
	v20 =	vmin.u32 v20, $0xF  }
0x1b3: {  	v18 =	vand.u32 $0x380, v18;
	vm0 =	vgt.s32 v16, $0xFFFFFFFF;
	v20 =	vshll.u32 v20, $0xA  }
0x1b4: {  	vm1 =	vlt.s32 v16, v5;
	v16 =	vsub.f32 v19, v17;
	v17 =	vor.u32 v18, v20;
	v18 =	vld [tilespmem:s0+$0x9050]  }
0x1b5: {  	vm0 =	vmand vm0, vm1;
	v17 =	vor.u32 v9, v17  }
0x1b6: {  	v19 =	vnsel vm0, $0x0, v16;
	v16 =	vadd.f32 $-1.000000000e+00, v16  }
0x1b7: {  	v14 =	vadd.f32 v19, v14  }
0x1b8: {  	v16 =	vnsel vm0, $0x0, v16  }
0x1b9: {  	[tilespmem:s0+$0x8830] =	vst v16;
	v16 =	vshra.s32 v18, $0x3  }
0x1ba: {  	v17 =	vld.idx.msk [tilespmem:v17+s18+$0x0], $0xffff;
	v19 =	vsub.s32 v16, v4  }
0x1bb: {  	v16 =	vld [tilespmem:s0+$0x8840];
	v20 =	vadd.s32 v2, v19  }
0x1bc: {  	vm0 =	vgt.s32 v20, $0x0  }
0x1bd: {  	v20 =	vnsel vm0, $0x0, v20  }
0x1be: {  	v18 =	vshll.u32 v18, $0x7;
	v20 =	vmin.u32 v20, $0xF  }
0x1bf: {  	v18 =	vand.u32 $0x380, v18;
	vm0 =	vgt.s32 v15, $0xFFFFFFFF;
	v20 =	vshll.u32 v20, $0xA  }
0x1c0: {  	vm1 =	vlt.s32 v15, v5;
	v15 =	vsub.f32 v16, v17;
	v16 =	vor.u32 v18, v20;
	v17 =	vld [tilespmem:s0+$0x9060]  }
0x1c1: {  	vm0 =	vmand vm0, vm1;
	v16 =	vor.u32 v10, v16  }
0x1c2: {  	v18 =	vnsel vm0, $0x0, v15;
	v15 =	vadd.f32 $-1.000000000e+00, v15  }
0x1c3: {  	v14 =	vadd.f32 v18, v14  }
0x1c4: {  	v15 =	vnsel vm0, $0x0, v15  }
0x1c5: {  	[tilespmem:s0+$0x8840] =	vst v15;
	v15 =	vshra.s32 v17, $0x3  }
0x1c6: {  	v18 =	vld.idx.msk [tilespmem:v16+s18+$0x0], $0xffff;
	v16 =	vsub.s32 v15, v4  }
0x1c7: {  	v15 =	vld [tilespmem:s0+$0x8850];
	v20 =	vadd.s32 v2, v16  }
0x1c8: {  	vm0 =	vgt.s32 v20, $0x0  }
0x1c9: {  	v20 =	vnsel vm0, $0x0, v20  }
0x1ca: {  	v17 =	vshll.u32 v17, $0x7;
	v20 =	vmin.u32 v20, $0xF  }
0x1cb: {  	v17 =	vand.u32 $0x380, v17;
	vm0 =	vgt.s32 v19, $0xFFFFFFFF;
	v20 =	vshll.u32 v20, $0xA  }
0x1cc: {  	vm1 =	vlt.s32 v19, v5;
	v15 =	vsub.f32 v15, v18;
	v17 =	vor.u32 v17, v20;
	v19 =	vld [tilespmem:s0+$0x9070]  }
0x1cd: {  	vm0 =	vmand vm0, vm1;
	v17 =	vor.u32 v11, v17  }
0x1ce: {  	v18 =	vnsel vm0, $0x0, v15;
	v15 =	vadd.f32 $-1.000000000e+00, v15  }
0x1cf: {  	v14 =	vadd.f32 v18, v14  }
0x1d0: {  	v15 =	vnsel vm0, $0x0, v15  }
0x1d1: {  	[tilespmem:s0+$0x8850] =	vst v15;
	v18 =	vshra.s32 v19, $0x3  }
0x1d2: {  	v15 =	vld.idx.msk [tilespmem:v17+s18+$0x0], $0xffff;
	v17 =	vsub.s32 v18, v4  }
.Ltmp1:
0x1d3: {  	v18 =	vld [tilespmem:s0+$0x8860];
	v20 =	vadd.s32 v2, v17;
	(pc) =	sbr.rel @p1 .LBB2_4-.Ltmp1, $4  }
0x1d4: {  	vm0 =	vgt.s32 v20, $0x0  }
0x1d5: {  	v20 =	vnsel vm0, $0x0, v20  }
0x1d6: {  	v21 =	vshll.u32 v19, $0x7;
	v20 =	vmin.u32 v20, $0xF  }
0x1d7: {  	s13 =	sshra.s32 s4, $0x2;
	s4 =	sadd.s32 $0x200, s4;
	vm0 =	vgt.s32 v16, $0xFFFFFFFF;
	v19 =	vshll.u32 v20, $0xA;
	v20 =	vand.u32 $0x380, v21  }
0x1d8: {  	v21 =	vld [tilespmem:s13+$0x9000]  }
0x1d9: {  	v15 =	vsub.f32 v18, v15;
	v36 =	vor.u32 v20, v19  }
0x1da: {  	v18 =	vor.u32 v12, v36  }
0x1db: {  	vm1 =	vlt.s32 v16, v5;
	v37 =	vadd.f32 $-1.000000000e+00, v15  }
0x1dc: {  	vm0 =	vmand vm0, vm1  }
0x1dd: {  	v16 =	vnsel vm0, $0x0, v37;
	v38 =	vshra.s32 v21, $0x3  }
0x1de: {  	v20 =	vld [tilespmem:s0+$0x8870];
	[tilespmem:s0+$0x8860] =	vst v16;
	v19 =	vsub.s32 v38, v4  }
0x1df: {  	v16 =	vld.idx.msk [tilespmem:v18+s18+$0x0], $0xffff;
	v39 =	vadd.s32 v2, v19  }
0x1e0: {  	vm10 =	vgt.s32 v39, $0x0  }
0x1e1: {  	v18 =	vnsel vm10, $0x0, v39  }
0x1e2: {  	v21 =	vshll.u32 v21, $0x7;
	v18 =	vmin.u32 v18, $0xF  }
0x1e3: {  	v21 =	vand.u32 $0x380, v21;
	v18 =	vshll.u32 v18, $0xA  }
0x1e4: {  	v16 =	vsub.f32 v20, v16;
	v18 =	vor.u32 v21, v18;
	v21 =	vld [tilespmem:s13+$0x9010]  }
0x1e5: {  	v18 =	vor.u32 v0, v18  }
0x1e6: {  	vm11 =	vgt.s32 v17, $0xFFFFFFFF;
	vm2 =	vlt.s32 v17, v5;
	v40 =	vadd.f32 $-1.000000000e+00, v16  }
0x1e7: {  	vm1 =	vmand vm11, vm2  }
0x1e8: {  	v17 =	vnsel vm1, $0x0, v40  }
0x1e9: {  	[tilespmem:s0+$0x8870] =	vst v17;
	v20 =	vshra.s32 v21, $0x3  }
0x1ea: {  	v17 =	vld.idx.msk [tilespmem:v18+s18+$0x0], $0xffff;
	v41 =	vsub.s32 v20, v4  }
0x1eb: {  	v20 =	vld [tilespmem:s13+$0x8800];
	v22 =	vadd.s32 v2, v41  }
0x1ec: {  	vm12 =	vgt.s32 v22, $0x0  }
0x1ed: {  	v22 =	vnsel vm12, $0x0, v22  }
0x1ee: {  	v21 =	vshll.u32 v21, $0x7;
	v22 =	vmin.u32 v22, $0xF  }
0x1ef: {  	v21 =	vand.u32 $0x380, v21;
	v22 =	vshll.u32 v22, $0xA  }
0x1f0: {  	v17 =	vsub.f32 v20, v17;
	v20 =	vor.u32 v21, v22;
	v21 =	vld [tilespmem:s13+$0x9020]  }
0x1f1: {  	v20 =	vor.u32 v6, v20  }
0x1f2: {  	vm13 =	vgt.s32 v19, $0xFFFFFFFF;
	vm3 =	vlt.s32 v19, v5;
	v42 =	vadd.f32 $-1.000000000e+00, v17  }
0x1f3: {  	vm2 =	vmand vm13, vm3  }
0x1f4: {  	v19 =	vnsel vm2, $0x0, v42  }
0x1f5: {  	v22 =	vld [tilespmem:s13+$0x8810];
	[tilespmem:s13+$0x8800] =	vst v19;
	v43 =	vshra.s32 v21, $0x3  }
0x1f6: {  	v20 =	vld.idx.msk [tilespmem:v20+s18+$0x0], $0xffff;
	v19 =	vsub.s32 v43, v4  }
0x1f7: {  	v23 =	vadd.s32 v2, v19  }
0x1f8: {  	vm14 =	vgt.s32 v23, $0x0  }
0x1f9: {  	v23 =	vnsel vm14, $0x0, v23  }
0x1fa: {  	v21 =	vshll.u32 v21, $0x7;
	v23 =	vmin.u32 v23, $0xF  }
0x1fb: {  	v21 =	vand.u32 $0x380, v21;
	v23 =	vshll.u32 v23, $0xA;
	v20 =	vsub.f32 v22, v20;
	v22 =	vld [tilespmem:s13+$0x9030]  }
0x1fc: {  	v21 =	vor.u32 v21, v23  }
0x1fd: {  	v21 =	vor.u32 v7, v21  }
0x1fe: {  	vm15 =	vgt.s32 v41, $0xFFFFFFFF;
	vm4 =	vlt.s32 v41, v5;
	v44 =	vadd.f32 $-1.000000000e+00, v20  }
0x1ff: {  	vm3 =	vmand vm15, vm4  }
0x200: {  	v18 =	vnsel vm3, $0x0, v44;
	v45 =	vshra.s32 v22, $0x3  }
0x201: {  	v23 =	vld [tilespmem:s13+$0x8820];
	[tilespmem:s13+$0x8810] =	vst v18;
	v18 =	vsub.s32 v45, v4  }
0x202: {  	v21 =	vld.idx.msk [tilespmem:v21+s18+$0x0], $0xffff;
	v24 =	vadd.s32 v2, v18  }
0x203: {  	vm8 =	vgt.s32 v24, $0x0  }
0x204: {  	v24 =	vnsel vm8, $0x0, v24  }
0x205: {  	v22 =	vshll.u32 v22, $0x7;
	v24 =	vmin.u32 v24, $0xF  }
0x206: {  	v22 =	vand.u32 $0x380, v22;
	v24 =	vshll.u32 v24, $0xA  }
0x207: {  	v21 =	vsub.f32 v23, v21;
	v22 =	vor.u32 v22, v24;
	v23 =	vld [tilespmem:s13+$0x9040]  }
0x208: {  	v22 =	vor.u32 v8, v22  }
0x209: {  	vm9 =	vgt.s32 v19, $0xFFFFFFFF;
	vm5 =	vlt.s32 v19, v5;
	v46 =	vadd.f32 $-1.000000000e+00, v21  }
0x20a: {  	vm4 =	vmand vm9, vm5  }
0x20b: {  	v19 =	vnsel vm4, $0x0, v46  }
0x20c: {  	v24 =	vld [tilespmem:s13+$0x8830];
	[tilespmem:s13+$0x8820] =	vst v19;
	v47 =	vshra.s32 v23, $0x3  }
0x20d: {  	v22 =	vld.idx.msk [tilespmem:v22+s18+$0x0], $0xffff;
	v19 =	vsub.s32 v47, v4  }
0x20e: {  	v25 =	vadd.s32 v2, v19  }
0x20f: {  	vm10 =	vgt.s32 v25, $0x0  }
0x210: {  	v25 =	vnsel vm10, $0x0, v25  }
0x211: {  	v23 =	vshll.u32 v23, $0x7;
	v25 =	vmin.u32 v25, $0xF  }
0x212: {  	v23 =	vand.u32 $0x380, v23;
	v25 =	vshll.u32 v25, $0xA;
	v22 =	vsub.f32 v24, v22;
	v24 =	vld [tilespmem:s13+$0x9050]  }
0x213: {  	v23 =	vor.u32 v23, v25  }
0x214: {  	v23 =	vor.u32 v9, v23  }
0x215: {  	vm11 =	vgt.s32 v18, $0xFFFFFFFF;
	vm6 =	vlt.s32 v18, v5;
	v48 =	vadd.f32 $-1.000000000e+00, v22  }
0x216: {  	vm5 =	vmand vm11, vm6  }
0x217: {  	v18 =	vnsel vm5, $0x0, v48;
	v49 =	vshra.s32 v24, $0x3  }
0x218: {  	v25 =	vld [tilespmem:s13+$0x8840];
	[tilespmem:s13+$0x8830] =	vst v18;
	v18 =	vsub.s32 v49, v4  }
0x219: {  	v23 =	vld.idx.msk [tilespmem:v23+s18+$0x0], $0xffff;
	v26 =	vadd.s32 v2, v18  }
0x21a: {  	vm12 =	vgt.s32 v26, $0x0  }
0x21b: {  	v26 =	vnsel vm12, $0x0, v26  }
0x21c: {  	v24 =	vshll.u32 v24, $0x7;
	v26 =	vmin.u32 v26, $0xF  }
0x21d: {  	v24 =	vand.u32 $0x380, v24;
	v26 =	vshll.u32 v26, $0xA  }
0x21e: {  	v23 =	vsub.f32 v25, v23;
	v24 =	vor.u32 v24, v26;
	v25 =	vld [tilespmem:s13+$0x9060]  }
0x21f: {  	v24 =	vor.u32 v10, v24  }
0x220: {  	vm13 =	vgt.s32 v19, $0xFFFFFFFF;
	vm7 =	vlt.s32 v19, v5;
	v50 =	vadd.f32 $-1.000000000e+00, v23  }
0x221: {  	vm6 =	vmand vm13, vm7  }
0x222: {  	v19 =	vnsel vm6, $0x0, v50  }
0x223: {  	v26 =	vld [tilespmem:s13+$0x8850];
	[tilespmem:s13+$0x8840] =	vst v19;
	v51 =	vshra.s32 v25, $0x3  }
0x224: {  	v24 =	vld.idx.msk [tilespmem:v24+s18+$0x0], $0xffff;
	v19 =	vsub.s32 v51, v4  }
0x225: {  	v27 =	vadd.s32 v2, v19  }
0x226: {  	vm14 =	vgt.s32 v27, $0x0  }
0x227: {  	v27 =	vnsel vm14, $0x0, v27  }
0x228: {  	v25 =	vshll.u32 v25, $0x7;
	v27 =	vmin.u32 v27, $0xF  }
0x229: {  	v25 =	vand.u32 $0x380, v25;
	v27 =	vshll.u32 v27, $0xA;
	v24 =	vsub.f32 v26, v24;
	v26 =	vld [tilespmem:s13+$0x9070]  }
0x22a: {  	v25 =	vor.u32 v25, v27  }
0x22b: {  	v25 =	vor.u32 v11, v25  }
0x22c: {  	vm15 =	vgt.s32 v18, $0xFFFFFFFF;
	vm8 =	vlt.s32 v18, v5;
	v52 =	vadd.f32 $-1.000000000e+00, v24  }
0x22d: {  	vm7 =	vmand vm15, vm8  }
0x22e: {  	v18 =	vnsel vm7, $0x0, v52;
	v53 =	vshra.s32 v26, $0x3  }
0x22f: {  	v27 =	vld [tilespmem:s13+$0x8860];
	[tilespmem:s13+$0x8850] =	vst v18;
	v18 =	vsub.s32 v53, v4  }
0x230: {  	v25 =	vld.idx.msk [tilespmem:v25+s18+$0x0], $0xffff;
	v28 =	vadd.s32 v2, v18  }
0x231: {  	vm12 =	vgt.s32 v28, $0x0  }
0x232: {  	v28 =	vnsel vm12, $0x0, v28  }
0x233: {  	v26 =	vshll.u32 v26, $0x7;
	v28 =	vmin.u32 v28, $0xF  }
0x234: {  	v26 =	vand.u32 $0x380, v26;
	v28 =	vshll.u32 v28, $0xA  }
0x235: {  	v25 =	vsub.f32 v27, v25;
	v26 =	vor.u32 v26, v28  }
0x236: {  	v26 =	vor.u32 v12, v26  }
0x237: {  	vm13 =	vgt.s32 v19, $0xFFFFFFFF;
	vm9 =	vlt.s32 v19, v5;
	v54 =	vadd.f32 $-1.000000000e+00, v25  }
0x238: {  	vm8 =	vmand vm13, vm9  }
0x239: {  	v19 =	vnsel vm8, $0x0, v54  }
0x23a: {  	[tilespmem:s13+$0x8860] =	vst v19  }
0x23b: {  	v19 =	vld.idx.msk [tilespmem:v26+s18+$0x0], $0xffff  }
0x23c: {  	v26 =	vld [tilespmem:s13+$0x8870]  }
0x23d: {  	v15 =	vnsel vm0, $0x0, v15  }
0x23e: {  	v14 =	vadd.f32 v15, v14  }
0x23f: {  	v16 =	vnsel vm1, $0x0, v16  }
0x240: {  	v14 =	vadd.f32 v16, v14  }
0x241: {  	v56 =	vnsel vm2, $0x0, v17;
	v55 =	vsub.f32 v26, v19  }
0x242: {  	v14 =	vadd.f32 v56, v14  }
0x243: {  	vm14 =	vgt.s32 v18, $0xFFFFFFFF;
	vm15 =	vlt.s32 v18, v5;
	v57 =	vadd.f32 $-1.000000000e+00, v55  }
0x244: {  	v58 =	vnsel vm3, $0x0, v20;
	vm0 =	vmand vm14, vm15  }
0x245: {  	v14 =	vadd.f32 v58, v14;
	v17 =	vnsel vm0, $0x0, v57  }
0x246: {  	s0 =	simm.s32 @!p0 $0x8000;
	v59 =	vnsel vm4, $0x0, v21;
	[tilespmem:s13+$0x8870] =	vst v17  }
0x247: {  	v14 =	vadd.f32 v59, v14;
	[spmem:s9] =	stream.linear.scatter @!p0 [tilespmem:s0], [sflag:$0x3], $0x500, $0x38;
	[tilespmem:$0x9A20] =	vst v63  }
0x248: {  	v60 =	vnsel vm5, $0x0, v22;
	s0 =	simm.s32 @!p0 $0x3  }
0x249: {  	v14 =	vadd.f32 v60, v14;
	_ =	swait.ge @!p0 [sflag:s0], $0x500  }
0x24a: {  	v61 =	vnsel vm6, $0x0, v23;
	[sflag:s0] =	ssyncset.done @!p0 $0x0  }
0x24b: {  	v14 =	vadd.f32 v61, v14;
	[sflag:s0] =	ssyncadd.s32 @!p0 $0xFFFFFB00  }
0x24c: {  	v62 =	vnsel vm7, $0x0, v24;
	[bflag:$0x0] =	sbarrier.arrive $0xFFFF  }
0x24d: {  	s4 =	simm.s32 $0xA;
	s25 =	simm.s32 $0x9800;
	v14 =	vadd.f32 v62, v14;
	s24 =	rddreg [dreg:$0x4]  }
0x24e: {  	v63 =	vnsel vm8, $0x0, v25;
	[spmem:s24] =	stream.indirect.scatter.add.f32 [tilespmem:s26], [sflag:$0x3], $0x80, s25, s4, $0xb8;
	[tilespmem:$0x9A20] =	vst v63  }
0x24f: {  	v14 =	vadd.f32 v63, v14;
	_ =	swait.ge [sflag:s20], $0x500  }
0x250: {  	v15 =	vnsel vm0, $0x0, v55;
	[sflag:s20] =	ssyncset.done $0x0  }
0x251: {  	v0 =	vadd.f32 v15, v14;
	[sflag:s20] =	ssyncadd.s32 $0xFFFFFB00  }
0x252: {  	[bflag:$0x0] =	sbarrier.arrive $0xFFFF  }
0x253: {  	[tilespmem:$0x1FF60] =	vst v0  }
0x254: {  	v8 =	vimm.f32 $0.0e+00;
	[tilespmem:s28], [sflag:$0x3] =	stream.linear.gather [spmem:s9], $0x500, $0x38;
	[tilespmem:$0x9A20] =	vst v63  }
0x255: {  	v22 =	vimm.f32 $0.0e+00;
	v9 =	vimm.f32 $0.0e+00;
	v10 =	vimm.f32 $0.0e+00;
	_ =	swait.ge [sflag:s20], $0x500  }
0x256: {  	v23 =	vimm.f32 $0.0e+00;
	v24 =	vimm.f32 $0.0e+00;
	v2 =	vimm.f32 $0.0e+00;
	s13 =	smov.u32 s2;
	[sflag:s20] =	ssyncset.done $0x0  }
0x257: {  	v27 =	vimm.f32 $0.0e+00;
	v25 =	vimm.f32 $0.0e+00;
	v26 =	vimm.f32 $0.0e+00;
	s0 =	smov.u32 s15;
	s4 =	smov.u32 s1;
	[sflag:s20] =	ssyncadd.s32 $0xFFFFFB00  }
.LBB2_6:
0x258: {  	s19 =	simm.s32 $0xFFFFFF80  }
0x259: {  	v43 =	vld [tilespmem:s19+$0x8080]  }
0x25a: {  	v17 =	vmov s13;
	v44 =	vld [tilespmem:s19+$0x8100]  }
0x25b: {  	v19 =	vmov s0;
	v57 =	vld [tilespmem:s19+$0x8180]  }
0x25c: {  	v58 =	vld [tilespmem:s19+$0x8200]  }
0x25d: {  	v59 =	vld [tilespmem:s19+$0x8280]  }
0x25e: {  	v1 =	vld [tilespmem:s19+$0x8300]  }
0x25f: {  	v15 =	vld.idx.msk [tilespmem:v17+s19+$0x200 ss:$0x1], $0xffff  }
0x260: {  	v16 =	vld.idx.msk [tilespmem:v19+s19+$0x200 ss:$0x1], $0xffff  }
0x261: {  	v20 =	vld.idx.msk [tilespmem:v17+s19+$0x180 ss:$0x1], $0xffff  }
0x262: {  	v21 =	vld.idx.msk [tilespmem:v19+s19+$0x180 ss:$0x1], $0xffff  }
0x263: {  	v18 =	vld.idx.msk [tilespmem:v17+s19+$0x100 ss:$0x1], $0xffff  }
0x264: {  	v28 =	vld.idx.msk [tilespmem:v19+s19+$0x100 ss:$0x1], $0xffff  }
0x265: {  	v30 =	vld.idx.msk [tilespmem:v17+s19+$0x80 ss:$0x1], $0xffff  }
0x266: {  	v31 =	vld.idx.msk [tilespmem:v19+s19+$0x80 ss:$0x1], $0xffff  }
0x267: {  	v29 =	vld.idx.msk [tilespmem:v17+s19+$0x0 ss:$0x1], $0xffff  }
0x268: {  	v32 =	vld.idx.msk [tilespmem:v19+s19+$0x0 ss:$0x1], $0xffff  }
0x269: {  	v34 =	vld.idx.msk [tilespmem:v17+s19+$0xFFFFFF80 ss:$0x1], $0xffff  }
0x26a: {  	v36 =	vld.idx.msk [tilespmem:v19+s19+$0xFFFFFF80 ss:$0x1], $0xffff  }
0x26b: {  	v33 =	vld.idx.msk [tilespmem:v17+s19+$0xFFFFFF00 ss:$0x1], $0xffff  }
0x26c: {  	v38 =	vld.idx.msk [tilespmem:v19+s19+$0xFFFFFF00 ss:$0x1], $0xffff  }
0x26d: {  	v39 =	vld.idx.msk [tilespmem:v17+s19+$0xFFFFFE80 ss:$0x1], $0xffff  }
0x26e: {  	v40 =	vld.idx.msk [tilespmem:v19+s19+$0xFFFFFE80 ss:$0x1], $0xffff  }
0x26f: {  	v37 =	vld [tilespmem:s19+$0x8380];
	v15 =	vsub.f32 v15, v16  }
0x270: {  	v35 =	vld [tilespmem:s19+$0x8400];
	v18 =	vsub.f32 v18, v28;
	v16 =	vsub.f32 v20, v21  }
0x271: {  	v29 =	vsub.f32 v29, v32;
	v28 =	vsub.f32 v30, v31  }
0x272: {  	v33 =	vsub.f32 v33, v38;
	v32 =	vsub.f32 v34, v36  }
0x273: {  	v34 =	vsub.f32 v39, v40;
	v11 =	vmax.f32 v15, v43;
	v12 =	vmax.f32 v15, v44  }
0x274: {  	v41 =	vmax.f32 v15, v57;
	v42 =	vmax.f32 v15, v58;
	v39 =	vmax.f32 v15, v59  }
0x275: {  	v40 =	vmax.f32 v15, v1;
	v20 =	vmax.f32 v15, v37;
	v21 =	vmax.f32 v15, v35  }
0x276: {  	v14 =	vmax.f32 v16, v43;
	v49 =	vmax.f32 v16, v44;
	v47 =	vmax.f32 v16, v57  }
0x277: {  	v48 =	vmax.f32 v16, v58;
	v45 =	vmax.f32 v16, v59;
	v46 =	vmax.f32 v16, v1  }
0x278: {  	v50 =	vmax.f32 v18, v43;
	v30 =	vmax.f32 v16, v37;
	v31 =	vmax.f32 v16, v35  }
0x279: {  	v55 =	vmax.f32 v34, v43;
	v56 =	vmax.f32 v34, v44;
	v51 =	vmax.f32 v18, v44  }
0x27a: {  	v53 =	vmax.f32 v18, v57;
	v60 =	vmax.f32 v33, v43;
	v27 =	vadd.f32 v55, v27  }
0x27b: {  	v61 =	vmax.f32 v33, v44;
	v54 =	vmax.f32 v18, v58;
	v26 =	vadd.f32 v56, v26  }
0x27c: {  	v62 =	vmax.f32 v32, v43;
	v63 =	vmax.f32 v32, v44;
	v27 =	vadd.f32 v60, v27  }
0x27d: {  	v36 =	vmax.f32 v18, v37;
	v38 =	vmax.f32 v18, v35;
	v26 =	vadd.f32 v61, v26  }
0x27e: {  	v52 =	vmax.f32 v29, v57;
	v0 =	vmax.f32 v29, v58;
	v27 =	vadd.f32 v62, v27  }
0x27f: {  	v7 =	vmax.f32 v33, v57;
	v60 =	vmax.f32 v29, v43;
	v26 =	vadd.f32 v63, v26  }
0x280: {  	v6 =	vmax.f32 v34, v59;
	v61 =	vmax.f32 v29, v44;
	v27 =	vadd.f32 v60, v27  }
0x281: {  	v55 =	vmax.f32 v18, v59;
	v43 =	vmax.f32 v28, v43;
	v26 =	vadd.f32 v61, v26  }
0x282: {  	v6 =	vadd.f32 v6, v8;
	v44 =	vmax.f32 v28, v44;
	v27 =	vadd.f32 v43, v27  }
0x283: {  	v56 =	vmax.f32 v18, v1;
	v8 =	vmax.f32 v33, v59;
	v26 =	vadd.f32 v44, v26  }
0x284: {  	v6 =	vadd.f32 v8, v6;
	v62 =	vmax.f32 v28, v59;
	v27 =	vadd.f32 v50, v27  }
0x285: {  	v63 =	vmax.f32 v28, v1;
	v60 =	vmax.f32 v28, v57;
	v26 =	vadd.f32 v51, v26  }
0x286: {  	v61 =	vmax.f32 v28, v58;
	v43 =	vmax.f32 v28, v37;
	v14 =	vadd.f32 v14, v27  }
0x287: {  	v44 =	vmax.f32 v28, v35;
	v50 =	vmax.f32 v32, v57;
	v26 =	vadd.f32 v49, v26  }
0x288: {  	v49 =	vmax.f32 v34, v57;
	v57 =	vmax.f32 v34, v58;
	v27 =	vadd.f32 v11, v14  }
0x289: {  	v14 =	vadd.f32 v49, v10;
	v49 =	vadd.f32 v57, v9;
	v10 =	vmax.f32 v34, v1  }
0x28a: {  	v51 =	vmax.f32 v32, v58;
	v58 =	vmax.f32 v33, v58;
	v57 =	vadd.f32 v10, v2  }
0x28b: {  	v11 =	vmax.f32 v33, v1;
	v7 =	vadd.f32 v7, v14;
	v14 =	vadd.f32 v58, v49  }
0x28c: {  	v26 =	vadd.f32 v12, v26;
	v58 =	vmax.f32 v32, v1;
	v8 =	vadd.f32 v11, v57  }
0x28d: {  	v57 =	vmax.f32 v32, v59;
	v7 =	vadd.f32 v50, v7;
	v14 =	vadd.f32 v51, v14  }
0x28e: {  	v59 =	vmax.f32 v29, v59;
	v6 =	vadd.f32 v57, v6;
	v8 =	vadd.f32 v58, v8  }
0x28f: {  	v51 =	vadd.f32 v52, v7;
	v52 =	vadd.f32 v0, v14;
	v0 =	vmax.f32 v29, v1  }
0x290: {  	s24 =	simm.s32 $0xFFFFFE40;
	v57 =	vmax.f32 v29, v37;
	v49 =	vadd.f32 v59, v6;
	v50 =	vadd.f32 v0, v8  }
.LBB2_7:
0x291: {  	s25 =	sshra.s32 s24, $0x2;
	p1 =	sne.s32 s24, $0xFFFFFFC0;
	v0 =	vmax.f32 v29, v35;
	v1 =	vadd.f32 v60, v51;
	v6 =	vadd.f32 v61, v52  }
0x292: {  	v8 =	vmax.f32 v32, v37;
	v7 =	vld.idx.msk [tilespmem:v17+s25+$0x200 ss:$0x1], $0xffff;
	v14 =	vadd.f32 v62, v49;
	v49 =	vadd.f32 v63, v50  }
0x293: {  	v58 =	vmax.f32 v32, v35;
	v59 =	vld [tilespmem:s19+$0x8480];
	v1 =	vadd.f32 v53, v1;
	v6 =	vadd.f32 v54, v6  }
0x294: {  	v54 =	vmax.f32 v33, v37;
	v53 =	vld [tilespmem:s19+$0x8500];
	v14 =	vadd.f32 v55, v14;
	v49 =	vadd.f32 v56, v49;
	s19 =	smov.u32 s25  }
0x295: {  	v56 =	vmax.f32 v33, v35;
	v55 =	vld.idx.msk [tilespmem:v19+s19+$0x200 ss:$0x1], $0xffff;
	v1 =	vadd.f32 v47, v1;
	v6 =	vadd.f32 v48, v6  }
0x296: {  	v37 =	vmax.f32 v34, v37;
	v47 =	vld.idx.msk [tilespmem:v17+s19+$0x180 ss:$0x1], $0xffff;
	v14 =	vadd.f32 v45, v14;
	v45 =	vadd.f32 v46, v49  }
0x297: {  	v35 =	vmax.f32 v34, v35;
	v46 =	vld.idx.msk [tilespmem:v19+s19+$0x180 ss:$0x1], $0xffff;
	v49 =	vadd.f32 v41, v1;
	v50 =	vadd.f32 v42, v6  }
0x298: {  	v1 =	vld.idx.msk [tilespmem:v17+s19+$0x100 ss:$0x1], $0xffff;
	v6 =	vmax.f32 v34, v59;
	v51 =	vadd.f32 v39, v14;
	v52 =	vadd.f32 v40, v45  }
0x299: {  	v25 =	vadd.f32 v37, v25;
	v24 =	vadd.f32 v35, v24;
	v14 =	vld.idx.msk [tilespmem:v19+s19+$0x100 ss:$0x1], $0xffff;
	v34 =	vmax.f32 v34, v53  }
0x29a: {  	v6 =	vadd.f32 v6, v23;
	v23 =	vmax.f32 v33, v59;
	v39 =	vld.idx.msk [tilespmem:v17+s19+$0x80 ss:$0x1], $0xffff;
	v22 =	vadd.f32 v34, v22  }
0x29b: {  	v25 =	vadd.f32 v54, v25;
	v24 =	vadd.f32 v56, v24;
	v33 =	vmax.f32 v33, v53;
	v34 =	vld.idx.msk [tilespmem:v19+s19+$0x80 ss:$0x1], $0xffff  }
0x29c: {  	v6 =	vadd.f32 v23, v6;
	v23 =	vmax.f32 v32, v59;
	v40 =	vld.idx.msk [tilespmem:v17+s19+$0x0 ss:$0x1], $0xffff;
	v22 =	vadd.f32 v33, v22  }
0x29d: {  	v8 =	vadd.f32 v8, v25;
	v24 =	vadd.f32 v58, v24;
	v25 =	vmax.f32 v32, v53;
	v33 =	vld.idx.msk [tilespmem:v19+s19+$0x0 ss:$0x1], $0xffff  }
0x29e: {  	v6 =	vadd.f32 v23, v6;
	v23 =	vmax.f32 v29, v59;
	v32 =	vld.idx.msk [tilespmem:v17+s19+$0xFFFFFF80 ss:$0x1], $0xffff;
	v22 =	vadd.f32 v25, v22  }
0x29f: {  	v8 =	vadd.f32 v57, v8;
	v0 =	vadd.f32 v0, v24;
	v24 =	vmax.f32 v29, v53;
	v41 =	vld.idx.msk [tilespmem:v19+s19+$0xFFFFFF80 ss:$0x1], $0xffff  }
0x2a0: {  	v6 =	vadd.f32 v23, v6;
	v23 =	vmax.f32 v28, v59;
	v60 =	vld [tilespmem:s19+$0x8080];
	v22 =	vadd.f32 v24, v22  }
0x2a1: {  	v8 =	vadd.f32 v43, v8;
	v0 =	vadd.f32 v44, v0;
	v24 =	vmax.f32 v28, v53;
	v61 =	vld [tilespmem:s19+$0x8100]  }
0x2a2: {  	v6 =	vadd.f32 v23, v6;
	v23 =	vmax.f32 v18, v59;
	v58 =	vld [tilespmem:s19+$0x8180];
	v22 =	vadd.f32 v24, v22  }
0x2a3: {  	v8 =	vadd.f32 v36, v8;
	v0 =	vadd.f32 v38, v0;
	v18 =	vmax.f32 v18, v53;
	v9 =	vld [tilespmem:s19+$0x8200]  }
0x2a4: {  	v6 =	vadd.f32 v23, v6;
	v57 =	vld [tilespmem:s19+$0x8280];
	v18 =	vadd.f32 v18, v22;
	v22 =	vmax.f32 v16, v59  }
0x2a5: {  	v8 =	vadd.f32 v30, v8;
	v0 =	vadd.f32 v31, v0;
	v16 =	vmax.f32 v16, v53;
	v36 =	vld.idx.msk [tilespmem:v17+s19+$0xFFFFFF00 ss:$0x1], $0xffff  }
0x2a6: {  	v6 =	vadd.f32 v22, v6;
	v30 =	vld.idx.msk [tilespmem:v19+s19+$0xFFFFFF00 ss:$0x1], $0xffff;
	v16 =	vadd.f32 v16, v18;
	v18 =	vmax.f32 v15, v59  }
0x2a7: {  	v25 =	vadd.f32 v20, v8;
	v24 =	vadd.f32 v21, v0;
	v0 =	vmax.f32 v15, v53;
	v31 =	vld.idx.msk [tilespmem:v17+s19+$0xFFFFFE80 ss:$0x1], $0xffff  }
0x2a8: {  	v23 =	vadd.f32 v18, v6;
	v8 =	vld.idx.msk [tilespmem:v19+s19+$0xFFFFFE80 ss:$0x1], $0xffff;
	v22 =	vadd.f32 v0, v16  }
0x2a9: {  	v59 =	vld [tilespmem:s19+$0x8300]  }
0x2aa: {  	v15 =	vsub.f32 v7, v55;
	v37 =	vld [tilespmem:s19+$0x8380]  }
0x2ab: {  	v18 =	vsub.f32 v1, v14;
	v16 =	vsub.f32 v47, v46;
	v35 =	vld [tilespmem:s19+$0x8400]  }
0x2ac: {  	v28 =	vsub.f32 v39, v34;
	v29 =	vsub.f32 v40, v33  }
0x2ad: {  	v32 =	vsub.f32 v32, v41;
	v33 =	vsub.f32 v36, v30  }
0x2ae: {  	v0 =	vmax.f32 v15, v60;
	v1 =	vmax.f32 v15, v61;
	v34 =	vsub.f32 v31, v8  }
0x2af: {  	v41 =	vmax.f32 v15, v58;
	v42 =	vmax.f32 v15, v9;
	v39 =	vmax.f32 v15, v57  }
0x2b0: {  	v40 =	vmax.f32 v15, v59;
	v20 =	vmax.f32 v15, v37;
	v21 =	vmax.f32 v15, v35  }
0x2b1: {  	v6 =	vmax.f32 v16, v60;
	v7 =	vmax.f32 v16, v61;
	v47 =	vmax.f32 v16, v58  }
0x2b2: {  	v48 =	vmax.f32 v16, v9;
	v45 =	vmax.f32 v16, v57;
	v46 =	vmax.f32 v16, v59  }
0x2b3: {  	v8 =	vmax.f32 v18, v60;
	v30 =	vmax.f32 v16, v37;
	v31 =	vmax.f32 v16, v35  }
0x2b4: {  	v10 =	vmax.f32 v18, v61;
	v14 =	vmax.f32 v34, v60;
	v36 =	vmax.f32 v34, v61  }
0x2b5: {  	v53 =	vmax.f32 v18, v58;
	v14 =	vadd.f32 v14, v27;
	v26 =	vadd.f32 v36, v26  }
0x2b6: {  	v54 =	vmax.f32 v18, v9;
	v27 =	vmax.f32 v33, v60;
	v36 =	vmax.f32 v33, v61  }
0x2b7: {  	v55 =	vmax.f32 v18, v57;
	v14 =	vadd.f32 v27, v14;
	v26 =	vadd.f32 v36, v26  }
0x2b8: {  	v56 =	vmax.f32 v18, v59;
	v27 =	vmax.f32 v32, v60;
	v36 =	vmax.f32 v32, v61  }
0x2b9: {  	v14 =	vadd.f32 v27, v14;
	v26 =	vadd.f32 v36, v26;
	v36 =	vmax.f32 v18, v37  }
0x2ba: {  	v43 =	vmax.f32 v29, v61;
	v38 =	vmax.f32 v18, v35;
	v27 =	vmax.f32 v29, v60  }
0x2bb: {  	v14 =	vadd.f32 v27, v14;
	v26 =	vadd.f32 v43, v26;
	v27 =	vmax.f32 v28, v60  }
0x2bc: {  	v43 =	vmax.f32 v28, v61;
	v60 =	vmax.f32 v28, v58;
	v61 =	vmax.f32 v28, v9  }
0x2bd: {  	v62 =	vmax.f32 v28, v57;
	v14 =	vadd.f32 v27, v14;
	v26 =	vadd.f32 v43, v26  }
0x2be: {  	v63 =	vmax.f32 v28, v59;
	v44 =	vmax.f32 v28, v35;
	v43 =	vmax.f32 v28, v37  }
0x2bf: {  	v11 =	vmax.f32 v29, v58;
	v8 =	vadd.f32 v8, v14;
	v10 =	vadd.f32 v10, v26  }
0x2c0: {  	v12 =	vmax.f32 v32, v9;
	v13 =	vmax.f32 v29, v9;
	v14 =	vmax.f32 v32, v58  }
0x2c1: {  	v2 =	vmax.f32 v33, v58;
	v6 =	vadd.f32 v6, v8;
	v7 =	vadd.f32 v7, v10  }
0x2c2: {  	v8 =	vmax.f32 v34, v58;
	v10 =	vmax.f32 v34, v9;
	v9 =	vmax.f32 v33, v9  }
0x2c3: {  	v58 =	vmax.f32 v34, v57;
	v27 =	vadd.f32 v0, v6;
	v26 =	vadd.f32 v1, v7  }
0x2c4: {  	v0 =	vadd.f32 v8, v49;
	v1 =	vadd.f32 v10, v50;
	v6 =	vmax.f32 v34, v59  }
0x2c5: {  	v7 =	vadd.f32 v58, v51;
	v8 =	vmax.f32 v33, v57;
	v6 =	vadd.f32 v6, v52  }
0x2c6: {  	v0 =	vadd.f32 v2, v0;
	v1 =	vadd.f32 v9, v1;
	v2 =	vmax.f32 v33, v59  }
.Ltmp2:
0x2c7: {  	v7 =	vadd.f32 v8, v7;
	v2 =	vadd.f32 v2, v6;
	v6 =	vmax.f32 v32, v57;
	(pc) =	sbr.rel @p1 .LBB2_7-.Ltmp2, $4  }
0x2c8: {  	v8 =	vmax.f32 v32, v59;
	v0 =	vadd.f32 v14, v0;
	v1 =	vadd.f32 v12, v1  }
0x2c9: {  	v6 =	vadd.f32 v6, v7;
	v7 =	vmax.f32 v29, v57;
	v2 =	vadd.f32 v8, v2  }
0x2ca: {  	v51 =	vadd.f32 v11, v0;
	v52 =	vadd.f32 v13, v1;
	v0 =	vmax.f32 v29, v59  }
0x2cb: {  	s24 =	sadd.s32 $0x40, s24;
	v57 =	vmax.f32 v29, v37;
	v49 =	vadd.f32 v7, v6;
	v50 =	vadd.f32 v0, v2  }
0x2cc: {  	v1 =	vadd.f32 v60, v51  }
0x2cd: {  	v0 =	vmax.f32 v29, v35;
	v2 =	vadd.f32 v61, v52;
	v7 =	vadd.f32 v62, v49  }
0x2ce: {  	v6 =	vmax.f32 v32, v37;
	v8 =	vadd.f32 v63, v50;
	v1 =	vadd.f32 v53, v1  }
0x2cf: {  	v9 =	vld [tilespmem:s19+$0x8480];
	v10 =	vmax.f32 v32, v35;
	v2 =	vadd.f32 v54, v2;
	v7 =	vadd.f32 v55, v7  }
0x2d0: {  	v11 =	vld [tilespmem:s19+$0x8500];
	v12 =	vmax.f32 v33, v37;
	v8 =	vadd.f32 v56, v8;
	v1 =	vadd.f32 v47, v1  }
0x2d1: {  	v13 =	vmax.f32 v33, v35;
	v2 =	vadd.f32 v48, v2;
	v7 =	vadd.f32 v45, v7  }
0x2d2: {  	v14 =	vmax.f32 v34, v37;
	v8 =	vadd.f32 v46, v8;
	v41 =	vadd.f32 v41, v1  }
0x2d3: {  	v17 =	vmax.f32 v34, v35;
	v59 =	vadd.f32 v42, v2;
	v2 =	vadd.f32 v14, v25  }
0x2d4: {  	v1 =	vmax.f32 v34, v9;
	v60 =	vadd.f32 v39, v7;
	v19 =	vadd.f32 v40, v8  }
0x2d5: {  	v7 =	vadd.f32 v17, v24;
	v8 =	vmax.f32 v34, v11;
	v1 =	vadd.f32 v1, v23  }
0x2d6: {  	v61 =	vmax.f32 v33, v9;
	v8 =	vadd.f32 v8, v22;
	v2 =	vadd.f32 v12, v2  }
0x2d7: {  	v62 =	vmax.f32 v33, v11;
	v7 =	vadd.f32 v13, v7;
	v1 =	vadd.f32 v61, v1  }
0x2d8: {  	v63 =	vmax.f32 v32, v9;
	v8 =	vadd.f32 v62, v8;
	v2 =	vadd.f32 v6, v2  }
0x2d9: {  	v6 =	vadd.f32 v10, v7;
	v7 =	vmax.f32 v32, v11;
	v1 =	vadd.f32 v63, v1  }
0x2da: {  	v7 =	vadd.f32 v7, v8;
	v8 =	vmax.f32 v29, v9;
	v2 =	vadd.f32 v57, v2  }
0x2db: {  	v0 =	vadd.f32 v0, v6;
	v6 =	vmax.f32 v29, v11;
	v1 =	vadd.f32 v8, v1  }
0x2dc: {  	v6 =	vadd.f32 v6, v7;
	v7 =	vmax.f32 v28, v9;
	v2 =	vadd.f32 v43, v2  }
0x2dd: {  	v8 =	vmax.f32 v28, v11;
	v0 =	vadd.f32 v44, v0;
	v1 =	vadd.f32 v7, v1  }
0x2de: {  	s4 =	sadd.s32 $0x1, s4;
	v7 =	vmax.f32 v18, v9;
	v6 =	vadd.f32 v8, v6;
	v2 =	vadd.f32 v36, v2  }
0x2df: {  	p1 =	slt.s32 s4, s10;
	v8 =	vmax.f32 v18, v11;
	v0 =	vadd.f32 v38, v0;
	v1 =	vadd.f32 v7, v1  }
.Ltmp3:
0x2e0: {  	v6 =	vadd.f32 v8, v6;
	v2 =	vadd.f32 v30, v2;
	(pc) =	sbr.rel @p1 .LBB2_6-.Ltmp3, $4  }
0x2e1: {  	v7 =	vmax.f32 v16, v9;
	v8 =	vmax.f32 v16, v11;
	v0 =	vadd.f32 v31, v0  }
0x2e2: {  	v1 =	vadd.f32 v7, v1;
	v7 =	vmax.f32 v15, v9;
	v6 =	vadd.f32 v8, v6  }
0x2e3: {  	v10 =	vmovc v41;
	v25 =	vadd.f32 v20, v2;
	v24 =	vadd.f32 v21, v0;
	v0 =	vmax.f32 v15, v11  }
0x2e4: {  	s13 =	sadd.s32 $0x400, s13;
	s0 =	sadd.s32 $0x400, s0;
	v9 =	vmovc v59;
	v8 =	vmovc v60;
	v23 =	vadd.f32 v7, v1;
	v2 =	vmov v19;
	v22 =	vadd.f32 v0, v6  }
0x2e5: {  	v0 =	vadd.f32 v26, v27;
	_ =	sdelay $0x1  }
0x2e6: {  	v0 =	vadd.f32 v10, v0;
	_ =	sdelay $0x1  }
0x2e7: {  	v0 =	vadd.f32 v9, v0;
	_ =	sdelay $0x1  }
0x2e8: {  	v0 =	vadd.f32 v8, v0;
	_ =	sdelay $0x1  }
0x2e9: {  	v0 =	vadd.f32 v2, v0;
	_ =	sdelay $0x1  }
0x2ea: {  	v1 =	vld [tilespmem:$0x1FF60];
	v0 =	vadd.f32 v25, v0;
	_ =	sdelay $0x1  }
0x2eb: {  	v0 =	vadd.f32 v24, v0;
	_ =	sdelay $0x1  }
0x2ec: {  	v0 =	vadd.f32 v23, v0  }
0x2ed: {  	v1 =	vmul.f32 $-1.000000000e+03, v1  }
0x2ee: {  	v0 =	vadd.f32 v22, v0  }
0x2ef: {  	[tilespmem:$0x9900] =	vst v1  }
0x2f0: {  	[tilespmem:$0x9880] =	vst v0  }
0x2f1: {  	[hbm4b:s11+s3] =	stream.linear.scatter [tilespmem:s29], [sflag:$0x3], $0x80, $0x38;
	[tilespmem:$0x9A20] =	vst v63  }
0x2f2: {  	_ =	swait.ge [sflag:s20], $0x80  }
0x2f3: {  	[sflag:s20] =	ssyncset.done $0x0  }
0x2f4: {  	[sflag:s20] =	ssyncadd.s32 $0xFFFFFF80  }
0x2f5: {  	[hbm4b:s12+s3] =	stream.linear.scatter [tilespmem:s30], [sflag:$0x3], $0x80, $0x38;
	[tilespmem:$0x9A20] =	vst v63  }
0x2f6: {  	_ =	swait.ge [sflag:s20], $0x80  }
0x2f7: {  	v2 =	vld [tilespmem:$0x1FF80]  }
0x2f8: {  	s31 =	sadd.s32 $0x1, s31;
	v6 =	vld [tilespmem:$0x1FF90]  }
0x2f9: {  	p1 =	sne.s32 s31, s14;
	v7 =	vld [tilespmem:$0x1FFA0]  }
.Ltmp4:
0x2fa: {  	v8 =	vld [tilespmem:$0x1FFB0];
	(pc) =	sbr.rel @p1 .LBB2_1-.Ltmp4, $4  }
0x2fb: {  	v12 =	vld [tilespmem:$0x1FFF0]  }
0x2fc: {  	v9 =	vld [tilespmem:$0x1FFC0]  }
0x2fd: {  	[sflag:s20] =	ssyncset.done $0x0;
	v10 =	vld [tilespmem:$0x1FFD0]  }
0x2fe: {  	v0 =	vlaneseq.u32;
	v11 =	vld [tilespmem:$0x1FFE0];
	[sflag:s20] =	ssyncadd.s32 $0xFFFFFF80  }
0x2ff: {  	_ =	sfence.sel $0x180000  }
0x300: {  	[bflag:$0x0] =	sbarrier.arrive $0xFFFF  }
0x301: {  	_ =	strace $0x90000047  }
0x302: {  	s0 =	stileid.u32;
	[bflag:$0x2] =	sbarrier.arrive $0xFFFF  }
0x303: {  	p0 =	sne.s32 s0, $0x0;
	s0 =	rddreg [dreg:$0x5]  }
0x304: {  	s0 =	sadd.s32 @!p0 $0x100000, s0  }
0x305: {  	[sflag:s0] =	ssyncadd.tile.s32 @!p0 $0x1;
	_ =	shalt  }
.Lfunc_end2:
_tile_overlayer_lowered:
.L_overlay_start_2:
0x306: {  	(tag) =	ssettag $0x2  }
0x307: {  	s0 =	rddreg [dreg:$0x0];
	s2 =	stileid.u32  }
0x308: {  	s1 =	rddreg [dreg:$0x1];
	p0 =	sne.s32 s2, $0x0  }
0x309: {  	s3 =	rddreg [dreg:$0x2];
	[bflag:$0x3] =	sbarrier.arrive $0xFFFF;
	s2 =	simm.s32 @!p0 $0x1C03  }
0x30a: {  	[timem:s3], [sflag:s2] =	dma.local @!p0 [hbm:s0], s1  }
0x30b: {  	s0 =	simm.s32 @!p0 $0x3  }
0x30c: {  	_ =	swait.ge @!p0 [sflag:s0], s1  }
0x30d: {  	s1 =	ssub.s32 @!p0 $0x0, s1;
	[sflag:s0] =	ssyncset.done @!p0 $0x0  }
0x30e: {  	[sflag:s0] =	ssyncadd.s32 @!p0 s1  }
0x30f: {  	[bflag:$0x3] =	sbarrier.arrive $0xFFFF  }
0x310: {  	_ =	shalt  }

</sc_bundles>
